<compile_context>
chip_gen: v7x
topology: tpu7x:2x2x1
jax: 0.10.2.dev20260603
libtpu: 0.0.44.dev20260713+nightly
codegen_flags: <defaults>
</compile_context>

<pallas_src>
import functools

import jax
import jax.numpy as jnp
from jax import lax
from jax.experimental import pallas as pl
from jax.experimental.pallas import tpu as pltpu
from jax.experimental.pallas import tpu_sc as plsc

C = 192
GS = 8
P = GS * GS
N = 2304
K = 3
SCALE = C ** (-0.5)
ROWB = 64
WB = 16
NW = 32
NB = N // NW
ROWF = P * C


def _pool_body(xw_ref, dsx_ref):
    dsx_ref[...] = jnp.max(xw_ref[...], axis=1)


def _pool(xw):
    return pl.pallas_call(
        _pool_body,
        grid=(N // ROWB,),
        in_specs=[pl.BlockSpec((ROWB, P, C), lambda i: (i, 0, 0))],
        out_specs=pl.BlockSpec((ROWB, C), lambda i: (i, 0)),
        out_shape=jax.ShapeDtypeStruct((N, C), jnp.float32),
    )(xw)


def _topk_body(dsx_blk_ref, dsx_all_ref, w_ref, idx_ref):
    s = lax.dot_general(
        dsx_blk_ref[...], dsx_all_ref[...],
        (((1,), (1,)), ((), ())),
        preferred_element_type=jnp.float32)
    iota = lax.broadcasted_iota(jnp.int32, s.shape, 1)
    scores, idxs = [], []
    for _ in range(K):
        m = jnp.max(s, axis=1, keepdims=True)
        sel = jnp.min(jnp.where(s == m, iota, N), axis=1, keepdims=True)
        scores.append(m)
        idxs.append(sel)
        s = jnp.where(iota == sel, -jnp.inf, s)
    sc = jnp.concatenate(scores, axis=1)
    e = jnp.exp(sc - sc[:, :1])
    w_ref[...] = e / jnp.sum(e, axis=1, keepdims=True)
    idx_ref[...] = jnp.concatenate(idxs, axis=1)


def _topk(dsx):
    return pl.pallas_call(
        _topk_body,
        grid=(N // ROWB,),
        in_specs=[
            pl.BlockSpec((ROWB, C), lambda i: (i, 0)),
            pl.BlockSpec((N, C), lambda i: (0, 0)),
        ],
        out_specs=[
            pl.BlockSpec((ROWB, K), lambda i: (i, 0)),
            pl.BlockSpec((ROWB, K), lambda i: (i, 0)),
        ],
        out_shape=[
            jax.ShapeDtypeStruct((N, K), jnp.float32),
            jax.ShapeDtypeStruct((N, K), jnp.int32),
        ],
    )(dsx, dsx)


def _sc_ctx_body(xw_hbm, idxp_hbm, w3_hbm, ctx_hbm, ix_a, ix_b, wv,
                 rows_a, rows_b, out_a, out_b,
                 fsem_a, fsem_b, gsem_a, gsem_b, osem_a, osem_b):
    wid = lax.axis_index("s") * 2 + lax.axis_index("c")
    base = wid * NB
    pltpu.sync_copy(w3_hbm.at[wid], wv)

    def fetch_start(i, ix, fsem):
        pltpu.async_copy(idxp_hbm.at[wid, i, pl.ds(0, 4)], ix, fsem)

    def fetch_wait(ix, fsem):
        pltpu.make_async_copy(idxp_hbm.at[0, 0, pl.ds(0, 4)], ix,
                              fsem).wait()

    def gather_start(ix, rows, gsem):
        pltpu.async_copy(xw_hbm.at[ix], rows, gsem)

    def gather_wait(rows, gsem):
        pltpu.make_async_copy(xw_hbm.at[pl.ds(0, 4)], rows, gsem).wait()

    def combine(i, rows, out):
        w0 = wv[pl.ds(K * 16 * i, 16)]
        w1 = wv[pl.ds(K * 16 * i + 16, 16)]
        w2 = wv[pl.ds(K * 16 * i + 32, 16)]

        def chunk(j, c2):
            sl = pl.ds(j * 16, 16)
            out[sl] = (rows[0, sl] * w0 + rows[1, sl] * w1
                       + rows[2, sl] * w2)
            return c2

        lax.fori_loop(0, ROWF // 16, chunk, 0, unroll=8)

    def out_start(i, out, osem):
        pltpu.async_copy(out, ctx_hbm.at[base + i], osem)

    def out_wait(out, osem):
        pltpu.make_async_copy(out, ctx_hbm.at[0], osem).wait()

    pltpu.sync_copy(idxp_hbm.at[wid, 0, pl.ds(0, 4)], ix_a)
    gather_start(ix_a, rows_a, gsem_a)
    fetch_start(1, ix_b, fsem_b)
    ng = NB // 2

    def body(g, carry):
        ia = 2 * g
        ib = 2 * g + 1
        fetch_wait(ix_b, fsem_b)
        gather_start(ix_b, rows_b, gsem_b)
        gather_wait(rows_a, gsem_a)

        @pl.when(g < ng - 1)
        def _():
            fetch_start(ia + 2, ix_a, fsem_a)

        @pl.when(g > 0)
        def _():
            out_wait(out_a, osem_a)

        combine(ia, rows_a, out_a)
        out_start(ia, out_a, osem_a)

        @pl.when(g < ng - 1)
        def _():
            fetch_wait(ix_a, fsem_a)
            gather_start(ix_a, rows_a, gsem_a)

        gather_wait(rows_b, gsem_b)

        @pl.when(g > 0)
        def _():
            out_wait(out_b, osem_b)

        combine(ib, rows_b, out_b)
        out_start(ib, out_b, osem_b)

        @pl.when(g < ng - 1)
        def _():
            fetch_start(ib + 2, ix_b, fsem_b)

        return carry

    lax.fori_loop(0, ng, body, 0)
    out_wait(out_a, osem_a)
    out_wait(out_b, osem_b)


def _sc_ctx(xw2, idxp, w3):
    mesh = plsc.VectorSubcoreMesh(core_axis_name="c", subcore_axis_name="s")
    fn = functools.partial(
        pl.kernel,
        mesh=mesh,
        out_type=jax.ShapeDtypeStruct((N, ROWF), jnp.float32),
        scratch_types=[
            pltpu.VMEM((4,), jnp.int32),
            pltpu.VMEM((4,), jnp.int32),
            pltpu.VMEM((NB * K * 16,), jnp.float32),
            pltpu.VMEM((4, ROWF), jnp.float32),
            pltpu.VMEM((4, ROWF), jnp.float32),
            pltpu.VMEM((ROWF,), jnp.float32),
            pltpu.VMEM((ROWF,), jnp.float32),
            pltpu.SemaphoreType.DMA,
            pltpu.SemaphoreType.DMA,
            pltpu.SemaphoreType.DMA,
            pltpu.SemaphoreType.DMA,
            pltpu.SemaphoreType.DMA,
            pltpu.SemaphoreType.DMA,
        ],
    )(_sc_ctx_body)
    return fn(xw2, idxp, w3)


def _attn_body(xw_ref, ctx_ref, wqt, bq, wkt, bk, wvt, bv, wpt, bp, wl, lb,
               out_ref):
    x3 = xw_ref[...]
    x2 = x3.reshape(WB * P, C)
    c2 = ctx_ref[...].reshape(WB * P, C)
    q = jnp.dot(x2, wqt[...], preferred_element_type=jnp.float32) + bq[...]
    kk = jnp.dot(c2, wkt[...], preferred_element_type=jnp.float32) + bk[...]
    v = jnp.dot(c2, wvt[...], preferred_element_type=jnp.float32) + bv[...]

    pad = jnp.zeros((WB, 16, C), jnp.float32)
    xp = jnp.concatenate([pad, x3, pad], axis=1)
    s_id = lax.broadcasted_iota(jnp.int32, (1, P, 1), 1) % GS
    wlv = wl[...]
    lepe = jnp.zeros((WB, P, C), jnp.float32) + lb[...]
    for dy in range(3):
        for dx in range(3):
            o = (dy - 1) * GS + (dx - 1)
            sl = lax.slice_in_dim(xp, 16 + o, 16 + o + P, axis=1)
            cm = ((s_id + (dx - 1) >= 0) & (s_id + (dx - 1) < GS))
            term = wlv[3 * dy + dx][None, None, :] * sl
            lepe = lepe + jnp.where(cm, term, 0.0)

    q3 = q.reshape(WB, P, C)
    k3 = kk.reshape(WB, P, C)
    v3 = v.reshape(WB, P, C)
    outs = []
    for w in range(WB):
        a = lax.dot_general(q3[w], k3[w], (((1,), (1,)), ((), ())),
                            preferred_element_type=jnp.float32) * SCALE
        a = a - jnp.max(a, axis=1, keepdims=True)
        e = jnp.exp(a)
        p = e / jnp.sum(e, axis=1, keepdims=True)
        outs.append(jnp.dot(p, v3[w], preferred_element_type=jnp.float32))
    ao = jnp.stack(outs, axis=0) + lepe
    res = jnp.dot(ao.reshape(WB * P, C), wpt[...],
                  preferred_element_type=jnp.float32) + bp[...]
    out_ref[...] = res.reshape(WB, P, C)


def _attn(xw, ctx, WqT, bq, WkT, bk, WvT, bv, WpT, bp, wl, lb):
    wspec = pl.BlockSpec((C, C), lambda i: (0, 0))
    bspec = pl.BlockSpec((1, C), lambda i: (0, 0))
    return pl.pallas_call(
        _attn_body,
        grid=(N // WB,),
        in_specs=[
            pl.BlockSpec((WB, P, C), lambda i: (i, 0, 0)),
            pl.BlockSpec((WB, P, C), lambda i: (i, 0, 0)),
            wspec, bspec, wspec, bspec, wspec, bspec, wspec, bspec,
            pl.BlockSpec((9, C), lambda i: (0, 0)),
            pl.BlockSpec((1, 1, C), lambda i: (0, 0, 0)),
        ],
        out_specs=pl.BlockSpec((WB, P, C), lambda i: (i, 0, 0)),
        out_shape=jax.ShapeDtypeStruct((N, P, C), jnp.float32),
    )(xw, ctx, WqT, bq, WkT, bk, WvT, bv, WpT, bp, wl, lb)


def kernel(x, Wq, bq, Wk, bk, Wv, bv, Wp, bp, lepe_w, lepe_b):
    B = x.shape[0]
    gh = x.shape[2] // GS
    gw = x.shape[3] // GS
    xw = jnp.transpose(x, (0, 2, 3, 1)).reshape(B, gh, GS, gw, GS, C)
    xw = jnp.transpose(xw, (0, 1, 3, 2, 4, 5)).reshape(N, P, C)

    dsx = _pool(xw)
    wts, idx = _topk(dsx)

    idxp = jnp.concatenate(
        [idx, jnp.broadcast_to(idx[:, :1], (N, 5))], axis=1).reshape(NW, NB, 8)
    wb16 = jnp.broadcast_to(
        wts.reshape(NW, NB * K, 1), (NW, NB * K, 16)).reshape(NW, NB * K * 16)
    ctx2 = _sc_ctx(xw.reshape(N, ROWF), idxp, wb16)
    ctx = ctx2.reshape(N, P, C)

    wl = jnp.transpose(lepe_w.reshape(C, 9), (1, 0))
    out_w = _attn(xw, ctx, Wq.T, bq[None], Wk.T, bk[None], Wv.T, bv[None],
                  Wp.T, bp[None], wl, lepe_b[None, None])

    out = out_w.reshape(B, gh, gw, GS, GS, C)
    out = jnp.transpose(out, (0, 5, 1, 3, 2, 4)).reshape(
        B, C, gh * GS, gw * GS)
    return out

# --- scband reference (transcript-rebuilt; emitter-appended) ---
"""Pipeline reference for scband-inter-window-attn-40381282517305 (READ-ONLY COPY).

The authoritative reference and input builder live on the scoring server;
editing this copy changes nothing except your own understanding.
"""

import jax, jax.numpy as jnp
import numpy as np

DIM = 192
GS = 8
CS = 64
TOPK = 3
SCALE = DIM ** (-0.5)


def setup_inputs(seed: int = 0) -> dict:
    key = jax.random.key(seed)
    ks = jax.random.split(key, 8)
    x = jax.random.normal(ks[0], (1, DIM, 384, 384), dtype=jnp.float32)

    def lin(k):
        kw, kb = jax.random.split(k)
        W = jax.random.normal(kw, (DIM, DIM), dtype=jnp.float32) * (DIM ** -0.5)
        b = jax.random.normal(kb, (DIM,), dtype=jnp.float32) * 0.01
        return W, b

    Wq, bq = lin(ks[1])
    Wk, bk = lin(ks[2])
    Wv, bv = lin(ks[3])
    Wp, bp = lin(ks[4])
    lepe_w = jax.random.normal(ks[5], (DIM, 1, 3, 3), dtype=jnp.float32) * 0.1
    lepe_b = jax.random.normal(ks[6], (DIM,), dtype=jnp.float32) * 0.01
    return {"x": x, "Wq": Wq, "bq": bq, "Wk": Wk, "bk": bk, "Wv": Wv, "bv": bv,
            "Wp": Wp, "bp": bp, "lepe_w": lepe_w, "lepe_b": lepe_b}


def reference(x, Wq, bq, Wk, bk, Wv, bv, Wp, bp, lepe_w, lepe_b):
    B, C, H, W = x.shape
    gh, gw = H // GS, W // GS
    # adaptive_max_pool2d to (gh, gw): H,W divisible -> uniform 8x8 max pooling
    dsx = x.reshape(B, C, gh, GS, gw, GS).max(axis=(3, 5))  # [B, C, gh, gw]
    itr = (B * gh * gw) // CS
    dsx = jnp.transpose(dsx, (0, 2, 3, 1)).reshape(itr, CS, C)

    # batch_consist_sim_calculate: all-pairs cluster similarity + two-stage topk
    attn_all = jnp.einsum('icd,jed->ijce', dsx, dsx)  # [itr, itr, CS, CS]
    sc, ix = jax.lax.top_k(attn_all, TOPK)            # [itr, itr, CS, K]
    gidx = ix + (jnp.arange(itr) * CS)[None, :, None, None]
    cat_sc = jnp.transpose(sc, (0, 2, 1, 3)).reshape(itr, CS, itr * TOPK)
    cat_ix = jnp.transpose(gidx, (0, 2, 1, 3)).reshape(itr, CS, itr * TOPK)
    fval, sel = jax.lax.top_k(cat_sc, TOPK)
    fidx = jnp.take_along_axis(cat_ix, sel, axis=-1)
    out_score = fval.reshape(itr * CS, TOPK)
    out_index = fidx.reshape(itr * CS, TOPK)

    # window_partition(x.permute(0,2,3,1), GS).flatten(1,2)
    xw = jnp.transpose(x, (0, 2, 3, 1)).reshape(B, gh, GS, gw, GS, C)
    xw = jnp.transpose(xw, (0, 1, 3, 2, 4, 5)).reshape(-1, GS * GS, C)  # [N, P, C]

    w = jax.nn.softmax(out_score, axis=-1)[:, :, None, None]  # [N, K, 1, 1]
    ctx = jnp.zeros_like(xw)
    for k in range(TOPK):
        ctx = ctx + xw[out_index[:, k]] * w[:, k]

    q = xw @ Wq.T + bq
    kk = ctx @ Wk.T + bk
    v = ctx @ Wv.T + bv

    # lepe: depthwise 3x3 conv on each window
    ximg = jnp.transpose(xw.reshape(-1, GS, GS, C), (0, 3, 1, 2))
    lepe = jax.lax.conv_general_dilated(
        ximg, lepe_w, (1, 1), 'SAME', feature_group_count=C,
        dimension_numbers=('NCHW', 'OIHW', 'NCHW')) + lepe_b[None, :, None, None]
    lepe = jnp.transpose(lepe, (0, 2, 3, 1)).reshape(-1, GS * GS, C)

    attn = jnp.einsum('npc,nqc->npq', q, kk) * SCALE
    attn = jax.nn.softmax(attn, axis=-1)
    out = jnp.einsum('npq,nqc->npc', attn, v) + lepe
    out = out @ Wp.T + bp

    out = out.reshape(B, gh, gw, GS, GS, C)
    out = jnp.transpose(out, (0, 5, 1, 3, 2, 4)).reshape(B, C, H, W)
    return out

if __name__ == "__main__":
    import jax
    _d = setup_inputs()
    print(jax.jit(kernel)(*tuple(_d.values())))

</pallas_src>

<mosaic_0001>
#map = affine_map<(d0, d1) -> (0, 0)>
#map1 = affine_map<(d0, d1) -> (0, 0, 0)>
module attributes {stable_mosaic.version = 14 : i64} {
  func.func @_sc_ctx_body(%arg0: i32, %arg1: i32, %arg2: memref<2304x12288xf32, #tpu.memory_space<hbm>>, %arg3: memref<32x72x8xi32, #tpu.memory_space<hbm>>, %arg4: memref<32x3456xf32, #tpu.memory_space<hbm>>, %arg5: memref<2304x12288xf32, #tpu.memory_space<hbm>>, %arg6: memref<4xi32, #tpu.memory_space<vmem>>, %arg7: memref<4xi32, #tpu.memory_space<vmem>>, %arg8: memref<3456xf32, #tpu.memory_space<vmem>>, %arg9: memref<4x12288xf32, #tpu.memory_space<vmem>>, %arg10: memref<4x12288xf32, #tpu.memory_space<vmem>>, %arg11: memref<12288xf32, #tpu.memory_space<vmem>>, %arg12: memref<12288xf32, #tpu.memory_space<vmem>>, %arg13: memref<!tpu.dma_semaphore, #tpu.memory_space<semaphore_mem>>, %arg14: memref<!tpu.dma_semaphore, #tpu.memory_space<semaphore_mem>>, %arg15: memref<!tpu.dma_semaphore, #tpu.memory_space<semaphore_mem>>, %arg16: memref<!tpu.dma_semaphore, #tpu.memory_space<semaphore_mem>>, %arg17: memref<!tpu.dma_semaphore, #tpu.memory_space<semaphore_mem>>, %arg18: memref<!tpu.dma_semaphore, #tpu.memory_space<semaphore_mem>>) attributes {dimension_semantics = [#tpu.dimension_semantics<core_parallel>, #tpu.dimension_semantics<subcore_parallel>], iteration_bounds = array<i64: 2, 16>, scalar_prefetch = 0 : i64, scratch_operands = 13 : i64, tpu.core_type = #tpu.core_type<sc_vector_subcore>, window_params = [{transform_indices = #map}, {transform_indices = #map1}, {transform_indices = #map}, {transform_indices = #map}]} {
    %mul3A = arith.constant 2 : i32
    %mul3A_0 = arith.muli %arg1, %mul3A : i32
    %add3A = arith.addi %mul3A_0, %arg0 : i32
    %mul3A_1 = arith.constant 72 : i32
    %mul3A_2 = arith.muli %add3A, %mul3A_1 : i32
    "tpu.region"() ({
      %run_scoped3A_30 = tpu.sem_alloc : memref<!tpu.dma_semaphore, #tpu.memory_space<semaphore_mem>>
      %dma_start3A_31 = arith.constant 0 : i32
      %dma_start3A_32 = tpu.memref_slice %arg4[%add3A, %dma_start3A_31] : memref<32x3456xf32, #tpu.memory_space<hbm>> -> memref<1x3456xf32, #tpu.memory_space<hbm>>
      %dma_start3A_33 = tpu.memref_squeeze %dma_start3A_32 : memref<1x3456xf32, #tpu.memory_space<hbm>> -> memref<3456xf32, #tpu.memory_space<hbm>>
      %dma_start3A_34 = arith.constant 0 : i32
      %dma_start3A_35 = tpu.memref_slice %arg4[%add3A, %dma_start3A_34] : memref<32x3456xf32, #tpu.memory_space<hbm>> -> memref<1x3456xf32, #tpu.memory_space<hbm>>
      %dma_start3A_36 = tpu.memref_squeeze %dma_start3A_35 : memref<1x3456xf32, #tpu.memory_space<hbm>> -> memref<3456xf32, #tpu.memory_space<hbm>>
      tpu.enqueue_dma source(%dma_start3A_36 : memref<3456xf32, #tpu.memory_space<hbm>>) target(%arg8 : memref<3456xf32, #tpu.memory_space<vmem>>) target_semaphore(%run_scoped3A_30 : memref<!tpu.dma_semaphore, #tpu.memory_space<semaphore_mem>>)
      %dma_wait3A_37 = arith.constant 0 : i32
      %dma_wait3A_38 = tpu.memref_slice %arg4[%add3A, %dma_wait3A_37] : memref<32x3456xf32, #tpu.memory_space<hbm>> -> memref<1x3456xf32, #tpu.memory_space<hbm>>
      %dma_wait3A_39 = tpu.memref_squeeze %dma_wait3A_38 : memref<1x3456xf32, #tpu.memory_space<hbm>> -> memref<3456xf32, #tpu.memory_space<hbm>>
      %dma_wait3A_40 = arith.constant 0 : i32
      %dma_wait3A_41 = tpu.memref_slice %arg4[%add3A, %dma_wait3A_40] : memref<32x3456xf32, #tpu.memory_space<hbm>> -> memref<1x3456xf32, #tpu.memory_space<hbm>>
      %dma_wait3A_42 = tpu.memref_squeeze %dma_wait3A_41 : memref<1x3456xf32, #tpu.memory_space<hbm>> -> memref<3456xf32, #tpu.memory_space<hbm>>
      tpu.wait_dma2 semaphore(%run_scoped3A_30 : memref<!tpu.dma_semaphore, #tpu.memory_space<semaphore_mem>>) src(%dma_wait3A_42 : memref<3456xf32, #tpu.memory_space<hbm>>) dst(%arg8 : memref<3456xf32, #tpu.memory_space<vmem>>)
      tpu.yield
    }) : () -> ()
    %run_scoped3A = arith.constant 0 : i32
    "tpu.region"() ({
      %run_scoped3A_30 = tpu.sem_alloc : memref<!tpu.dma_semaphore, #tpu.memory_space<semaphore_mem>>
      %dma_start3A_31 = arith.constant 0 : i32
      %dma_start3A_32 = tpu.memref_slice %arg3[%add3A, %run_scoped3A, %dma_start3A_31] : memref<32x72x8xi32, #tpu.memory_space<hbm>> -> memref<1x1x4xi32, #tpu.memory_space<hbm>>
      %dma_start3A_33 = tpu.memref_squeeze %dma_start3A_32 : memref<1x1x4xi32, #tpu.memory_space<hbm>> -> memref<4xi32, #tpu.memory_space<hbm>>
      %dma_start3A_34 = arith.constant 0 : i32
      %dma_start3A_35 = tpu.memref_slice %arg3[%add3A, %run_scoped3A, %dma_start3A_34] : memref<32x72x8xi32, #tpu.memory_space<hbm>> -> memref<1x1x4xi32, #tpu.memory_space<hbm>>
      %dma_start3A_36 = tpu.memref_squeeze %dma_start3A_35 : memref<1x1x4xi32, #tpu.memory_space<hbm>> -> memref<4xi32, #tpu.memory_space<hbm>>
      tpu.enqueue_dma source(%dma_start3A_36 : memref<4xi32, #tpu.memory_space<hbm>>) target(%arg6 : memref<4xi32, #tpu.memory_space<vmem>>) target_semaphore(%run_scoped3A_30 : memref<!tpu.dma_semaphore, #tpu.memory_space<semaphore_mem>>)
      %dma_wait3A_37 = arith.constant 0 : i32
      %dma_wait3A_38 = tpu.memref_slice %arg3[%add3A, %run_scoped3A, %dma_wait3A_37] : memref<32x72x8xi32, #tpu.memory_space<hbm>> -> memref<1x1x4xi32, #tpu.memory_space<hbm>>
      %dma_wait3A_39 = tpu.memref_squeeze %dma_wait3A_38 : memref<1x1x4xi32, #tpu.memory_space<hbm>> -> memref<4xi32, #tpu.memory_space<hbm>>
      %dma_wait3A_40 = arith.constant 0 : i32
      %dma_wait3A_41 = tpu.memref_slice %arg3[%add3A, %run_scoped3A, %dma_wait3A_40] : memref<32x72x8xi32, #tpu.memory_space<hbm>> -> memref<1x1x4xi32, #tpu.memory_space<hbm>>
      %dma_wait3A_42 = tpu.memref_squeeze %dma_wait3A_41 : memref<1x1x4xi32, #tpu.memory_space<hbm>> -> memref<4xi32, #tpu.memory_space<hbm>>
      tpu.wait_dma2 semaphore(%run_scoped3A_30 : memref<!tpu.dma_semaphore, #tpu.memory_space<semaphore_mem>>) src(%dma_wait3A_42 : memref<4xi32, #tpu.memory_space<hbm>>) dst(%arg6 : memref<4xi32, #tpu.memory_space<vmem>>)
      tpu.yield
    }) : () -> ()
    %dma_start3A = arith.constant 0 : i32
    %dma_start3A_3 = arith.constant 0 : i32
    %dma_start3A_4 = tpu.memref_slice %arg2[%dma_start3A, %dma_start3A_3] : memref<2304x12288xf32, #tpu.memory_space<hbm>> -> memref<2304x12288xf32, #tpu.memory_space<hbm>>
    tpu.enqueue_indirect_dma source(%dma_start3A_4 : memref<2304x12288xf32, #tpu.memory_space<hbm>>) target(%arg9 : memref<4x12288xf32, #tpu.memory_space<vmem>>) offsets(%arg6 : memref<4xi32, #tpu.memory_space<vmem>>) semaphore(%arg15 : memref<!tpu.dma_semaphore, #tpu.memory_space<semaphore_mem>>)
    %dma_start3A_5 = arith.constant 1 : i32
    %dma_start3A_6 = arith.constant 0 : i32
    %dma_start3A_7 = tpu.memref_slice %arg3[%add3A, %dma_start3A_5, %dma_start3A_6] : memref<32x72x8xi32, #tpu.memory_space<hbm>> -> memref<1x1x4xi32, #tpu.memory_space<hbm>>
    %dma_start3A_8 = tpu.memref_squeeze %dma_start3A_7 : memref<1x1x4xi32, #tpu.memory_space<hbm>> -> memref<4xi32, #tpu.memory_space<hbm>>
    %dma_start3A_9 = arith.constant 0 : i32
    %dma_start3A_10 = tpu.memref_slice %arg3[%add3A, %dma_start3A_5, %dma_start3A_9] : memref<32x72x8xi32, #tpu.memory_space<hbm>> -> memref<1x1x4xi32, #tpu.memory_space<hbm>>
    %dma_start3A_11 = tpu.memref_squeeze %dma_start3A_10 : memref<1x1x4xi32, #tpu.memory_space<hbm>> -> memref<4xi32, #tpu.memory_space<hbm>>
    tpu.enqueue_dma source(%dma_start3A_11 : memref<4xi32, #tpu.memory_space<hbm>>) target(%arg7 : memref<4xi32, #tpu.memory_space<vmem>>) target_semaphore(%arg14 : memref<!tpu.dma_semaphore, #tpu.memory_space<semaphore_mem>>)
    %scan3A = arith.constant 0 : i32
    %scan3A_12 = arith.constant 0 : i32
    %scan3A_13 = arith.constant 36 : i32
    %scan3A_14 = arith.addi %scan3A_12, %scan3A_13 : i32
    %scan3A_15 = arith.constant 1 : i32
    scf.for %scan3A_30 = %scan3A_12 to %scan3A_14 step %scan3A_15  : i32 {
      %mul3A_31 = arith.constant 2 : i32
      %mul3A_32 = arith.muli %mul3A_31, %scan3A_30 : i32
      %mul3A_33 = arith.constant 2 : i32
      %mul3A_34 = arith.muli %mul3A_33, %scan3A_30 : i32
      %add3A_35 = arith.constant 1 : i32
      %add3A_36 = arith.addi %mul3A_34, %add3A_35 : i32
      %dma_wait3A_37 = arith.constant 0 : i32
      %dma_wait3A_38 = arith.constant 0 : i32
      %dma_wait3A_39 = arith.constant 0 : i32
      %dma_wait3A_40 = tpu.memref_slice %arg3[%dma_wait3A_37, %dma_wait3A_38, %dma_wait3A_39] : memref<32x72x8xi32, #tpu.memory_space<hbm>> -> memref<1x1x4xi32, #tpu.memory_space<hbm>>
      %dma_wait3A_41 = tpu.memref_squeeze %dma_wait3A_40 : memref<1x1x4xi32, #tpu.memory_space<hbm>> -> memref<4xi32, #tpu.memory_space<hbm>>
      %dma_wait3A_42 = arith.constant 0 : i32
      %dma_wait3A_43 = tpu.memref_slice %arg3[%dma_wait3A_37, %dma_wait3A_38, %dma_wait3A_42] : memref<32x72x8xi32, #tpu.memory_space<hbm>> -> memref<1x1x4xi32, #tpu.memory_space<hbm>>
      %dma_wait3A_44 = tpu.memref_squeeze %dma_wait3A_43 : memref<1x1x4xi32, #tpu.memory_space<hbm>> -> memref<4xi32, #tpu.memory_space<hbm>>
      tpu.wait_dma2 semaphore(%arg14 : memref<!tpu.dma_semaphore, #tpu.memory_space<semaphore_mem>>) src(%dma_wait3A_44 : memref<4xi32, #tpu.memory_space<hbm>>) dst(%arg7 : memref<4xi32, #tpu.memory_space<vmem>>)
      %dma_start3A_45 = arith.constant 0 : i32
      %dma_start3A_46 = arith.constant 0 : i32
      %dma_start3A_47 = tpu.memref_slice %arg2[%dma_start3A_45, %dma_start3A_46] : memref<2304x12288xf32, #tpu.memory_space<hbm>> -> memref<2304x12288xf32, #tpu.memory_space<hbm>>
      tpu.enqueue_indirect_dma source(%dma_start3A_47 : memref<2304x12288xf32, #tpu.memory_space<hbm>>) target(%arg10 : memref<4x12288xf32, #tpu.memory_space<vmem>>) offsets(%arg7 : memref<4xi32, #tpu.memory_space<vmem>>) semaphore(%arg16 : memref<!tpu.dma_semaphore, #tpu.memory_space<semaphore_mem>>)
      %dma_wait3A_48 = arith.constant 0 : i32
      %dma_wait3A_49 = arith.constant 0 : i32
      %dma_wait3A_50 = tpu.memref_slice %arg2[%dma_wait3A_48, %dma_wait3A_49] : memref<2304x12288xf32, #tpu.memory_space<hbm>> -> memref<4x12288xf32, #tpu.memory_space<hbm>>
      %dma_wait3A_51 = arith.constant 0 : i32
      %dma_wait3A_52 = arith.constant 0 : i32
      %dma_wait3A_53 = tpu.memref_slice %arg2[%dma_wait3A_51, %dma_wait3A_52] : memref<2304x12288xf32, #tpu.memory_space<hbm>> -> memref<4x12288xf32, #tpu.memory_space<hbm>>
      tpu.wait_dma2 semaphore(%arg15 : memref<!tpu.dma_semaphore, #tpu.memory_space<semaphore_mem>>) src(%dma_wait3A_53 : memref<4x12288xf32, #tpu.memory_space<hbm>>) dst(%arg9 : memref<4x12288xf32, #tpu.memory_space<vmem>>)
      %lt3A = arith.constant 35 : i32
      %lt3A_54 = arith.cmpi slt, %scan3A_30, %lt3A : i32
      %convert_element_type3A = arith.extui %lt3A_54 : i1 to i32
      %cond3A = arith.constant 0 : i32
      %cond3A_55 = arith.cmpi ne, %convert_element_type3A, %cond3A : i32
      scf.if %cond3A_55 {
        %add3A_144 = arith.constant 2 : i32
        %add3A_145 = arith.addi %mul3A_32, %add3A_144 : i32
        %dma_start3A_146 = arith.constant 0 : i32
        %dma_start3A_147 = tpu.memref_slice %arg3[%add3A, %add3A_145, %dma_start3A_146] : memref<32x72x8xi32, #tpu.memory_space<hbm>> -> memref<1x1x4xi32, #tpu.memory_space<hbm>>
        %dma_start3A_148 = tpu.memref_squeeze %dma_start3A_147 : memref<1x1x4xi32, #tpu.memory_space<hbm>> -> memref<4xi32, #tpu.memory_space<hbm>>
        %dma_start3A_149 = arith.constant 0 : i32
        %dma_start3A_150 = tpu.memref_slice %arg3[%add3A, %add3A_145, %dma_start3A_149] : memref<32x72x8xi32, #tpu.memory_space<hbm>> -> memref<1x1x4xi32, #tpu.memory_space<hbm>>
        %dma_start3A_151 = tpu.memref_squeeze %dma_start3A_150 : memref<1x1x4xi32, #tpu.memory_space<hbm>> -> memref<4xi32, #tpu.memory_space<hbm>>
        tpu.enqueue_dma source(%dma_start3A_151 : memref<4xi32, #tpu.memory_space<hbm>>) target(%arg6 : memref<4xi32, #tpu.memory_space<vmem>>) target_semaphore(%arg13 : memref<!tpu.dma_semaphore, #tpu.memory_space<semaphore_mem>>)
      } else {
      }
      %gt3A = arith.constant 0 : i32
      %gt3A_56 = arith.cmpi sgt, %scan3A_30, %gt3A : i32
      %convert_element_type3A_57 = arith.extui %gt3A_56 : i1 to i32
      %cond3A_58 = arith.constant 0 : i32
      %cond3A_59 = arith.cmpi ne, %convert_element_type3A_57, %cond3A_58 : i32
      scf.if %cond3A_59 {
        %dma_wait3A_144 = arith.constant 0 : i32
        %dma_wait3A_145 = arith.constant 0 : i32
        %dma_wait3A_146 = tpu.memref_slice %arg5[%dma_wait3A_144, %dma_wait3A_145] : memref<2304x12288xf32, #tpu.memory_space<hbm>> -> memref<1x12288xf32, #tpu.memory_space<hbm>>
        %dma_wait3A_147 = tpu.memref_squeeze %dma_wait3A_146 : memref<1x12288xf32, #tpu.memory_space<hbm>> -> memref<12288xf32, #tpu.memory_space<hbm>>
        %dma_wait3A_148 = arith.constant 0 : i32
        %dma_wait3A_149 = tpu.memref_slice %arg5[%dma_wait3A_144, %dma_wait3A_148] : memref<2304x12288xf32, #tpu.memory_space<hbm>> -> memref<1x12288xf32, #tpu.memory_space<hbm>>
        %dma_wait3A_150 = tpu.memref_squeeze %dma_wait3A_149 : memref<1x12288xf32, #tpu.memory_space<hbm>> -> memref<12288xf32, #tpu.memory_space<hbm>>
        tpu.wait_dma2 semaphore(%arg17 : memref<!tpu.dma_semaphore, #tpu.memory_space<semaphore_mem>>) src(%arg11 : memref<12288xf32, #tpu.memory_space<vmem>>) dst(%dma_wait3A_150 : memref<12288xf32, #tpu.memory_space<hbm>>)
      } else {
      }
      %mul3A_60 = arith.constant 48 : i32
      %mul3A_61 = arith.muli %mul3A_60, %mul3A_32 : i32
      %get3A = arith.index_cast %mul3A_61 : i32 to index
      %get3A_62 = tpu.vector_load %arg8[%get3A] {strides = array<i32>} : memref<3456xf32, #tpu.memory_space<vmem>>, vector<16xf32>,
      %get3A_63 = vector.shape_cast %get3A_62 : vector<16xf32> to vector<16xf32>
      %mul3A_64 = arith.constant 48 : i32
      %mul3A_65 = arith.muli %mul3A_64, %mul3A_32 : i32
      %add3A_66 = arith.constant 16 : i32
      %add3A_67 = arith.addi %mul3A_65, %add3A_66 : i32
      %get3A_68 = arith.index_cast %add3A_67 : i32 to index
      %get3A_69 = tpu.vector_load %arg8[%get3A_68] {strides = array<i32>} : memref<3456xf32, #tpu.memory_space<vmem>>, vector<16xf32>,
      %get3A_70 = vector.shape_cast %get3A_69 : vector<16xf32> to vector<16xf32>
      %mul3A_71 = arith.constant 48 : i32
      %mul3A_72 = arith.muli %mul3A_71, %mul3A_32 : i32
      %add3A_73 = arith.constant 32 : i32
      %add3A_74 = arith.addi %mul3A_72, %add3A_73 : i32
      %get3A_75 = arith.index_cast %add3A_74 : i32 to index
      %get3A_76 = tpu.vector_load %arg8[%get3A_75] {strides = array<i32>} : memref<3456xf32, #tpu.memory_space<vmem>>, vector<16xf32>,
      %get3A_77 = vector.shape_cast %get3A_76 : vector<16xf32> to vector<16xf32>
      %scan3A_78 = arith.constant 0 : i32
      %scan3A_79 = arith.constant 0 : i32
      %scan3A_80 = arith.constant 768 : i32
      %scan3A_81 = arith.addi %scan3A_79, %scan3A_80 : i32
      %scan3A_82 = arith.constant 8 : i32
      scf.for %scan3A_144 = %scan3A_79 to %scan3A_81 step %scan3A_82  : i32 {
        %mul3A_145 = arith.constant 16 : i32
        %mul3A_146 = arith.muli %scan3A_144, %mul3A_145 : i32
        %get3A_147 = arith.constant 0 : i32
        %get3A_148 = arith.index_cast %get3A_147 : i32 to index
        %get3A_149 = arith.index_cast %mul3A_146 : i32 to index
        %get3A_150 = tpu.vector_load %arg9[%get3A_148, %get3A_149] {strides = array<i32>} : memref<4x12288xf32, #tpu.memory_space<vmem>>, vector<1x16xf32>,
        %get3A_151 = vector.shape_cast %get3A_150 : vector<1x16xf32> to vector<16xf32>
        %mul3A_152 = arith.mulf %get3A_151, %get3A_63 : vector<16xf32>
        %get3A_153 = arith.constant 1 : i32
        %get3A_154 = arith.index_cast %get3A_153 : i32 to index
        %get3A_155 = arith.index_cast %mul3A_146 : i32 to index
        %get3A_156 = tpu.vector_load %arg9[%get3A_154, %get3A_155] {strides = array<i32>} : memref<4x12288xf32, #tpu.memory_space<vmem>>, vector<1x16xf32>,
        %get3A_157 = vector.shape_cast %get3A_156 : vector<1x16xf32> to vector<16xf32>
        %mul3A_158 = arith.mulf %get3A_157, %get3A_70 : vector<16xf32>
        %add3A_159 = arith.addf %mul3A_152, %mul3A_158 : vector<16xf32>
        %get3A_160 = arith.constant 2 : i32
        %get3A_161 = arith.index_cast %get3A_160 : i32 to index
        %get3A_162 = arith.index_cast %mul3A_146 : i32 to index
        %get3A_163 = tpu.vector_load %arg9[%get3A_161, %get3A_162] {strides = array<i32>} : memref<4x12288xf32, #tpu.memory_space<vmem>>, vector<1x16xf32>,
        %get3A_164 = vector.shape_cast %get3A_163 : vector<1x16xf32> to vector<16xf32>
        %mul3A_165 = arith.mulf %get3A_164, %get3A_77 : vector<16xf32>
        %add3A_166 = arith.addf %add3A_159, %mul3A_165 : vector<16xf32>
        %swap3A = arith.index_cast %mul3A_146 : i32 to index
        %swap3A_167 = tpu.vector_load %arg11[%swap3A] {strides = array<i32>} : memref<12288xf32, #tpu.memory_space<vmem>>, vector<16xf32>,
        %swap3A_168 = vector.shape_cast %swap3A_167 : vector<16xf32> to vector<16xf32>
        %swap3A_169 = vector.shape_cast %add3A_166 : vector<16xf32> to vector<16xf32>
        tpu.vector_store %arg11[%swap3A], %swap3A_169 {strides = array<i32>} : memref<12288xf32, #tpu.memory_space<vmem>>, vector<16xf32>,
        %scan3A_170 = arith.constant 1 : i32
        %scan3A_171 = arith.addi %scan3A_144, %scan3A_170 : i32
        %mul3A_172 = arith.constant 16 : i32
        %mul3A_173 = arith.muli %scan3A_171, %mul3A_172 : i32
        %get3A_174 = arith.constant 0 : i32
        %get3A_175 = arith.index_cast %get3A_174 : i32 to index
        %get3A_176 = arith.index_cast %mul3A_173 : i32 to index
        %get3A_177 = tpu.vector_load %arg9[%get3A_175, %get3A_176] {strides = array<i32>} : memref<4x12288xf32, #tpu.memory_space<vmem>>, vector<1x16xf32>,
        %get3A_178 = vector.shape_cast %get3A_177 : vector<1x16xf32> to vector<16xf32>
        %mul3A_179 = arith.mulf %get3A_178, %get3A_63 : vector<16xf32>
        %get3A_180 = arith.constant 1 : i32
        %get3A_181 = arith.index_cast %get3A_180 : i32 to index
        %get3A_182 = arith.index_cast %mul3A_173 : i32 to index
        %get3A_183 = tpu.vector_load %arg9[%get3A_181, %get3A_182] {strides = array<i32>} : memref<4x12288xf32, #tpu.memory_space<vmem>>, vector<1x16xf32>,
        %get3A_184 = vector.shape_cast %get3A_183 : vector<1x16xf32> to vector<16xf32>
        %mul3A_185 = arith.mulf %get3A_184, %get3A_70 : vector<16xf32>
        %add3A_186 = arith.addf %mul3A_179, %mul3A_185 : vector<16xf32>
        %get3A_187 = arith.constant 2 : i32
        %get3A_188 = arith.index_cast %get3A_187 : i32 to index
        %get3A_189 = arith.index_cast %mul3A_173 : i32 to index
        %get3A_190 = tpu.vector_load %arg9[%get3A_188, %get3A_189] {strides = array<i32>} : memref<4x12288xf32, #tpu.memory_space<vmem>>, vector<1x16xf32>,
        %get3A_191 = vector.shape_cast %get3A_190 : vector<1x16xf32> to vector<16xf32>
        %mul3A_192 = arith.mulf %get3A_191, %get3A_77 : vector<16xf32>
        %add3A_193 = arith.addf %add3A_186, %mul3A_192 : vector<16xf32>
        %swap3A_194 = arith.index_cast %mul3A_173 : i32 to index
        %swap3A_195 = tpu.vector_load %arg11[%swap3A_194] {strides = array<i32>} : memref<12288xf32, #tpu.memory_space<vmem>>, vector<16xf32>,
        %swap3A_196 = vector.shape_cast %swap3A_195 : vector<16xf32> to vector<16xf32>
        %swap3A_197 = vector.shape_cast %add3A_193 : vector<16xf32> to vector<16xf32>
        tpu.vector_store %arg11[%swap3A_194], %swap3A_197 {strides = array<i32>} : memref<12288xf32, #tpu.memory_space<vmem>>, vector<16xf32>,
        %scan3A_198 = arith.constant 2 : i32
        %scan3A_199 = arith.addi %scan3A_144, %scan3A_198 : i32
        %mul3A_200 = arith.constant 16 : i32
        %mul3A_201 = arith.muli %scan3A_199, %mul3A_200 : i32
        %get3A_202 = arith.constant 0 : i32
        %get3A_203 = arith.index_cast %get3A_202 : i32 to index
        %get3A_204 = arith.index_cast %mul3A_201 : i32 to index
        %get3A_205 = tpu.vector_load %arg9[%get3A_203, %get3A_204] {strides = array<i32>} : memref<4x12288xf32, #tpu.memory_space<vmem>>, vector<1x16xf32>,
        %get3A_206 = vector.shape_cast %get3A_205 : vector<1x16xf32> to vector<16xf32>
        %mul3A_207 = arith.mulf %get3A_206, %get3A_63 : vector<16xf32>
        %get3A_208 = arith.constant 1 : i32
        %get3A_209 = arith.index_cast %get3A_208 : i32 to index
        %get3A_210 = arith.index_cast %mul3A_201 : i32 to index
        %get3A_211 = tpu.vector_load %arg9[%get3A_209, %get3A_210] {strides = array<i32>} : memref<4x12288xf32, #tpu.memory_space<vmem>>, vector<1x16xf32>,
        %get3A_212 = vector.shape_cast %get3A_211 : vector<1x16xf32> to vector<16xf32>
        %mul3A_213 = arith.mulf %get3A_212, %get3A_70 : vector<16xf32>
        %add3A_214 = arith.addf %mul3A_207, %mul3A_213 : vector<16xf32>
        %get3A_215 = arith.constant 2 : i32
        %get3A_216 = arith.index_cast %get3A_215 : i32 to index
        %get3A_217 = arith.index_cast %mul3A_201 : i32 to index
        %get3A_218 = tpu.vector_load %arg9[%get3A_216, %get3A_217] {strides = array<i32>} : memref<4x12288xf32, #tpu.memory_space<vmem>>, vector<1x16xf32>,
        %get3A_219 = vector.shape_cast %get3A_218 : vector<1x16xf32> to vector<16xf32>
        %mul3A_220 = arith.mulf %get3A_219, %get3A_77 : vector<16xf32>
        %add3A_221 = arith.addf %add3A_214, %mul3A_220 : vector<16xf32>
        %swap3A_222 = arith.index_cast %mul3A_201 : i32 to index
        %swap3A_223 = tpu.vector_load %arg11[%swap3A_222] {strides = array<i32>} : memref<12288xf32, #tpu.memory_space<vmem>>, vector<16xf32>,
        %swap3A_224 = vector.shape_cast %swap3A_223 : vector<16xf32> to vector<16xf32>
        %swap3A_225 = vector.shape_cast %add3A_221 : vector<16xf32> to vector<16xf32>
        tpu.vector_store %arg11[%swap3A_222], %swap3A_225 {strides = array<i32>} : memref<12288xf32, #tpu.memory_space<vmem>>, vector<16xf32>,
        %scan3A_226 = arith.constant 3 : i32
        %scan3A_227 = arith.addi %scan3A_144, %scan3A_226 : i32
        %mul3A_228 = arith.constant 16 : i32
        %mul3A_229 = arith.muli %scan3A_227, %mul3A_228 : i32
        %get3A_230 = arith.constant 0 : i32
        %get3A_231 = arith.index_cast %get3A_230 : i32 to index
        %get3A_232 = arith.index_cast %mul3A_229 : i32 to index
        %get3A_233 = tpu.vector_load %arg9[%get3A_231, %get3A_232] {strides = array<i32>} : memref<4x12288xf32, #tpu.memory_space<vmem>>, vector<1x16xf32>,
        %get3A_234 = vector.shape_cast %get3A_233 : vector<1x16xf32> to vector<16xf32>
        %mul3A_235 = arith.mulf %get3A_234, %get3A_63 : vector<16xf32>
        %get3A_236 = arith.constant 1 : i32
        %get3A_237 = arith.index_cast %get3A_236 : i32 to index
        %get3A_238 = arith.index_cast %mul3A_229 : i32 to index
        %get3A_239 = tpu.vector_load %arg9[%get3A_237, %get3A_238] {strides = array<i32>} : memref<4x12288xf32, #tpu.memory_space<vmem>>, vector<1x16xf32>,
        %get3A_240 = vector.shape_cast %get3A_239 : vector<1x16xf32> to vector<16xf32>
        %mul3A_241 = arith.mulf %get3A_240, %get3A_70 : vector<16xf32>
        %add3A_242 = arith.addf %mul3A_235, %mul3A_241 : vector<16xf32>
        %get3A_243 = arith.constant 2 : i32
        %get3A_244 = arith.index_cast %get3A_243 : i32 to index
        %get3A_245 = arith.index_cast %mul3A_229 : i32 to index
        %get3A_246 = tpu.vector_load %arg9[%get3A_244, %get3A_245] {strides = array<i32>} : memref<4x12288xf32, #tpu.memory_space<vmem>>, vector<1x16xf32>,
        %get3A_247 = vector.shape_cast %get3A_246 : vector<1x16xf32> to vector<16xf32>
        %mul3A_248 = arith.mulf %get3A_247, %get3A_77 : vector<16xf32>
        %add3A_249 = arith.addf %add3A_242, %mul3A_248 : vector<16xf32>
        %swap3A_250 = arith.index_cast %mul3A_229 : i32 to index
        %swap3A_251 = tpu.vector_load %arg11[%swap3A_250] {strides = array<i32>} : memref<12288xf32, #tpu.memory_space<vmem>>, vector<16xf32>,
        %swap3A_252 = vector.shape_cast %swap3A_251 : vector<16xf32> to vector<16xf32>
        %swap3A_253 = vector.shape_cast %add3A_249 : vector<16xf32> to vector<16xf32>
        tpu.vector_store %arg11[%swap3A_250], %swap3A_253 {strides = array<i32>} : memref<12288xf32, #tpu.memory_space<vmem>>, vector<16xf32>,
        %scan3A_254 = arith.constant 4 : i32
        %scan3A_255 = arith.addi %scan3A_144, %scan3A_254 : i32
        %mul3A_256 = arith.constant 16 : i32
        %mul3A_257 = arith.muli %scan3A_255, %mul3A_256 : i32
        %get3A_258 = arith.constant 0 : i32
        %get3A_259 = arith.index_cast %get3A_258 : i32 to index
        %get3A_260 = arith.index_cast %mul3A_257 : i32 to index
        %get3A_261 = tpu.vector_load %arg9[%get3A_259, %get3A_260] {strides = array<i32>} : memref<4x12288xf32, #tpu.memory_space<vmem>>, vector<1x16xf32>,
        %get3A_262 = vector.shape_cast %get3A_261 : vector<1x16xf32> to vector<16xf32>
        %mul3A_263 = arith.mulf %get3A_262, %get3A_63 : vector<16xf32>
        %get3A_264 = arith.constant 1 : i32
        %get3A_265 = arith.index_cast %get3A_264 : i32 to index
        %get3A_266 = arith.index_cast %mul3A_257 : i32 to index
        %get3A_267 = tpu.vector_load %arg9[%get3A_265, %get3A_266] {strides = array<i32>} : memref<4x12288xf32, #tpu.memory_space<vmem>>, vector<1x16xf32>,
        %get3A_268 = vector.shape_cast %get3A_267 : vector<1x16xf32> to vector<16xf32>
        %mul3A_269 = arith.mulf %get3A_268, %get3A_70 : vector<16xf32>
        %add3A_270 = arith.addf %mul3A_263, %mul3A_269 : vector<16xf32>
        %get3A_271 = arith.constant 2 : i32
        %get3A_272 = arith.index_cast %get3A_271 : i32 to index
        %get3A_273 = arith.index_cast %mul3A_257 : i32 to index
        %get3A_274 = tpu.vector_load %arg9[%get3A_272, %get3A_273] {strides = array<i32>} : memref<4x12288xf32, #tpu.memory_space<vmem>>, vector<1x16xf32>,
        %get3A_275 = vector.shape_cast %get3A_274 : vector<1x16xf32> to vector<16xf32>
        %mul3A_276 = arith.mulf %get3A_275, %get3A_77 : vector<16xf32>
        %add3A_277 = arith.addf %add3A_270, %mul3A_276 : vector<16xf32>
        %swap3A_278 = arith.index_cast %mul3A_257 : i32 to index
        %swap3A_279 = tpu.vector_load %arg11[%swap3A_278] {strides = array<i32>} : memref<12288xf32, #tpu.memory_space<vmem>>, vector<16xf32>,
        %swap3A_280 = vector.shape_cast %swap3A_279 : vector<16xf32> to vector<16xf32>
        %swap3A_281 = vector.shape_cast %add3A_277 : vector<16xf32> to vector<16xf32>
        tpu.vector_store %arg11[%swap3A_278], %swap3A_281 {strides = array<i32>} : memref<12288xf32, #tpu.memory_space<vmem>>, vector<16xf32>,
        %scan3A_282 = arith.constant 5 : i32
        %scan3A_283 = arith.addi %scan3A_144, %scan3A_282 : i32
        %mul3A_284 = arith.constant 16 : i32
        %mul3A_285 = arith.muli %scan3A_283, %mul3A_284 : i32
        %get3A_286 = arith.constant 0 : i32
        %get3A_287 = arith.index_cast %get3A_286 : i32 to index
        %get3A_288 = arith.index_cast %mul3A_285 : i32 to index
        %get3A_289 = tpu.vector_load %arg9[%get3A_287, %get3A_288] {strides = array<i32>} : memref<4x12288xf32, #tpu.memory_space<vmem>>, vector<1x16xf32>,
        %get3A_290 = vector.shape_cast %get3A_289 : vector<1x16xf32> to vector<16xf32>
        %mul3A_291 = arith.mulf %get3A_290, %get3A_63 : vector<16xf32>
        %get3A_292 = arith.constant 1 : i32
        %get3A_293 = arith.index_cast %get3A_292 : i32 to index
        %get3A_294 = arith.index_cast %mul3A_285 : i32 to index
        %get3A_295 = tpu.vector_load %arg9[%get3A_293, %get3A_294] {strides = array<i32>} : memref<4x12288xf32, #tpu.memory_space<vmem>>, vector<1x16xf32>,
        %get3A_296 = vector.shape_cast %get3A_295 : vector<1x16xf32> to vector<16xf32>
        %mul3A_297 = arith.mulf %get3A_296, %get3A_70 : vector<16xf32>
        %add3A_298 = arith.addf %mul3A_291, %mul3A_297 : vector<16xf32>
        %get3A_299 = arith.constant 2 : i32
        %get3A_300 = arith.index_cast %get3A_299 : i32 to index
        %get3A_301 = arith.index_cast %mul3A_285 : i32 to index
        %get3A_302 = tpu.vector_load %arg9[%get3A_300, %get3A_301] {strides = array<i32>} : memref<4x12288xf32, #tpu.memory_space<vmem>>, vector<1x16xf32>,
        %get3A_303 = vector.shape_cast %get3A_302 : vector<1x16xf32> to vector<16xf32>
        %mul3A_304 = arith.mulf %get3A_303, %get3A_77 : vector<16xf32>
        %add3A_305 = arith.addf %add3A_298, %mul3A_304 : vector<16xf32>
        %swap3A_306 = arith.index_cast %mul3A_285 : i32 to index
        %swap3A_307 = tpu.vector_load %arg11[%swap3A_306] {strides = array<i32>} : memref<12288xf32, #tpu.memory_space<vmem>>, vector<16xf32>,
        %swap3A_308 = vector.shape_cast %swap3A_307 : vector<16xf32> to vector<16xf32>
        %swap3A_309 = vector.shape_cast %add3A_305 : vector<16xf32> to vector<16xf32>
        tpu.vector_store %arg11[%swap3A_306], %swap3A_309 {strides = array<i32>} : memref<12288xf32, #tpu.memory_space<vmem>>, vector<16xf32>,
        %scan3A_310 = arith.constant 6 : i32
        %scan3A_311 = arith.addi %scan3A_144, %scan3A_310 : i32
        %mul3A_312 = arith.constant 16 : i32
        %mul3A_313 = arith.muli %scan3A_311, %mul3A_312 : i32
        %get3A_314 = arith.constant 0 : i32
        %get3A_315 = arith.index_cast %get3A_314 : i32 to index
        %get3A_316 = arith.index_cast %mul3A_313 : i32 to index
        %get3A_317 = tpu.vector_load %arg9[%get3A_315, %get3A_316] {strides = array<i32>} : memref<4x12288xf32, #tpu.memory_space<vmem>>, vector<1x16xf32>,
        %get3A_318 = vector.shape_cast %get3A_317 : vector<1x16xf32> to vector<16xf32>
        %mul3A_319 = arith.mulf %get3A_318, %get3A_63 : vector<16xf32>
        %get3A_320 = arith.constant 1 : i32
        %get3A_321 = arith.index_cast %get3A_320 : i32 to index
        %get3A_322 = arith.index_cast %mul3A_313 : i32 to index
        %get3A_323 = tpu.vector_load %arg9[%get3A_321, %get3A_322] {strides = array<i32>} : memref<4x12288xf32, #tpu.memory_space<vmem>>, vector<1x16xf32>,
        %get3A_324 = vector.shape_cast %get3A_323 : vector<1x16xf32> to vector<16xf32>
        %mul3A_325 = arith.mulf %get3A_324, %get3A_70 : vector<16xf32>
        %add3A_326 = arith.addf %mul3A_319, %mul3A_325 : vector<16xf32>
        %get3A_327 = arith.constant 2 : i32
        %get3A_328 = arith.index_cast %get3A_327 : i32 to index
        %get3A_329 = arith.index_cast %mul3A_313 : i32 to index
        %get3A_330 = tpu.vector_load %arg9[%get3A_328, %get3A_329] {strides = array<i32>} : memref<4x12288xf32, #tpu.memory_space<vmem>>, vector<1x16xf32>,
        %get3A_331 = vector.shape_cast %get3A_330 : vector<1x16xf32> to vector<16xf32>
        %mul3A_332 = arith.mulf %get3A_331, %get3A_77 : vector<16xf32>
        %add3A_333 = arith.addf %add3A_326, %mul3A_332 : vector<16xf32>
        %swap3A_334 = arith.index_cast %mul3A_313 : i32 to index
        %swap3A_335 = tpu.vector_load %arg11[%swap3A_334] {strides = array<i32>} : memref<12288xf32, #tpu.memory_space<vmem>>, vector<16xf32>,
        %swap3A_336 = vector.shape_cast %swap3A_335 : vector<16xf32> to vector<16xf32>
        %swap3A_337 = vector.shape_cast %add3A_333 : vector<16xf32> to vector<16xf32>
        tpu.vector_store %arg11[%swap3A_334], %swap3A_337 {strides = array<i32>} : memref<12288xf32, #tpu.memory_space<vmem>>, vector<16xf32>,
        %scan3A_338 = arith.constant 7 : i32
        %scan3A_339 = arith.addi %scan3A_144, %scan3A_338 : i32
        %mul3A_340 = arith.constant 16 : i32
        %mul3A_341 = arith.muli %scan3A_339, %mul3A_340 : i32
        %get3A_342 = arith.constant 0 : i32
        %get3A_343 = arith.index_cast %get3A_342 : i32 to index
        %get3A_344 = arith.index_cast %mul3A_341 : i32 to index
        %get3A_345 = tpu.vector_load %arg9[%get3A_343, %get3A_344] {strides = array<i32>} : memref<4x12288xf32, #tpu.memory_space<vmem>>, vector<1x16xf32>,
        %get3A_346 = vector.shape_cast %get3A_345 : vector<1x16xf32> to vector<16xf32>
        %mul3A_347 = arith.mulf %get3A_346, %get3A_63 : vector<16xf32>
        %get3A_348 = arith.constant 1 : i32
        %get3A_349 = arith.index_cast %get3A_348 : i32 to index
        %get3A_350 = arith.index_cast %mul3A_341 : i32 to index
        %get3A_351 = tpu.vector_load %arg9[%get3A_349, %get3A_350] {strides = array<i32>} : memref<4x12288xf32, #tpu.memory_space<vmem>>, vector<1x16xf32>,
        %get3A_352 = vector.shape_cast %get3A_351 : vector<1x16xf32> to vector<16xf32>
        %mul3A_353 = arith.mulf %get3A_352, %get3A_70 : vector<16xf32>
        %add3A_354 = arith.addf %mul3A_347, %mul3A_353 : vector<16xf32>
        %get3A_355 = arith.constant 2 : i32
        %get3A_356 = arith.index_cast %get3A_355 : i32 to index
        %get3A_357 = arith.index_cast %mul3A_341 : i32 to index
        %get3A_358 = tpu.vector_load %arg9[%get3A_356, %get3A_357] {strides = array<i32>} : memref<4x12288xf32, #tpu.memory_space<vmem>>, vector<1x16xf32>,
        %get3A_359 = vector.shape_cast %get3A_358 : vector<1x16xf32> to vector<16xf32>
        %mul3A_360 = arith.mulf %get3A_359, %get3A_77 : vector<16xf32>
        %add3A_361 = arith.addf %add3A_354, %mul3A_360 : vector<16xf32>
        %swap3A_362 = arith.index_cast %mul3A_341 : i32 to index
        %swap3A_363 = tpu.vector_load %arg11[%swap3A_362] {strides = array<i32>} : memref<12288xf32, #tpu.memory_space<vmem>>, vector<16xf32>,
        %swap3A_364 = vector.shape_cast %swap3A_363 : vector<16xf32> to vector<16xf32>
        %swap3A_365 = vector.shape_cast %add3A_361 : vector<16xf32> to vector<16xf32>
        tpu.vector_store %arg11[%swap3A_362], %swap3A_365 {strides = array<i32>} : memref<12288xf32, #tpu.memory_space<vmem>>, vector<16xf32>,
      }
      %scan3A_83 = arith.constant 768 : i32
      %add3A_84 = arith.addi %mul3A_2, %mul3A_32 : i32
      %dma_start3A_85 = arith.constant 0 : i32
      %dma_start3A_86 = tpu.memref_slice %arg5[%add3A_84, %dma_start3A_85] : memref<2304x12288xf32, #tpu.memory_space<hbm>> -> memref<1x12288xf32, #tpu.memory_space<hbm>>
      %dma_start3A_87 = tpu.memref_squeeze %dma_start3A_86 : memref<1x12288xf32, #tpu.memory_space<hbm>> -> memref<12288xf32, #tpu.memory_space<hbm>>
      %dma_start3A_88 = arith.constant 0 : i32
      %dma_start3A_89 = tpu.memref_slice %arg5[%add3A_84, %dma_start3A_88] : memref<2304x12288xf32, #tpu.memory_space<hbm>> -> memref<1x12288xf32, #tpu.memory_space<hbm>>
      %dma_start3A_90 = tpu.memref_squeeze %dma_start3A_89 : memref<1x12288xf32, #tpu.memory_space<hbm>> -> memref<12288xf32, #tpu.memory_space<hbm>>
      tpu.enqueue_dma source(%arg11 : memref<12288xf32, #tpu.memory_space<vmem>>) target(%dma_start3A_90 : memref<12288xf32, #tpu.memory_space<hbm>>) target_semaphore(%arg17 : memref<!tpu.dma_semaphore, #tpu.memory_space<semaphore_mem>>)
      %lt3A_91 = arith.constant 35 : i32
      %lt3A_92 = arith.cmpi slt, %scan3A_30, %lt3A_91 : i32
      %convert_element_type3A_93 = arith.extui %lt3A_92 : i1 to i32
      %cond3A_94 = arith.constant 0 : i32
      %cond3A_95 = arith.cmpi ne, %convert_element_type3A_93, %cond3A_94 : i32
      scf.if %cond3A_95 {
        %dma_wait3A_144 = arith.constant 0 : i32
        %dma_wait3A_145 = arith.constant 0 : i32
        %dma_wait3A_146 = arith.constant 0 : i32
        %dma_wait3A_147 = tpu.memref_slice %arg3[%dma_wait3A_144, %dma_wait3A_145, %dma_wait3A_146] : memref<32x72x8xi32, #tpu.memory_space<hbm>> -> memref<1x1x4xi32, #tpu.memory_space<hbm>>
        %dma_wait3A_148 = tpu.memref_squeeze %dma_wait3A_147 : memref<1x1x4xi32, #tpu.memory_space<hbm>> -> memref<4xi32, #tpu.memory_space<hbm>>
        %dma_wait3A_149 = arith.constant 0 : i32
        %dma_wait3A_150 = tpu.memref_slice %arg3[%dma_wait3A_144, %dma_wait3A_145, %dma_wait3A_149] : memref<32x72x8xi32, #tpu.memory_space<hbm>> -> memref<1x1x4xi32, #tpu.memory_space<hbm>>
        %dma_wait3A_151 = tpu.memref_squeeze %dma_wait3A_150 : memref<1x1x4xi32, #tpu.memory_space<hbm>> -> memref<4xi32, #tpu.memory_space<hbm>>
        tpu.wait_dma2 semaphore(%arg13 : memref<!tpu.dma_semaphore, #tpu.memory_space<semaphore_mem>>) src(%dma_wait3A_151 : memref<4xi32, #tpu.memory_space<hbm>>) dst(%arg6 : memref<4xi32, #tpu.memory_space<vmem>>)
        %dma_start3A_152 = arith.constant 0 : i32
        %dma_start3A_153 = arith.constant 0 : i32
        %dma_start3A_154 = tpu.memref_slice %arg2[%dma_start3A_152, %dma_start3A_153] : memref<2304x12288xf32, #tpu.memory_space<hbm>> -> memref<2304x12288xf32, #tpu.memory_space<hbm>>
        tpu.enqueue_indirect_dma source(%dma_start3A_154 : memref<2304x12288xf32, #tpu.memory_space<hbm>>) target(%arg9 : memref<4x12288xf32, #tpu.memory_space<vmem>>) offsets(%arg6 : memref<4xi32, #tpu.memory_space<vmem>>) semaphore(%arg15 : memref<!tpu.dma_semaphore, #tpu.memory_space<semaphore_mem>>)
      } else {
      }
      %dma_wait3A_96 = arith.constant 0 : i32
      %dma_wait3A_97 = arith.constant 0 : i32
      %dma_wait3A_98 = tpu.memref_slice %arg2[%dma_wait3A_96, %dma_wait3A_97] : memref<2304x12288xf32, #tpu.memory_space<hbm>> -> memref<4x12288xf32, #tpu.memory_space<hbm>>
      %dma_wait3A_99 = arith.constant 0 : i32
      %dma_wait3A_100 = arith.constant 0 : i32
      %dma_wait3A_101 = tpu.memref_slice %arg2[%dma_wait3A_99, %dma_wait3A_100] : memref<2304x12288xf32, #tpu.memory_space<hbm>> -> memref<4x12288xf32, #tpu.memory_space<hbm>>
      tpu.wait_dma2 semaphore(%arg16 : memref<!tpu.dma_semaphore, #tpu.memory_space<semaphore_mem>>) src(%dma_wait3A_101 : memref<4x12288xf32, #tpu.memory_space<hbm>>) dst(%arg10 : memref<4x12288xf32, #tpu.memory_space<vmem>>)
      %gt3A_102 = arith.constant 0 : i32
      %gt3A_103 = arith.cmpi sgt, %scan3A_30, %gt3A_102 : i32
      %convert_element_type3A_104 = arith.extui %gt3A_103 : i1 to i32
      %cond3A_105 = arith.constant 0 : i32
      %cond3A_106 = arith.cmpi ne, %convert_element_type3A_104, %cond3A_105 : i32
      scf.if %cond3A_106 {
        %dma_wait3A_144 = arith.constant 0 : i32
        %dma_wait3A_145 = arith.constant 0 : i32
        %dma_wait3A_146 = tpu.memref_slice %arg5[%dma_wait3A_144, %dma_wait3A_145] : memref<2304x12288xf32, #tpu.memory_space<hbm>> -> memref<1x12288xf32, #tpu.memory_space<hbm>>
        %dma_wait3A_147 = tpu.memref_squeeze %dma_wait3A_146 : memref<1x12288xf32, #tpu.memory_space<hbm>> -> memref<12288xf32, #tpu.memory_space<hbm>>
        %dma_wait3A_148 = arith.constant 0 : i32
        %dma_wait3A_149 = tpu.memref_slice %arg5[%dma_wait3A_144, %dma_wait3A_148] : memref<2304x12288xf32, #tpu.memory_space<hbm>> -> memref<1x12288xf32, #tpu.memory_space<hbm>>
        %dma_wait3A_150 = tpu.memref_squeeze %dma_wait3A_149 : memref<1x12288xf32, #tpu.memory_space<hbm>> -> memref<12288xf32, #tpu.memory_space<hbm>>
        tpu.wait_dma2 semaphore(%arg18 : memref<!tpu.dma_semaphore, #tpu.memory_space<semaphore_mem>>) src(%arg12 : memref<12288xf32, #tpu.memory_space<vmem>>) dst(%dma_wait3A_150 : memref<12288xf32, #tpu.memory_space<hbm>>)
      } else {
      }
      %mul3A_107 = arith.constant 48 : i32
      %mul3A_108 = arith.muli %mul3A_107, %add3A_36 : i32
      %get3A_109 = arith.index_cast %mul3A_108 : i32 to index
      %get3A_110 = tpu.vector_load %arg8[%get3A_109] {strides = array<i32>} : memref<3456xf32, #tpu.memory_space<vmem>>, vector<16xf32>,
      %get3A_111 = vector.shape_cast %get3A_110 : vector<16xf32> to vector<16xf32>
      %mul3A_112 = arith.constant 48 : i32
      %mul3A_113 = arith.muli %mul3A_112, %add3A_36 : i32
      %add3A_114 = arith.constant 16 : i32
      %add3A_115 = arith.addi %mul3A_113, %add3A_114 : i32
      %get3A_116 = arith.index_cast %add3A_115 : i32 to index
      %get3A_117 = tpu.vector_load %arg8[%get3A_116] {strides = array<i32>} : memref<3456xf32, #tpu.memory_space<vmem>>, vector<16xf32>,
      %get3A_118 = vector.shape_cast %get3A_117 : vector<16xf32> to vector<16xf32>
      %mul3A_119 = arith.constant 48 : i32
      %mul3A_120 = arith.muli %mul3A_119, %add3A_36 : i32
      %add3A_121 = arith.constant 32 : i32
      %add3A_122 = arith.addi %mul3A_120, %add3A_121 : i32
      %get3A_123 = arith.index_cast %add3A_122 : i32 to index
      %get3A_124 = tpu.vector_load %arg8[%get3A_123] {strides = array<i32>} : memref<3456xf32, #tpu.memory_space<vmem>>, vector<16xf32>,
      %get3A_125 = vector.shape_cast %get3A_124 : vector<16xf32> to vector<16xf32>
      %scan3A_126 = arith.constant 0 : i32
      %scan3A_127 = arith.constant 0 : i32
      %scan3A_128 = arith.constant 768 : i32
      %scan3A_129 = arith.addi %scan3A_127, %scan3A_128 : i32
      %scan3A_130 = arith.constant 8 : i32
      scf.for %scan3A_144 = %scan3A_127 to %scan3A_129 step %scan3A_130  : i32 {
        %mul3A_145 = arith.constant 16 : i32
        %mul3A_146 = arith.muli %scan3A_144, %mul3A_145 : i32
        %get3A_147 = arith.constant 0 : i32
        %get3A_148 = arith.index_cast %get3A_147 : i32 to index
        %get3A_149 = arith.index_cast %mul3A_146 : i32 to index
        %get3A_150 = tpu.vector_load %arg10[%get3A_148, %get3A_149] {strides = array<i32>} : memref<4x12288xf32, #tpu.memory_space<vmem>>, vector<1x16xf32>,
        %get3A_151 = vector.shape_cast %get3A_150 : vector<1x16xf32> to vector<16xf32>
        %mul3A_152 = arith.mulf %get3A_151, %get3A_111 : vector<16xf32>
        %get3A_153 = arith.constant 1 : i32
        %get3A_154 = arith.index_cast %get3A_153 : i32 to index
        %get3A_155 = arith.index_cast %mul3A_146 : i32 to index
        %get3A_156 = tpu.vector_load %arg10[%get3A_154, %get3A_155] {strides = array<i32>} : memref<4x12288xf32, #tpu.memory_space<vmem>>, vector<1x16xf32>,
        %get3A_157 = vector.shape_cast %get3A_156 : vector<1x16xf32> to vector<16xf32>
        %mul3A_158 = arith.mulf %get3A_157, %get3A_118 : vector<16xf32>
        %add3A_159 = arith.addf %mul3A_152, %mul3A_158 : vector<16xf32>
        %get3A_160 = arith.constant 2 : i32
        %get3A_161 = arith.index_cast %get3A_160 : i32 to index
        %get3A_162 = arith.index_cast %mul3A_146 : i32 to index
        %get3A_163 = tpu.vector_load %arg10[%get3A_161, %get3A_162] {strides = array<i32>} : memref<4x12288xf32, #tpu.memory_space<vmem>>, vector<1x16xf32>,
        %get3A_164 = vector.shape_cast %get3A_163 : vector<1x16xf32> to vector<16xf32>
        %mul3A_165 = arith.mulf %get3A_164, %get3A_125 : vector<16xf32>
        %add3A_166 = arith.addf %add3A_159, %mul3A_165 : vector<16xf32>
        %swap3A = arith.index_cast %mul3A_146 : i32 to index
        %swap3A_167 = tpu.vector_load %arg12[%swap3A] {strides = array<i32>} : memref<12288xf32, #tpu.memory_space<vmem>>, vector<16xf32>,
        %swap3A_168 = vector.shape_cast %swap3A_167 : vector<16xf32> to vector<16xf32>
        %swap3A_169 = vector.shape_cast %add3A_166 : vector<16xf32> to vector<16xf32>
        tpu.vector_store %arg12[%swap3A], %swap3A_169 {strides = array<i32>} : memref<12288xf32, #tpu.memory_space<vmem>>, vector<16xf32>,
        %scan3A_170 = arith.constant 1 : i32
        %scan3A_171 = arith.addi %scan3A_144, %scan3A_170 : i32
        %mul3A_172 = arith.constant 16 : i32
        %mul3A_173 = arith.muli %scan3A_171, %mul3A_172 : i32
        %get3A_174 = arith.constant 0 : i32
        %get3A_175 = arith.index_cast %get3A_174 : i32 to index
        %get3A_176 = arith.index_cast %mul3A_173 : i32 to index
        %get3A_177 = tpu.vector_load %arg10[%get3A_175, %get3A_176] {strides = array<i32>} : memref<4x12288xf32, #tpu.memory_space<vmem>>, vector<1x16xf32>,
        %get3A_178 = vector.shape_cast %get3A_177 : vector<1x16xf32> to vector<16xf32>
        %mul3A_179 = arith.mulf %get3A_178, %get3A_111 : vector<16xf32>
        %get3A_180 = arith.constant 1 : i32
        %get3A_181 = arith.index_cast %get3A_180 : i32 to index
        %get3A_182 = arith.index_cast %mul3A_173 : i32 to index
        %get3A_183 = tpu.vector_load %arg10[%get3A_181, %get3A_182] {strides = array<i32>} : memref<4x12288xf32, #tpu.memory_space<vmem>>, vector<1x16xf32>,
        %get3A_184 = vector.shape_cast %get3A_183 : vector<1x16xf32> to vector<16xf32>
        %mul3A_185 = arith.mulf %get3A_184, %get3A_118 : vector<16xf32>
        %add3A_186 = arith.addf %mul3A_179, %mul3A_185 : vector<16xf32>
        %get3A_187 = arith.constant 2 : i32
        %get3A_188 = arith.index_cast %get3A_187 : i32 to index
        %get3A_189 = arith.index_cast %mul3A_173 : i32 to index
        %get3A_190 = tpu.vector_load %arg10[%get3A_188, %get3A_189] {strides = array<i32>} : memref<4x12288xf32, #tpu.memory_space<vmem>>, vector<1x16xf32>,
        %get3A_191 = vector.shape_cast %get3A_190 : vector<1x16xf32> to vector<16xf32>
        %mul3A_192 = arith.mulf %get3A_191, %get3A_125 : vector<16xf32>
        %add3A_193 = arith.addf %add3A_186, %mul3A_192 : vector<16xf32>
        %swap3A_194 = arith.index_cast %mul3A_173 : i32 to index
        %swap3A_195 = tpu.vector_load %arg12[%swap3A_194] {strides = array<i32>} : memref<12288xf32, #tpu.memory_space<vmem>>, vector<16xf32>,
        %swap3A_196 = vector.shape_cast %swap3A_195 : vector<16xf32> to vector<16xf32>
        %swap3A_197 = vector.shape_cast %add3A_193 : vector<16xf32> to vector<16xf32>
        tpu.vector_store %arg12[%swap3A_194], %swap3A_197 {strides = array<i32>} : memref<12288xf32, #tpu.memory_space<vmem>>, vector<16xf32>,
        %scan3A_198 = arith.constant 2 : i32
        %scan3A_199 = arith.addi %scan3A_144, %scan3A_198 : i32
        %mul3A_200 = arith.constant 16 : i32
        %mul3A_201 = arith.muli %scan3A_199, %mul3A_200 : i32
        %get3A_202 = arith.constant 0 : i32
        %get3A_203 = arith.index_cast %get3A_202 : i32 to index
        %get3A_204 = arith.index_cast %mul3A_201 : i32 to index
        %get3A_205 = tpu.vector_load %arg10[%get3A_203, %get3A_204] {strides = array<i32>} : memref<4x12288xf32, #tpu.memory_space<vmem>>, vector<1x16xf32>,
        %get3A_206 = vector.shape_cast %get3A_205 : vector<1x16xf32> to vector<16xf32>
        %mul3A_207 = arith.mulf %get3A_206, %get3A_111 : vector<16xf32>
        %get3A_208 = arith.constant 1 : i32
        %get3A_209 = arith.index_cast %get3A_208 : i32 to index
        %get3A_210 = arith.index_cast %mul3A_201 : i32 to index
        %get3A_211 = tpu.vector_load %arg10[%get3A_209, %get3A_210] {strides = array<i32>} : memref<4x12288xf32, #tpu.memory_space<vmem>>, vector<1x16xf32>,
        %get3A_212 = vector.shape_cast %get3A_211 : vector<1x16xf32> to vector<16xf32>
        %mul3A_213 = arith.mulf %get3A_212, %get3A_118 : vector<16xf32>
        %add3A_214 = arith.addf %mul3A_207, %mul3A_213 : vector<16xf32>
        %get3A_215 = arith.constant 2 : i32
        %get3A_216 = arith.index_cast %get3A_215 : i32 to index
        %get3A_217 = arith.index_cast %mul3A_201 : i32 to index
        %get3A_218 = tpu.vector_load %arg10[%get3A_216, %get3A_217] {strides = array<i32>} : memref<4x12288xf32, #tpu.memory_space<vmem>>, vector<1x16xf32>,
        %get3A_219 = vector.shape_cast %get3A_218 : vector<1x16xf32> to vector<16xf32>
        %mul3A_220 = arith.mulf %get3A_219, %get3A_125 : vector<16xf32>
        %add3A_221 = arith.addf %add3A_214, %mul3A_220 : vector<16xf32>
        %swap3A_222 = arith.index_cast %mul3A_201 : i32 to index
        %swap3A_223 = tpu.vector_load %arg12[%swap3A_222] {strides = array<i32>} : memref<12288xf32, #tpu.memory_space<vmem>>, vector<16xf32>,
        %swap3A_224 = vector.shape_cast %swap3A_223 : vector<16xf32> to vector<16xf32>
        %swap3A_225 = vector.shape_cast %add3A_221 : vector<16xf32> to vector<16xf32>
        tpu.vector_store %arg12[%swap3A_222], %swap3A_225 {strides = array<i32>} : memref<12288xf32, #tpu.memory_space<vmem>>, vector<16xf32>,
        %scan3A_226 = arith.constant 3 : i32
        %scan3A_227 = arith.addi %scan3A_144, %scan3A_226 : i32
        %mul3A_228 = arith.constant 16 : i32
        %mul3A_229 = arith.muli %scan3A_227, %mul3A_228 : i32
        %get3A_230 = arith.constant 0 : i32
        %get3A_231 = arith.index_cast %get3A_230 : i32 to index
        %get3A_232 = arith.index_cast %mul3A_229 : i32 to index
        %get3A_233 = tpu.vector_load %arg10[%get3A_231, %get3A_232] {strides = array<i32>} : memref<4x12288xf32, #tpu.memory_space<vmem>>, vector<1x16xf32>,
        %get3A_234 = vector.shape_cast %get3A_233 : vector<1x16xf32> to vector<16xf32>
        %mul3A_235 = arith.mulf %get3A_234, %get3A_111 : vector<16xf32>
        %get3A_236 = arith.constant 1 : i32
        %get3A_237 = arith.index_cast %get3A_236 : i32 to index
        %get3A_238 = arith.index_cast %mul3A_229 : i32 to index
        %get3A_239 = tpu.vector_load %arg10[%get3A_237, %get3A_238] {strides = array<i32>} : memref<4x12288xf32, #tpu.memory_space<vmem>>, vector<1x16xf32>,
        %get3A_240 = vector.shape_cast %get3A_239 : vector<1x16xf32> to vector<16xf32>
        %mul3A_241 = arith.mulf %get3A_240, %get3A_118 : vector<16xf32>
        %add3A_242 = arith.addf %mul3A_235, %mul3A_241 : vector<16xf32>
        %get3A_243 = arith.constant 2 : i32
        %get3A_244 = arith.index_cast %get3A_243 : i32 to index
        %get3A_245 = arith.index_cast %mul3A_229 : i32 to index
        %get3A_246 = tpu.vector_load %arg10[%get3A_244, %get3A_245] {strides = array<i32>} : memref<4x12288xf32, #tpu.memory_space<vmem>>, vector<1x16xf32>,
        %get3A_247 = vector.shape_cast %get3A_246 : vector<1x16xf32> to vector<16xf32>
        %mul3A_248 = arith.mulf %get3A_247, %get3A_125 : vector<16xf32>
        %add3A_249 = arith.addf %add3A_242, %mul3A_248 : vector<16xf32>
        %swap3A_250 = arith.index_cast %mul3A_229 : i32 to index
        %swap3A_251 = tpu.vector_load %arg12[%swap3A_250] {strides = array<i32>} : memref<12288xf32, #tpu.memory_space<vmem>>, vector<16xf32>,
        %swap3A_252 = vector.shape_cast %swap3A_251 : vector<16xf32> to vector<16xf32>
        %swap3A_253 = vector.shape_cast %add3A_249 : vector<16xf32> to vector<16xf32>
        tpu.vector_store %arg12[%swap3A_250], %swap3A_253 {strides = array<i32>} : memref<12288xf32, #tpu.memory_space<vmem>>, vector<16xf32>,
        %scan3A_254 = arith.constant 4 : i32
        %scan3A_255 = arith.addi %scan3A_144, %scan3A_254 : i32
        %mul3A_256 = arith.constant 16 : i32
        %mul3A_257 = arith.muli %scan3A_255, %mul3A_256 : i32
        %get3A_258 = arith.constant 0 : i32
        %get3A_259 = arith.index_cast %get3A_258 : i32 to index
        %get3A_260 = arith.index_cast %mul3A_257 : i32 to index
        %get3A_261 = tpu.vector_load %arg10[%get3A_259, %get3A_260] {strides = array<i32>} : memref<4x12288xf32, #tpu.memory_space<vmem>>, vector<1x16xf32>,
        %get3A_262 = vector.shape_cast %get3A_261 : vector<1x16xf32> to vector<16xf32>
        %mul3A_263 = arith.mulf %get3A_262, %get3A_111 : vector<16xf32>
        %get3A_264 = arith.constant 1 : i32
        %get3A_265 = arith.index_cast %get3A_264 : i32 to index
        %get3A_266 = arith.index_cast %mul3A_257 : i32 to index
        %get3A_267 = tpu.vector_load %arg10[%get3A_265, %get3A_266] {strides = array<i32>} : memref<4x12288xf32, #tpu.memory_space<vmem>>, vector<1x16xf32>,
        %get3A_268 = vector.shape_cast %get3A_267 : vector<1x16xf32> to vector<16xf32>
        %mul3A_269 = arith.mulf %get3A_268, %get3A_118 : vector<16xf32>
        %add3A_270 = arith.addf %mul3A_263, %mul3A_269 : vector<16xf32>
        %get3A_271 = arith.constant 2 : i32
        %get3A_272 = arith.index_cast %get3A_271 : i32 to index
        %get3A_273 = arith.index_cast %mul3A_257 : i32 to index
        %get3A_274 = tpu.vector_load %arg10[%get3A_272, %get3A_273] {strides = array<i32>} : memref<4x12288xf32, #tpu.memory_space<vmem>>, vector<1x16xf32>,
        %get3A_275 = vector.shape_cast %get3A_274 : vector<1x16xf32> to vector<16xf32>
        %mul3A_276 = arith.mulf %get3A_275, %get3A_125 : vector<16xf32>
        %add3A_277 = arith.addf %add3A_270, %mul3A_276 : vector<16xf32>
        %swap3A_278 = arith.index_cast %mul3A_257 : i32 to index
        %swap3A_279 = tpu.vector_load %arg12[%swap3A_278] {strides = array<i32>} : memref<12288xf32, #tpu.memory_space<vmem>>, vector<16xf32>,
        %swap3A_280 = vector.shape_cast %swap3A_279 : vector<16xf32> to vector<16xf32>
        %swap3A_281 = vector.shape_cast %add3A_277 : vector<16xf32> to vector<16xf32>
        tpu.vector_store %arg12[%swap3A_278], %swap3A_281 {strides = array<i32>} : memref<12288xf32, #tpu.memory_space<vmem>>, vector<16xf32>,
        %scan3A_282 = arith.constant 5 : i32
        %scan3A_283 = arith.addi %scan3A_144, %scan3A_282 : i32
        %mul3A_284 = arith.constant 16 : i32
        %mul3A_285 = arith.muli %scan3A_283, %mul3A_284 : i32
        %get3A_286 = arith.constant 0 : i32
        %get3A_287 = arith.index_cast %get3A_286 : i32 to index
        %get3A_288 = arith.index_cast %mul3A_285 : i32 to index
        %get3A_289 = tpu.vector_load %arg10[%get3A_287, %get3A_288] {strides = array<i32>} : memref<4x12288xf32, #tpu.memory_space<vmem>>, vector<1x16xf32>,
        %get3A_290 = vector.shape_cast %get3A_289 : vector<1x16xf32> to vector<16xf32>
        %mul3A_291 = arith.mulf %get3A_290, %get3A_111 : vector<16xf32>
        %get3A_292 = arith.constant 1 : i32
        %get3A_293 = arith.index_cast %get3A_292 : i32 to index
        %get3A_294 = arith.index_cast %mul3A_285 : i32 to index
        %get3A_295 = tpu.vector_load %arg10[%get3A_293, %get3A_294] {strides = array<i32>} : memref<4x12288xf32, #tpu.memory_space<vmem>>, vector<1x16xf32>,
        %get3A_296 = vector.shape_cast %get3A_295 : vector<1x16xf32> to vector<16xf32>
        %mul3A_297 = arith.mulf %get3A_296, %get3A_118 : vector<16xf32>
        %add3A_298 = arith.addf %mul3A_291, %mul3A_297 : vector<16xf32>
        %get3A_299 = arith.constant 2 : i32
        %get3A_300 = arith.index_cast %get3A_299 : i32 to index
        %get3A_301 = arith.index_cast %mul3A_285 : i32 to index
        %get3A_302 = tpu.vector_load %arg10[%get3A_300, %get3A_301] {strides = array<i32>} : memref<4x12288xf32, #tpu.memory_space<vmem>>, vector<1x16xf32>,
        %get3A_303 = vector.shape_cast %get3A_302 : vector<1x16xf32> to vector<16xf32>
        %mul3A_304 = arith.mulf %get3A_303, %get3A_125 : vector<16xf32>
        %add3A_305 = arith.addf %add3A_298, %mul3A_304 : vector<16xf32>
        %swap3A_306 = arith.index_cast %mul3A_285 : i32 to index
        %swap3A_307 = tpu.vector_load %arg12[%swap3A_306] {strides = array<i32>} : memref<12288xf32, #tpu.memory_space<vmem>>, vector<16xf32>,
        %swap3A_308 = vector.shape_cast %swap3A_307 : vector<16xf32> to vector<16xf32>
        %swap3A_309 = vector.shape_cast %add3A_305 : vector<16xf32> to vector<16xf32>
        tpu.vector_store %arg12[%swap3A_306], %swap3A_309 {strides = array<i32>} : memref<12288xf32, #tpu.memory_space<vmem>>, vector<16xf32>,
        %scan3A_310 = arith.constant 6 : i32
        %scan3A_311 = arith.addi %scan3A_144, %scan3A_310 : i32
        %mul3A_312 = arith.constant 16 : i32
        %mul3A_313 = arith.muli %scan3A_311, %mul3A_312 : i32
        %get3A_314 = arith.constant 0 : i32
        %get3A_315 = arith.index_cast %get3A_314 : i32 to index
        %get3A_316 = arith.index_cast %mul3A_313 : i32 to index
        %get3A_317 = tpu.vector_load %arg10[%get3A_315, %get3A_316] {strides = array<i32>} : memref<4x12288xf32, #tpu.memory_space<vmem>>, vector<1x16xf32>,
        %get3A_318 = vector.shape_cast %get3A_317 : vector<1x16xf32> to vector<16xf32>
        %mul3A_319 = arith.mulf %get3A_318, %get3A_111 : vector<16xf32>
        %get3A_320 = arith.constant 1 : i32
        %get3A_321 = arith.index_cast %get3A_320 : i32 to index
        %get3A_322 = arith.index_cast %mul3A_313 : i32 to index
        %get3A_323 = tpu.vector_load %arg10[%get3A_321, %get3A_322] {strides = array<i32>} : memref<4x12288xf32, #tpu.memory_space<vmem>>, vector<1x16xf32>,
        %get3A_324 = vector.shape_cast %get3A_323 : vector<1x16xf32> to vector<16xf32>
        %mul3A_325 = arith.mulf %get3A_324, %get3A_118 : vector<16xf32>
        %add3A_326 = arith.addf %mul3A_319, %mul3A_325 : vector<16xf32>
        %get3A_327 = arith.constant 2 : i32
        %get3A_328 = arith.index_cast %get3A_327 : i32 to index
        %get3A_329 = arith.index_cast %mul3A_313 : i32 to index
        %get3A_330 = tpu.vector_load %arg10[%get3A_328, %get3A_329] {strides = array<i32>} : memref<4x12288xf32, #tpu.memory_space<vmem>>, vector<1x16xf32>,
        %get3A_331 = vector.shape_cast %get3A_330 : vector<1x16xf32> to vector<16xf32>
        %mul3A_332 = arith.mulf %get3A_331, %get3A_125 : vector<16xf32>
        %add3A_333 = arith.addf %add3A_326, %mul3A_332 : vector<16xf32>
        %swap3A_334 = arith.index_cast %mul3A_313 : i32 to index
        %swap3A_335 = tpu.vector_load %arg12[%swap3A_334] {strides = array<i32>} : memref<12288xf32, #tpu.memory_space<vmem>>, vector<16xf32>,
        %swap3A_336 = vector.shape_cast %swap3A_335 : vector<16xf32> to vector<16xf32>
        %swap3A_337 = vector.shape_cast %add3A_333 : vector<16xf32> to vector<16xf32>
        tpu.vector_store %arg12[%swap3A_334], %swap3A_337 {strides = array<i32>} : memref<12288xf32, #tpu.memory_space<vmem>>, vector<16xf32>,
        %scan3A_338 = arith.constant 7 : i32
        %scan3A_339 = arith.addi %scan3A_144, %scan3A_338 : i32
        %mul3A_340 = arith.constant 16 : i32
        %mul3A_341 = arith.muli %scan3A_339, %mul3A_340 : i32
        %get3A_342 = arith.constant 0 : i32
        %get3A_343 = arith.index_cast %get3A_342 : i32 to index
        %get3A_344 = arith.index_cast %mul3A_341 : i32 to index
        %get3A_345 = tpu.vector_load %arg10[%get3A_343, %get3A_344] {strides = array<i32>} : memref<4x12288xf32, #tpu.memory_space<vmem>>, vector<1x16xf32>,
        %get3A_346 = vector.shape_cast %get3A_345 : vector<1x16xf32> to vector<16xf32>
        %mul3A_347 = arith.mulf %get3A_346, %get3A_111 : vector<16xf32>
        %get3A_348 = arith.constant 1 : i32
        %get3A_349 = arith.index_cast %get3A_348 : i32 to index
        %get3A_350 = arith.index_cast %mul3A_341 : i32 to index
        %get3A_351 = tpu.vector_load %arg10[%get3A_349, %get3A_350] {strides = array<i32>} : memref<4x12288xf32, #tpu.memory_space<vmem>>, vector<1x16xf32>,
        %get3A_352 = vector.shape_cast %get3A_351 : vector<1x16xf32> to vector<16xf32>
        %mul3A_353 = arith.mulf %get3A_352, %get3A_118 : vector<16xf32>
        %add3A_354 = arith.addf %mul3A_347, %mul3A_353 : vector<16xf32>
        %get3A_355 = arith.constant 2 : i32
        %get3A_356 = arith.index_cast %get3A_355 : i32 to index
        %get3A_357 = arith.index_cast %mul3A_341 : i32 to index
        %get3A_358 = tpu.vector_load %arg10[%get3A_356, %get3A_357] {strides = array<i32>} : memref<4x12288xf32, #tpu.memory_space<vmem>>, vector<1x16xf32>,
        %get3A_359 = vector.shape_cast %get3A_358 : vector<1x16xf32> to vector<16xf32>
        %mul3A_360 = arith.mulf %get3A_359, %get3A_125 : vector<16xf32>
        %add3A_361 = arith.addf %add3A_354, %mul3A_360 : vector<16xf32>
        %swap3A_362 = arith.index_cast %mul3A_341 : i32 to index
        %swap3A_363 = tpu.vector_load %arg12[%swap3A_362] {strides = array<i32>} : memref<12288xf32, #tpu.memory_space<vmem>>, vector<16xf32>,
        %swap3A_364 = vector.shape_cast %swap3A_363 : vector<16xf32> to vector<16xf32>
        %swap3A_365 = vector.shape_cast %add3A_361 : vector<16xf32> to vector<16xf32>
        tpu.vector_store %arg12[%swap3A_362], %swap3A_365 {strides = array<i32>} : memref<12288xf32, #tpu.memory_space<vmem>>, vector<16xf32>,
      }
      %scan3A_131 = arith.constant 768 : i32
      %add3A_132 = arith.addi %mul3A_2, %add3A_36 : i32
      %dma_start3A_133 = arith.constant 0 : i32
      %dma_start3A_134 = tpu.memref_slice %arg5[%add3A_132, %dma_start3A_133] : memref<2304x12288xf32, #tpu.memory_space<hbm>> -> memref<1x12288xf32, #tpu.memory_space<hbm>>
      %dma_start3A_135 = tpu.memref_squeeze %dma_start3A_134 : memref<1x12288xf32, #tpu.memory_space<hbm>> -> memref<12288xf32, #tpu.memory_space<hbm>>
      %dma_start3A_136 = arith.constant 0 : i32
      %dma_start3A_137 = tpu.memref_slice %arg5[%add3A_132, %dma_start3A_136] : memref<2304x12288xf32, #tpu.memory_space<hbm>> -> memref<1x12288xf32, #tpu.memory_space<hbm>>
      %dma_start3A_138 = tpu.memref_squeeze %dma_start3A_137 : memref<1x12288xf32, #tpu.memory_space<hbm>> -> memref<12288xf32, #tpu.memory_space<hbm>>
      tpu.enqueue_dma source(%arg12 : memref<12288xf32, #tpu.memory_space<vmem>>) target(%dma_start3A_138 : memref<12288xf32, #tpu.memory_space<hbm>>) target_semaphore(%arg18 : memref<!tpu.dma_semaphore, #tpu.memory_space<semaphore_mem>>)
      %lt3A_139 = arith.constant 35 : i32
      %lt3A_140 = arith.cmpi slt, %scan3A_30, %lt3A_139 : i32
      %convert_element_type3A_141 = arith.extui %lt3A_140 : i1 to i32
      %cond3A_142 = arith.constant 0 : i32
      %cond3A_143 = arith.cmpi ne, %convert_element_type3A_141, %cond3A_142 : i32
      scf.if %cond3A_143 {
        %add3A_144 = arith.constant 2 : i32
        %add3A_145 = arith.addi %add3A_36, %add3A_144 : i32
        %dma_start3A_146 = arith.constant 0 : i32
        %dma_start3A_147 = tpu.memref_slice %arg3[%add3A, %add3A_145, %dma_start3A_146] : memref<32x72x8xi32, #tpu.memory_space<hbm>> -> memref<1x1x4xi32, #tpu.memory_space<hbm>>
        %dma_start3A_148 = tpu.memref_squeeze %dma_start3A_147 : memref<1x1x4xi32, #tpu.memory_space<hbm>> -> memref<4xi32, #tpu.memory_space<hbm>>
        %dma_start3A_149 = arith.constant 0 : i32
        %dma_start3A_150 = tpu.memref_slice %arg3[%add3A, %add3A_145, %dma_start3A_149] : memref<32x72x8xi32, #tpu.memory_space<hbm>> -> memref<1x1x4xi32, #tpu.memory_space<hbm>>
        %dma_start3A_151 = tpu.memref_squeeze %dma_start3A_150 : memref<1x1x4xi32, #tpu.memory_space<hbm>> -> memref<4xi32, #tpu.memory_space<hbm>>
        tpu.enqueue_dma source(%dma_start3A_151 : memref<4xi32, #tpu.memory_space<hbm>>) target(%arg7 : memref<4xi32, #tpu.memory_space<vmem>>) target_semaphore(%arg14 : memref<!tpu.dma_semaphore, #tpu.memory_space<semaphore_mem>>)
      } else {
      }
    }
    %scan3A_16 = arith.constant 36 : i32
    %dma_wait3A = arith.constant 0 : i32
    %dma_wait3A_17 = arith.constant 0 : i32
    %dma_wait3A_18 = tpu.memref_slice %arg5[%dma_wait3A, %dma_wait3A_17] : memref<2304x12288xf32, #tpu.memory_space<hbm>> -> memref<1x12288xf32, #tpu.memory_space<hbm>>
    %dma_wait3A_19 = tpu.memref_squeeze %dma_wait3A_18 : memref<1x12288xf32, #tpu.memory_space<hbm>> -> memref<12288xf32, #tpu.memory_space<hbm>>
    %dma_wait3A_20 = arith.constant 0 : i32
    %dma_wait3A_21 = tpu.memref_slice %arg5[%dma_wait3A, %dma_wait3A_20] : memref<2304x12288xf32, #tpu.memory_space<hbm>> -> memref<1x12288xf32, #tpu.memory_space<hbm>>
    %dma_wait3A_22 = tpu.memref_squeeze %dma_wait3A_21 : memref<1x12288xf32, #tpu.memory_space<hbm>> -> memref<12288xf32, #tpu.memory_space<hbm>>
    tpu.wait_dma2 semaphore(%arg17 : memref<!tpu.dma_semaphore, #tpu.memory_space<semaphore_mem>>) src(%arg11 : memref<12288xf32, #tpu.memory_space<vmem>>) dst(%dma_wait3A_22 : memref<12288xf32, #tpu.memory_space<hbm>>)
    %dma_wait3A_23 = arith.constant 0 : i32
    %dma_wait3A_24 = arith.constant 0 : i32
    %dma_wait3A_25 = tpu.memref_slice %arg5[%dma_wait3A_23, %dma_wait3A_24] : memref<2304x12288xf32, #tpu.memory_space<hbm>> -> memref<1x12288xf32, #tpu.memory_space<hbm>>
    %dma_wait3A_26 = tpu.memref_squeeze %dma_wait3A_25 : memref<1x12288xf32, #tpu.memory_space<hbm>> -> memref<12288xf32, #tpu.memory_space<hbm>>
    %dma_wait3A_27 = arith.constant 0 : i32
    %dma_wait3A_28 = tpu.memref_slice %arg5[%dma_wait3A_23, %dma_wait3A_27] : memref<2304x12288xf32, #tpu.memory_space<hbm>> -> memref<1x12288xf32, #tpu.memory_space<hbm>>
    %dma_wait3A_29 = tpu.memref_squeeze %dma_wait3A_28 : memref<1x12288xf32, #tpu.memory_space<hbm>> -> memref<12288xf32, #tpu.memory_space<hbm>>
    tpu.wait_dma2 semaphore(%arg18 : memref<!tpu.dma_semaphore, #tpu.memory_space<semaphore_mem>>) src(%arg12 : memref<12288xf32, #tpu.memory_space<vmem>>) dst(%dma_wait3A_29 : memref<12288xf32, #tpu.memory_space<hbm>>)
    return
  }
}

module attributes {stable_mosaic.version = 14 : i64} {
  func.func @_pool_body(%arg0: i32, %arg1: memref<64x64x192xf32, #tpu.memory_space<vmem>>, %arg2: memref<64x192xf32, #tpu.memory_space<vmem>>) attributes {dimension_semantics = [#tpu.dimension_semantics<arbitrary>], iteration_bounds = array<i64: 36>, scalar_prefetch = 0 : i64, scratch_operands = 0 : i64, tpu.core_type = #tpu.core_type<tc>, window_params = [{transform_indices = @transform_0, window_bounds = array<i64: 64, 64, 192>}, {transform_indices = @transform_1, window_bounds = array<i64: 64, 192>}]} {
    %get3A = arith.constant 0 : index
    %get3A_0 = arith.constant 0 : index
    %get3A_1 = arith.constant 0 : index
    %get3A_2 = vector.load %arg1[%get3A, %get3A_0, %get3A_1] : memref<64x64x192xf32, #tpu.memory_space<vmem>>, vector<64x64x192xf32>
    %reduce_max3A = arith.constant dense<0xFF800000> : vector<64x192xf32>
    %reduce_max3A_3 = vector.multi_reduction <maximumf>, %get3A_2, %reduce_max3A [1] : vector<64x64x192xf32> to vector<64x192xf32>
    %swap3A = arith.constant 0 : index
    %swap3A_4 = arith.constant 0 : index
    %swap3A_5 = vector.load %arg2[%swap3A, %swap3A_4] : memref<64x192xf32, #tpu.memory_space<vmem>>, vector<64x192xf32>
    tpu.vector_store %arg2[%swap3A, %swap3A_4], %reduce_max3A_3 {strides = array<i32>} : memref<64x192xf32, #tpu.memory_space<vmem>>, vector<64x192xf32>,
    return
  }
  func.func @transform_0(%arg0: i32) -> (i32, i32, i32) {
    %c0_i32 = arith.constant 0 : i32
    %c0_i32_0 = arith.constant 0 : i32
    %c0_i32_1 = arith.constant 0 : i32
    return %arg0, %c0_i32, %c0_i32_0 : i32, i32, i32
  }
  func.func @transform_1(%arg0: i32) -> (i32, i32) {
    %c0_i32 = arith.constant 0 : i32
    %c0_i32_0 = arith.constant 0 : i32
    return %arg0, %c0_i32 : i32, i32
  }
}

module attributes {stable_mosaic.version = 14 : i64} {
  func.func @_topk_body(%arg0: i32, %arg1: memref<64x192xf32, #tpu.memory_space<vmem>>, %arg2: memref<2304x192xf32, #tpu.memory_space<vmem>>, %arg3: memref<64x3xf32, #tpu.memory_space<vmem>>, %arg4: memref<64x3xi32, #tpu.memory_space<vmem>>) attributes {dimension_semantics = [#tpu.dimension_semantics<arbitrary>], iteration_bounds = array<i64: 36>, scalar_prefetch = 0 : i64, scratch_operands = 0 : i64, tpu.core_type = #tpu.core_type<tc>, window_params = [{transform_indices = @transform_0, window_bounds = array<i64: 64, 192>}, {pipeline_mode = #tpu.pipeline_mode<synchronous>, transform_indices = @transform_1, window_bounds = array<i64: 2304, 192>}, {transform_indices = @transform_2, window_bounds = array<i64: 64, 3>}, {transform_indices = @transform_3, window_bounds = array<i64: 64, 3>}]} {
    %get3A = arith.constant 0 : index
    %get3A_0 = arith.constant 0 : index
    %get3A_1 = vector.load %arg1[%get3A, %get3A_0] : memref<64x192xf32, #tpu.memory_space<vmem>>, vector<64x192xf32>
    %get3A_2 = arith.constant 0 : index
    %get3A_3 = arith.constant 0 : index
    %get3A_4 = vector.load %arg2[%get3A_2, %get3A_3] : memref<2304x192xf32, #tpu.memory_space<vmem>>, vector<2304x192xf32>
    %dot_general3A = arith.constant dense<0.000000e+00> : vector<64x2304xf32>
    %dot_general3A_5 = tpu.matmul %get3A_1, %get3A_4, %dot_general3A {dimension_numbers = #tpu.dot_dimension_numbers<[1], [1], [0], [0], [0, 0, 1, 0], [], []>, transpose_lhs_hint = false} : vector<64x192xf32>, vector<2304x192xf32>, vector<64x2304xf32> -> vector<64x2304xf32>
    %iota3A = tpu.iota {dimensions = array<i32: 1>} : vector<64x2304xi32>
    %reduce_max3A = arith.constant dense<0xFF800000> : vector<64xf32>
    %reduce_max3A_6 = vector.multi_reduction <maximumf>, %dot_general3A_5, %reduce_max3A [1] : vector<64x2304xf32> to vector<64xf32>
    %broadcast_in_dim3A = vector.shape_cast %reduce_max3A_6 : vector<64xf32> to vector<64x1xf32>
    %eq3A = vector.broadcast %broadcast_in_dim3A : vector<64x1xf32> to vector<64x2304xf32>
    %eq3A_7 = arith.cmpf oeq, %dot_general3A_5, %eq3A : vector<64x2304xf32>
    %jit3A = arith.constant 2304 : i32
    %broadcast_in_dim3A_8 = vector.broadcast %jit3A : i32 to vector<64x2304xi32>
    %select_n3A = arith.select %eq3A_7, %iota3A, %broadcast_in_dim3A_8 : vector<64x2304xi1>, vector<64x2304xi32>
    %reduce_min3A = arith.constant dense<2147483647> : vector<64xi32>
    %reduce_min3A_9 = vector.multi_reduction <minsi>, %select_n3A, %reduce_min3A [1] : vector<64x2304xi32> to vector<64xi32>
    %broadcast_in_dim3A_10 = vector.shape_cast %reduce_min3A_9 : vector<64xi32> to vector<64x1xi32>
    %eq3A_11 = vector.broadcast %broadcast_in_dim3A_10 : vector<64x1xi32> to vector<64x2304xi32>
    %eq3A_12 = arith.cmpi eq, %iota3A, %eq3A_11 : vector<64x2304xi32>
    %jit3A_13 = arith.constant 0xFF800000 : f32
    %broadcast_in_dim3A_14 = vector.broadcast %jit3A_13 : f32 to vector<64x2304xf32>
    %select_n3A_15 = arith.select %eq3A_12, %broadcast_in_dim3A_14, %dot_general3A_5 : vector<64x2304xi1>, vector<64x2304xf32>
    %reduce_max3A_16 = arith.constant dense<0xFF800000> : vector<64xf32>
    %reduce_max3A_17 = vector.multi_reduction <maximumf>, %select_n3A_15, %reduce_max3A_16 [1] : vector<64x2304xf32> to vector<64xf32>
    %broadcast_in_dim3A_18 = vector.shape_cast %reduce_max3A_17 : vector<64xf32> to vector<64x1xf32>
    %eq3A_19 = vector.broadcast %broadcast_in_dim3A_18 : vector<64x1xf32> to vector<64x2304xf32>
    %eq3A_20 = arith.cmpf oeq, %select_n3A_15, %eq3A_19 : vector<64x2304xf32>
    %jit3A_21 = arith.constant 2304 : i32
    %broadcast_in_dim3A_22 = vector.broadcast %jit3A_21 : i32 to vector<64x2304xi32>
    %select_n3A_23 = arith.select %eq3A_20, %iota3A, %broadcast_in_dim3A_22 : vector<64x2304xi1>, vector<64x2304xi32>
    %reduce_min3A_24 = arith.constant dense<2147483647> : vector<64xi32>
    %reduce_min3A_25 = vector.multi_reduction <minsi>, %select_n3A_23, %reduce_min3A_24 [1] : vector<64x2304xi32> to vector<64xi32>
    %broadcast_in_dim3A_26 = vector.shape_cast %reduce_min3A_25 : vector<64xi32> to vector<64x1xi32>
    %eq3A_27 = vector.broadcast %broadcast_in_dim3A_26 : vector<64x1xi32> to vector<64x2304xi32>
    %eq3A_28 = arith.cmpi eq, %iota3A, %eq3A_27 : vector<64x2304xi32>
    %jit3A_29 = arith.constant 0xFF800000 : f32
    %broadcast_in_dim3A_30 = vector.broadcast %jit3A_29 : f32 to vector<64x2304xf32>
    %select_n3A_31 = arith.select %eq3A_28, %broadcast_in_dim3A_30, %select_n3A_15 : vector<64x2304xi1>, vector<64x2304xf32>
    %reduce_max3A_32 = arith.constant dense<0xFF800000> : vector<64xf32>
    %reduce_max3A_33 = vector.multi_reduction <maximumf>, %select_n3A_31, %reduce_max3A_32 [1] : vector<64x2304xf32> to vector<64xf32>
    %broadcast_in_dim3A_34 = vector.shape_cast %reduce_max3A_33 : vector<64xf32> to vector<64x1xf32>
    %eq3A_35 = vector.broadcast %broadcast_in_dim3A_34 : vector<64x1xf32> to vector<64x2304xf32>
    %eq3A_36 = arith.cmpf oeq, %select_n3A_31, %eq3A_35 : vector<64x2304xf32>
    %jit3A_37 = arith.constant 2304 : i32
    %broadcast_in_dim3A_38 = vector.broadcast %jit3A_37 : i32 to vector<64x2304xi32>
    %select_n3A_39 = arith.select %eq3A_36, %iota3A, %broadcast_in_dim3A_38 : vector<64x2304xi1>, vector<64x2304xi32>
    %reduce_min3A_40 = arith.constant dense<2147483647> : vector<64xi32>
    %reduce_min3A_41 = vector.multi_reduction <minsi>, %select_n3A_39, %reduce_min3A_40 [1] : vector<64x2304xi32> to vector<64xi32>
    %broadcast_in_dim3A_42 = vector.shape_cast %reduce_min3A_41 : vector<64xi32> to vector<64x1xi32>
    %concatenate3A = tpu.concatenate %broadcast_in_dim3A, %broadcast_in_dim3A_18, %broadcast_in_dim3A_34 in 1 : vector<64x1xf32>, vector<64x1xf32>, vector<64x1xf32> -> vector<64x3xf32>
    %slice3A = vector.extract_strided_slice %concatenate3A {offsets = [0, 0], sizes = [64, 1], strides = [1, 1]} : vector<64x3xf32> to vector<64x1xf32>
    %sub3A = vector.broadcast %slice3A : vector<64x1xf32> to vector<64x3xf32>
    %sub3A_43 = arith.subf %concatenate3A, %sub3A : vector<64x3xf32>
    %exp3A = math.exp %sub3A_43 : vector<64x3xf32>
    %reduce_sum3A = arith.constant dense<0.000000e+00> : vector<64xf32>
    %reduce_sum3A_44 = vector.multi_reduction <add>, %exp3A, %reduce_sum3A [1] : vector<64x3xf32> to vector<64xf32>
    %broadcast_in_dim3A_45 = vector.shape_cast %reduce_sum3A_44 : vector<64xf32> to vector<64x1xf32>
    %div3A = vector.broadcast %broadcast_in_dim3A_45 : vector<64x1xf32> to vector<64x3xf32>
    %div3A_46 = arith.divf %exp3A, %div3A : vector<64x3xf32>
    %swap3A = arith.constant 0 : index
    %swap3A_47 = arith.constant 0 : index
    %swap3A_48 = vector.load %arg3[%swap3A, %swap3A_47] : memref<64x3xf32, #tpu.memory_space<vmem>>, vector<64x3xf32>
    tpu.vector_store %arg3[%swap3A, %swap3A_47], %div3A_46 {strides = array<i32>} : memref<64x3xf32, #tpu.memory_space<vmem>>, vector<64x3xf32>,
    %concatenate3A_49 = tpu.concatenate %broadcast_in_dim3A_10, %broadcast_in_dim3A_26, %broadcast_in_dim3A_42 in 1 : vector<64x1xi32>, vector<64x1xi32>, vector<64x1xi32> -> vector<64x3xi32>
    %swap3A_50 = arith.constant 0 : index
    %swap3A_51 = arith.constant 0 : index
    %swap3A_52 = vector.load %arg4[%swap3A_50, %swap3A_51] : memref<64x3xi32, #tpu.memory_space<vmem>>, vector<64x3xi32>
    tpu.vector_store %arg4[%swap3A_50, %swap3A_51], %concatenate3A_49 {strides = array<i32>} : memref<64x3xi32, #tpu.memory_space<vmem>>, vector<64x3xi32>,
    return
  }
  func.func @transform_0(%arg0: i32) -> (i32, i32) {
    %c0_i32 = arith.constant 0 : i32
    %c0_i32_0 = arith.constant 0 : i32
    return %arg0, %c0_i32 : i32, i32
  }
  func.func @transform_1(%arg0: i32) -> (i32, i32) {
    %c0_i32 = arith.constant 0 : i32
    %c0_i32_0 = arith.constant 0 : i32
    %c0_i32_1 = arith.constant 0 : i32
    return %c0_i32, %c0_i32_0 : i32, i32
  }
  func.func @transform_2(%arg0: i32) -> (i32, i32) {
    %c0_i32 = arith.constant 0 : i32
    %c0_i32_0 = arith.constant 0 : i32
    return %arg0, %c0_i32 : i32, i32
  }
  func.func @transform_3(%arg0: i32) -> (i32, i32) {
    %c0_i32 = arith.constant 0 : i32
    %c0_i32_0 = arith.constant 0 : i32
    return %arg0, %c0_i32 : i32, i32
  }
}

module attributes {stable_mosaic.version = 14 : i64} {
  func.func @_attn_body(%arg0: i32, %arg1: memref<16x64x192xf32, #tpu.memory_space<vmem>>, %arg2: memref<16x64x192xf32, #tpu.memory_space<vmem>>, %arg3: memref<192x192xf32, #tpu.memory_space<vmem>>, %arg4: memref<1x192xf32, #tpu.memory_space<vmem>>, %arg5: memref<192x192xf32, #tpu.memory_space<vmem>>, %arg6: memref<1x192xf32, #tpu.memory_space<vmem>>, %arg7: memref<192x192xf32, #tpu.memory_space<vmem>>, %arg8: memref<1x192xf32, #tpu.memory_space<vmem>>, %arg9: memref<192x192xf32, #tpu.memory_space<vmem>>, %arg10: memref<1x192xf32, #tpu.memory_space<vmem>>, %arg11: memref<9x192xf32, #tpu.memory_space<vmem>>, %arg12: memref<1x1x192xf32, #tpu.memory_space<vmem>>, %arg13: memref<16x64x192xf32, #tpu.memory_space<vmem>>) attributes {dimension_semantics = [#tpu.dimension_semantics<arbitrary>], iteration_bounds = array<i64: 144>, scalar_prefetch = 0 : i64, scratch_operands = 0 : i64, tpu.core_type = #tpu.core_type<tc>, window_params = [{transform_indices = @transform_0, window_bounds = array<i64: 16, 64, 192>}, {transform_indices = @transform_1, window_bounds = array<i64: 16, 64, 192>}, {pipeline_mode = #tpu.pipeline_mode<synchronous>, transform_indices = @transform_2, window_bounds = array<i64: 192, 192>}, {pipeline_mode = #tpu.pipeline_mode<synchronous>, transform_indices = @transform_3, window_bounds = array<i64: 1, 192>}, {pipeline_mode = #tpu.pipeline_mode<synchronous>, transform_indices = @transform_4, window_bounds = array<i64: 192, 192>}, {pipeline_mode = #tpu.pipeline_mode<synchronous>, transform_indices = @transform_5, window_bounds = array<i64: 1, 192>}, {pipeline_mode = #tpu.pipeline_mode<synchronous>, transform_indices = @transform_6, window_bounds = array<i64: 192, 192>}, {pipeline_mode = #tpu.pipeline_mode<synchronous>, transform_indices = @transform_7, window_bounds = array<i64: 1, 192>}, {pipeline_mode = #tpu.pipeline_mode<synchronous>, transform_indices = @transform_8, window_bounds = array<i64: 192, 192>}, {pipeline_mode = #tpu.pipeline_mode<synchronous>, transform_indices = @transform_9, window_bounds = array<i64: 1, 192>}, {pipeline_mode = #tpu.pipeline_mode<synchronous>, transform_indices = @transform_10, window_bounds = array<i64: 9, 192>}, {pipeline_mode = #tpu.pipeline_mode<synchronous>, transform_indices = @transform_11, window_bounds = array<i64: 1, 1, 192>}, {transform_indices = @transform_12, window_bounds = array<i64: 16, 64, 192>}]} {
    %get3A = arith.constant 0 : index
    %get3A_0 = arith.constant 0 : index
    %get3A_1 = arith.constant 0 : index
    %get3A_2 = vector.load %arg1[%get3A, %get3A_0, %get3A_1] : memref<16x64x192xf32, #tpu.memory_space<vmem>>, vector<16x64x192xf32>
    %reshape3A = vector.shape_cast %get3A_2 : vector<16x64x192xf32> to vector<1024x192xf32>
    %get3A_3 = arith.constant 0 : index
    %get3A_4 = arith.constant 0 : index
    %get3A_5 = arith.constant 0 : index
    %get3A_6 = vector.load %arg2[%get3A_3, %get3A_4, %get3A_5] : memref<16x64x192xf32, #tpu.memory_space<vmem>>, vector<16x64x192xf32>
    %reshape3A_7 = vector.shape_cast %get3A_6 : vector<16x64x192xf32> to vector<1024x192xf32>
    %get3A_8 = arith.constant 0 : index
    %get3A_9 = arith.constant 0 : index
    %get3A_10 = vector.load %arg3[%get3A_8, %get3A_9] : memref<192x192xf32, #tpu.memory_space<vmem>>, vector<192x192xf32>
    %dot_general3A = arith.constant dense<0.000000e+00> : vector<1024x192xf32>
    %dot_general3A_11 = tpu.matmul %reshape3A, %get3A_10, %dot_general3A {dimension_numbers = #tpu.dot_dimension_numbers<[1], [0], [0], [1], [0, 0, 1, 1], [], []>, transpose_lhs_hint = false} : vector<1024x192xf32>, vector<192x192xf32>, vector<1024x192xf32> -> vector<1024x192xf32>
    %get3A_12 = arith.constant 0 : index
    %get3A_13 = arith.constant 0 : index
    %get3A_14 = vector.load %arg4[%get3A_12, %get3A_13] : memref<1x192xf32, #tpu.memory_space<vmem>>, vector<1x192xf32>
    %add3A = vector.broadcast %get3A_14 : vector<1x192xf32> to vector<1024x192xf32>
    %add3A_15 = arith.addf %dot_general3A_11, %add3A : vector<1024x192xf32>
    %get3A_16 = arith.constant 0 : index
    %get3A_17 = arith.constant 0 : index
    %get3A_18 = vector.load %arg5[%get3A_16, %get3A_17] : memref<192x192xf32, #tpu.memory_space<vmem>>, vector<192x192xf32>
    %dot_general3A_19 = arith.constant dense<0.000000e+00> : vector<1024x192xf32>
    %dot_general3A_20 = tpu.matmul %reshape3A_7, %get3A_18, %dot_general3A_19 {dimension_numbers = #tpu.dot_dimension_numbers<[1], [0], [0], [1], [0, 0, 1, 1], [], []>, transpose_lhs_hint = false} : vector<1024x192xf32>, vector<192x192xf32>, vector<1024x192xf32> -> vector<1024x192xf32>
    %get3A_21 = arith.constant 0 : index
    %get3A_22 = arith.constant 0 : index
    %get3A_23 = vector.load %arg6[%get3A_21, %get3A_22] : memref<1x192xf32, #tpu.memory_space<vmem>>, vector<1x192xf32>
    %add3A_24 = vector.broadcast %get3A_23 : vector<1x192xf32> to vector<1024x192xf32>
    %add3A_25 = arith.addf %dot_general3A_20, %add3A_24 : vector<1024x192xf32>
    %get3A_26 = arith.constant 0 : index
    %get3A_27 = arith.constant 0 : index
    %get3A_28 = vector.load %arg7[%get3A_26, %get3A_27] : memref<192x192xf32, #tpu.memory_space<vmem>>, vector<192x192xf32>
    %dot_general3A_29 = arith.constant dense<0.000000e+00> : vector<1024x192xf32>
    %dot_general3A_30 = tpu.matmul %reshape3A_7, %get3A_28, %dot_general3A_29 {dimension_numbers = #tpu.dot_dimension_numbers<[1], [0], [0], [1], [0, 0, 1, 1], [], []>, transpose_lhs_hint = false} : vector<1024x192xf32>, vector<192x192xf32>, vector<1024x192xf32> -> vector<1024x192xf32>
    %get3A_31 = arith.constant 0 : index
    %get3A_32 = arith.constant 0 : index
    %get3A_33 = vector.load %arg8[%get3A_31, %get3A_32] : memref<1x192xf32, #tpu.memory_space<vmem>>, vector<1x192xf32>
    %add3A_34 = vector.broadcast %get3A_33 : vector<1x192xf32> to vector<1024x192xf32>
    %add3A_35 = arith.addf %dot_general3A_30, %add3A_34 : vector<1024x192xf32>
    %broadcast_in_dim3A = arith.constant 0.000000e+00 : f32
    %broadcast_in_dim3A_36 = vector.broadcast %broadcast_in_dim3A : f32 to vector<16x16x192xf32>
    %concatenate3A = tpu.concatenate %broadcast_in_dim3A_36, %get3A_2, %broadcast_in_dim3A_36 in 1 : vector<16x16x192xf32>, vector<16x64x192xf32>, vector<16x16x192xf32> -> vector<16x96x192xf32>
    %iota3A = tpu.iota {dimensions = array<i32: 1>} : vector<1x64x1xi32>
    %jit3A = arith.constant 8 : i32
    %eq3A = arith.constant 0 : i32
    %eq3A_37 = arith.cmpi eq, %jit3A, %eq3A : i32
    %jit3A_38 = arith.constant 1 : i32
    %select_n3A = arith.select %eq3A_37, %jit3A_38, %jit3A : i32
    %rem3A = vector.broadcast %select_n3A : i32 to vector<1x64x1xi32>
    %rem3A_39 = arith.remsi %iota3A, %rem3A : vector<1x64x1xi32>
    %ne3A = arith.constant 0 : i32
    %ne3A_40 = vector.broadcast %ne3A : i32 to vector<1x64x1xi32>
    %ne3A_41 = arith.cmpi ne, %rem3A_39, %ne3A_40 : vector<1x64x1xi32>
    %lt3A = arith.constant 0 : i32
    %lt3A_42 = vector.broadcast %lt3A : i32 to vector<1x64x1xi32>
    %lt3A_43 = arith.cmpi slt, %rem3A_39, %lt3A_42 : vector<1x64x1xi32>
    %lt3A_44 = arith.constant 0 : i32
    %lt3A_45 = arith.cmpi slt, %select_n3A, %lt3A_44 : i32
    %ne3A_46 = vector.broadcast %lt3A_45 : i1 to vector<1x64x1xi1>
    %ne3A_47 = vector.broadcast %ne3A_46 : vector<1x64x1xi1> to vector<1x64x1xi1>
    %ne3A_48 = arith.xori %lt3A_43, %ne3A_47 : vector<1x64x1xi1>
    %and3A = arith.andi %ne3A_48, %ne3A_41 : vector<1x64x1xi1>
    %add3A_49 = vector.broadcast %select_n3A : i32 to vector<1x64x1xi32>
    %add3A_50 = arith.addi %rem3A_39, %add3A_49 : vector<1x64x1xi32>
    %select_n3A_51 = arith.select %and3A, %add3A_50, %rem3A_39 : vector<1x64x1xi1>, vector<1x64x1xi32>
    %get3A_52 = arith.constant 0 : index
    %get3A_53 = arith.constant 0 : index
    %get3A_54 = vector.load %arg11[%get3A_52, %get3A_53] : memref<9x192xf32, #tpu.memory_space<vmem>>, vector<9x192xf32>
    %broadcast_in_dim3A_55 = arith.constant 0.000000e+00 : f32
    %broadcast_in_dim3A_56 = vector.broadcast %broadcast_in_dim3A_55 : f32 to vector<16x64x192xf32>
    %get3A_57 = arith.constant 0 : index
    %get3A_58 = arith.constant 0 : index
    %get3A_59 = arith.constant 0 : index
    %get3A_60 = vector.load %arg12[%get3A_57, %get3A_58, %get3A_59] : memref<1x1x192xf32, #tpu.memory_space<vmem>>, vector<1x1x192xf32>
    %add3A_61 = vector.broadcast %get3A_60 : vector<1x1x192xf32> to vector<16x64x192xf32>
    %add3A_62 = arith.addf %broadcast_in_dim3A_56, %add3A_61 : vector<16x64x192xf32>
    %slice3A = vector.extract_strided_slice %concatenate3A {offsets = [0, 7, 0], sizes = [16, 64, 192], strides = [1, 1, 1]} : vector<16x96x192xf32> to vector<16x64x192xf32>
    %add3A_63 = arith.constant -1 : i32
    %add3A_64 = vector.broadcast %add3A_63 : i32 to vector<1x64x1xi32>
    %add3A_65 = arith.addi %select_n3A_51, %add3A_64 : vector<1x64x1xi32>
    %ge3A = arith.constant 0 : i32
    %ge3A_66 = vector.broadcast %ge3A : i32 to vector<1x64x1xi32>
    %ge3A_67 = arith.cmpi sge, %add3A_65, %ge3A_66 : vector<1x64x1xi32>
    %add3A_68 = arith.constant -1 : i32
    %add3A_69 = vector.broadcast %add3A_68 : i32 to vector<1x64x1xi32>
    %add3A_70 = arith.addi %select_n3A_51, %add3A_69 : vector<1x64x1xi32>
    %lt3A_71 = arith.constant 8 : i32
    %lt3A_72 = vector.broadcast %lt3A_71 : i32 to vector<1x64x1xi32>
    %lt3A_73 = arith.cmpi slt, %add3A_70, %lt3A_72 : vector<1x64x1xi32>
    %and3A_74 = arith.andi %ge3A_67, %lt3A_73 : vector<1x64x1xi1>
    %slice3A_75 = vector.extract_strided_slice %get3A_54 {offsets = [0, 0], sizes = [1, 192], strides = [1, 1]} : vector<9x192xf32> to vector<1x192xf32>
    %squeeze3A = vector.shape_cast %slice3A_75 : vector<1x192xf32> to vector<192xf32>
    %broadcast_in_dim3A_76 = vector.shape_cast %squeeze3A : vector<192xf32> to vector<1x1x192xf32>
    %mul3A = vector.broadcast %broadcast_in_dim3A_76 : vector<1x1x192xf32> to vector<16x64x192xf32>
    %mul3A_77 = arith.mulf %mul3A, %slice3A : vector<16x64x192xf32>
    %jit3A_78 = arith.constant 0.000000e+00 : f32
    %broadcast_in_dim3A_79 = vector.shape_cast %and3A_74 : vector<1x64x1xi1> to vector<1x64x1xi1>
    %broadcast_in_dim3A_80 = vector.broadcast %broadcast_in_dim3A_79 : vector<1x64x1xi1> to vector<16x64x192xi1>
    %broadcast_in_dim3A_81 = vector.broadcast %jit3A_78 : f32 to vector<16x64x192xf32>
    %select_n3A_82 = arith.select %broadcast_in_dim3A_80, %mul3A_77, %broadcast_in_dim3A_81 : vector<16x64x192xi1>, vector<16x64x192xf32>
    %add3A_83 = arith.addf %add3A_62, %select_n3A_82 : vector<16x64x192xf32>
    %slice3A_84 = vector.extract_strided_slice %concatenate3A {offsets = [0, 8, 0], sizes = [16, 64, 192], strides = [1, 1, 1]} : vector<16x96x192xf32> to vector<16x64x192xf32>
    %add3A_85 = arith.constant 0 : i32
    %add3A_86 = vector.broadcast %add3A_85 : i32 to vector<1x64x1xi32>
    %add3A_87 = arith.addi %select_n3A_51, %add3A_86 : vector<1x64x1xi32>
    %ge3A_88 = arith.constant 0 : i32
    %ge3A_89 = vector.broadcast %ge3A_88 : i32 to vector<1x64x1xi32>
    %ge3A_90 = arith.cmpi sge, %add3A_87, %ge3A_89 : vector<1x64x1xi32>
    %add3A_91 = arith.constant 0 : i32
    %add3A_92 = vector.broadcast %add3A_91 : i32 to vector<1x64x1xi32>
    %add3A_93 = arith.addi %select_n3A_51, %add3A_92 : vector<1x64x1xi32>
    %lt3A_94 = arith.constant 8 : i32
    %lt3A_95 = vector.broadcast %lt3A_94 : i32 to vector<1x64x1xi32>
    %lt3A_96 = arith.cmpi slt, %add3A_93, %lt3A_95 : vector<1x64x1xi32>
    %and3A_97 = arith.andi %ge3A_90, %lt3A_96 : vector<1x64x1xi1>
    %slice3A_98 = vector.extract_strided_slice %get3A_54 {offsets = [1, 0], sizes = [1, 192], strides = [1, 1]} : vector<9x192xf32> to vector<1x192xf32>
    %squeeze3A_99 = vector.shape_cast %slice3A_98 : vector<1x192xf32> to vector<192xf32>
    %broadcast_in_dim3A_100 = vector.shape_cast %squeeze3A_99 : vector<192xf32> to vector<1x1x192xf32>
    %mul3A_101 = vector.broadcast %broadcast_in_dim3A_100 : vector<1x1x192xf32> to vector<16x64x192xf32>
    %mul3A_102 = arith.mulf %mul3A_101, %slice3A_84 : vector<16x64x192xf32>
    %jit3A_103 = arith.constant 0.000000e+00 : f32
    %broadcast_in_dim3A_104 = vector.shape_cast %and3A_97 : vector<1x64x1xi1> to vector<1x64x1xi1>
    %broadcast_in_dim3A_105 = vector.broadcast %broadcast_in_dim3A_104 : vector<1x64x1xi1> to vector<16x64x192xi1>
    %broadcast_in_dim3A_106 = vector.broadcast %jit3A_103 : f32 to vector<16x64x192xf32>
    %select_n3A_107 = arith.select %broadcast_in_dim3A_105, %mul3A_102, %broadcast_in_dim3A_106 : vector<16x64x192xi1>, vector<16x64x192xf32>
    %add3A_108 = arith.addf %add3A_83, %select_n3A_107 : vector<16x64x192xf32>
    %slice3A_109 = vector.extract_strided_slice %concatenate3A {offsets = [0, 9, 0], sizes = [16, 64, 192], strides = [1, 1, 1]} : vector<16x96x192xf32> to vector<16x64x192xf32>
    %add3A_110 = arith.constant 1 : i32
    %add3A_111 = vector.broadcast %add3A_110 : i32 to vector<1x64x1xi32>
    %add3A_112 = arith.addi %select_n3A_51, %add3A_111 : vector<1x64x1xi32>
    %ge3A_113 = arith.constant 0 : i32
    %ge3A_114 = vector.broadcast %ge3A_113 : i32 to vector<1x64x1xi32>
    %ge3A_115 = arith.cmpi sge, %add3A_112, %ge3A_114 : vector<1x64x1xi32>
    %add3A_116 = arith.constant 1 : i32
    %add3A_117 = vector.broadcast %add3A_116 : i32 to vector<1x64x1xi32>
    %add3A_118 = arith.addi %select_n3A_51, %add3A_117 : vector<1x64x1xi32>
    %lt3A_119 = arith.constant 8 : i32
    %lt3A_120 = vector.broadcast %lt3A_119 : i32 to vector<1x64x1xi32>
    %lt3A_121 = arith.cmpi slt, %add3A_118, %lt3A_120 : vector<1x64x1xi32>
    %and3A_122 = arith.andi %ge3A_115, %lt3A_121 : vector<1x64x1xi1>
    %slice3A_123 = vector.extract_strided_slice %get3A_54 {offsets = [2, 0], sizes = [1, 192], strides = [1, 1]} : vector<9x192xf32> to vector<1x192xf32>
    %squeeze3A_124 = vector.shape_cast %slice3A_123 : vector<1x192xf32> to vector<192xf32>
    %broadcast_in_dim3A_125 = vector.shape_cast %squeeze3A_124 : vector<192xf32> to vector<1x1x192xf32>
    %mul3A_126 = vector.broadcast %broadcast_in_dim3A_125 : vector<1x1x192xf32> to vector<16x64x192xf32>
    %mul3A_127 = arith.mulf %mul3A_126, %slice3A_109 : vector<16x64x192xf32>
    %jit3A_128 = arith.constant 0.000000e+00 : f32
    %broadcast_in_dim3A_129 = vector.shape_cast %and3A_122 : vector<1x64x1xi1> to vector<1x64x1xi1>
    %broadcast_in_dim3A_130 = vector.broadcast %broadcast_in_dim3A_129 : vector<1x64x1xi1> to vector<16x64x192xi1>
    %broadcast_in_dim3A_131 = vector.broadcast %jit3A_128 : f32 to vector<16x64x192xf32>
    %select_n3A_132 = arith.select %broadcast_in_dim3A_130, %mul3A_127, %broadcast_in_dim3A_131 : vector<16x64x192xi1>, vector<16x64x192xf32>
    %add3A_133 = arith.addf %add3A_108, %select_n3A_132 : vector<16x64x192xf32>
    %slice3A_134 = vector.extract_strided_slice %concatenate3A {offsets = [0, 15, 0], sizes = [16, 64, 192], strides = [1, 1, 1]} : vector<16x96x192xf32> to vector<16x64x192xf32>
    %add3A_135 = arith.constant -1 : i32
    %add3A_136 = vector.broadcast %add3A_135 : i32 to vector<1x64x1xi32>
    %add3A_137 = arith.addi %select_n3A_51, %add3A_136 : vector<1x64x1xi32>
    %ge3A_138 = arith.constant 0 : i32
    %ge3A_139 = vector.broadcast %ge3A_138 : i32 to vector<1x64x1xi32>
    %ge3A_140 = arith.cmpi sge, %add3A_137, %ge3A_139 : vector<1x64x1xi32>
    %add3A_141 = arith.constant -1 : i32
    %add3A_142 = vector.broadcast %add3A_141 : i32 to vector<1x64x1xi32>
    %add3A_143 = arith.addi %select_n3A_51, %add3A_142 : vector<1x64x1xi32>
    %lt3A_144 = arith.constant 8 : i32
    %lt3A_145 = vector.broadcast %lt3A_144 : i32 to vector<1x64x1xi32>
    %lt3A_146 = arith.cmpi slt, %add3A_143, %lt3A_145 : vector<1x64x1xi32>
    %and3A_147 = arith.andi %ge3A_140, %lt3A_146 : vector<1x64x1xi1>
    %slice3A_148 = vector.extract_strided_slice %get3A_54 {offsets = [3, 0], sizes = [1, 192], strides = [1, 1]} : vector<9x192xf32> to vector<1x192xf32>
    %squeeze3A_149 = vector.shape_cast %slice3A_148 : vector<1x192xf32> to vector<192xf32>
    %broadcast_in_dim3A_150 = vector.shape_cast %squeeze3A_149 : vector<192xf32> to vector<1x1x192xf32>
    %mul3A_151 = vector.broadcast %broadcast_in_dim3A_150 : vector<1x1x192xf32> to vector<16x64x192xf32>
    %mul3A_152 = arith.mulf %mul3A_151, %slice3A_134 : vector<16x64x192xf32>
    %jit3A_153 = arith.constant 0.000000e+00 : f32
    %broadcast_in_dim3A_154 = vector.shape_cast %and3A_147 : vector<1x64x1xi1> to vector<1x64x1xi1>
    %broadcast_in_dim3A_155 = vector.broadcast %broadcast_in_dim3A_154 : vector<1x64x1xi1> to vector<16x64x192xi1>
    %broadcast_in_dim3A_156 = vector.broadcast %jit3A_153 : f32 to vector<16x64x192xf32>
    %select_n3A_157 = arith.select %broadcast_in_dim3A_155, %mul3A_152, %broadcast_in_dim3A_156 : vector<16x64x192xi1>, vector<16x64x192xf32>
    %add3A_158 = arith.addf %add3A_133, %select_n3A_157 : vector<16x64x192xf32>
    %slice3A_159 = vector.extract_strided_slice %concatenate3A {offsets = [0, 16, 0], sizes = [16, 64, 192], strides = [1, 1, 1]} : vector<16x96x192xf32> to vector<16x64x192xf32>
    %add3A_160 = arith.constant 0 : i32
    %add3A_161 = vector.broadcast %add3A_160 : i32 to vector<1x64x1xi32>
    %add3A_162 = arith.addi %select_n3A_51, %add3A_161 : vector<1x64x1xi32>
    %ge3A_163 = arith.constant 0 : i32
    %ge3A_164 = vector.broadcast %ge3A_163 : i32 to vector<1x64x1xi32>
    %ge3A_165 = arith.cmpi sge, %add3A_162, %ge3A_164 : vector<1x64x1xi32>
    %add3A_166 = arith.constant 0 : i32
    %add3A_167 = vector.broadcast %add3A_166 : i32 to vector<1x64x1xi32>
    %add3A_168 = arith.addi %select_n3A_51, %add3A_167 : vector<1x64x1xi32>
    %lt3A_169 = arith.constant 8 : i32
    %lt3A_170 = vector.broadcast %lt3A_169 : i32 to vector<1x64x1xi32>
    %lt3A_171 = arith.cmpi slt, %add3A_168, %lt3A_170 : vector<1x64x1xi32>
    %and3A_172 = arith.andi %ge3A_165, %lt3A_171 : vector<1x64x1xi1>
    %slice3A_173 = vector.extract_strided_slice %get3A_54 {offsets = [4, 0], sizes = [1, 192], strides = [1, 1]} : vector<9x192xf32> to vector<1x192xf32>
    %squeeze3A_174 = vector.shape_cast %slice3A_173 : vector<1x192xf32> to vector<192xf32>
    %broadcast_in_dim3A_175 = vector.shape_cast %squeeze3A_174 : vector<192xf32> to vector<1x1x192xf32>
    %mul3A_176 = vector.broadcast %broadcast_in_dim3A_175 : vector<1x1x192xf32> to vector<16x64x192xf32>
    %mul3A_177 = arith.mulf %mul3A_176, %slice3A_159 : vector<16x64x192xf32>
    %jit3A_178 = arith.constant 0.000000e+00 : f32
    %broadcast_in_dim3A_179 = vector.shape_cast %and3A_172 : vector<1x64x1xi1> to vector<1x64x1xi1>
    %broadcast_in_dim3A_180 = vector.broadcast %broadcast_in_dim3A_179 : vector<1x64x1xi1> to vector<16x64x192xi1>
    %broadcast_in_dim3A_181 = vector.broadcast %jit3A_178 : f32 to vector<16x64x192xf32>
    %select_n3A_182 = arith.select %broadcast_in_dim3A_180, %mul3A_177, %broadcast_in_dim3A_181 : vector<16x64x192xi1>, vector<16x64x192xf32>
    %add3A_183 = arith.addf %add3A_158, %select_n3A_182 : vector<16x64x192xf32>
    %slice3A_184 = vector.extract_strided_slice %concatenate3A {offsets = [0, 17, 0], sizes = [16, 64, 192], strides = [1, 1, 1]} : vector<16x96x192xf32> to vector<16x64x192xf32>
    %add3A_185 = arith.constant 1 : i32
    %add3A_186 = vector.broadcast %add3A_185 : i32 to vector<1x64x1xi32>
    %add3A_187 = arith.addi %select_n3A_51, %add3A_186 : vector<1x64x1xi32>
    %ge3A_188 = arith.constant 0 : i32
    %ge3A_189 = vector.broadcast %ge3A_188 : i32 to vector<1x64x1xi32>
    %ge3A_190 = arith.cmpi sge, %add3A_187, %ge3A_189 : vector<1x64x1xi32>
    %add3A_191 = arith.constant 1 : i32
    %add3A_192 = vector.broadcast %add3A_191 : i32 to vector<1x64x1xi32>
    %add3A_193 = arith.addi %select_n3A_51, %add3A_192 : vector<1x64x1xi32>
    %lt3A_194 = arith.constant 8 : i32
    %lt3A_195 = vector.broadcast %lt3A_194 : i32 to vector<1x64x1xi32>
    %lt3A_196 = arith.cmpi slt, %add3A_193, %lt3A_195 : vector<1x64x1xi32>
    %and3A_197 = arith.andi %ge3A_190, %lt3A_196 : vector<1x64x1xi1>
    %slice3A_198 = vector.extract_strided_slice %get3A_54 {offsets = [5, 0], sizes = [1, 192], strides = [1, 1]} : vector<9x192xf32> to vector<1x192xf32>
    %squeeze3A_199 = vector.shape_cast %slice3A_198 : vector<1x192xf32> to vector<192xf32>
    %broadcast_in_dim3A_200 = vector.shape_cast %squeeze3A_199 : vector<192xf32> to vector<1x1x192xf32>
    %mul3A_201 = vector.broadcast %broadcast_in_dim3A_200 : vector<1x1x192xf32> to vector<16x64x192xf32>
    %mul3A_202 = arith.mulf %mul3A_201, %slice3A_184 : vector<16x64x192xf32>
    %jit3A_203 = arith.constant 0.000000e+00 : f32
    %broadcast_in_dim3A_204 = vector.shape_cast %and3A_197 : vector<1x64x1xi1> to vector<1x64x1xi1>
    %broadcast_in_dim3A_205 = vector.broadcast %broadcast_in_dim3A_204 : vector<1x64x1xi1> to vector<16x64x192xi1>
    %broadcast_in_dim3A_206 = vector.broadcast %jit3A_203 : f32 to vector<16x64x192xf32>
    %select_n3A_207 = arith.select %broadcast_in_dim3A_205, %mul3A_202, %broadcast_in_dim3A_206 : vector<16x64x192xi1>, vector<16x64x192xf32>
    %add3A_208 = arith.addf %add3A_183, %select_n3A_207 : vector<16x64x192xf32>
    %slice3A_209 = vector.extract_strided_slice %concatenate3A {offsets = [0, 23, 0], sizes = [16, 64, 192], strides = [1, 1, 1]} : vector<16x96x192xf32> to vector<16x64x192xf32>
    %add3A_210 = arith.constant -1 : i32
    %add3A_211 = vector.broadcast %add3A_210 : i32 to vector<1x64x1xi32>
    %add3A_212 = arith.addi %select_n3A_51, %add3A_211 : vector<1x64x1xi32>
    %ge3A_213 = arith.constant 0 : i32
    %ge3A_214 = vector.broadcast %ge3A_213 : i32 to vector<1x64x1xi32>
    %ge3A_215 = arith.cmpi sge, %add3A_212, %ge3A_214 : vector<1x64x1xi32>
    %add3A_216 = arith.constant -1 : i32
    %add3A_217 = vector.broadcast %add3A_216 : i32 to vector<1x64x1xi32>
    %add3A_218 = arith.addi %select_n3A_51, %add3A_217 : vector<1x64x1xi32>
    %lt3A_219 = arith.constant 8 : i32
    %lt3A_220 = vector.broadcast %lt3A_219 : i32 to vector<1x64x1xi32>
    %lt3A_221 = arith.cmpi slt, %add3A_218, %lt3A_220 : vector<1x64x1xi32>
    %and3A_222 = arith.andi %ge3A_215, %lt3A_221 : vector<1x64x1xi1>
    %slice3A_223 = vector.extract_strided_slice %get3A_54 {offsets = [6, 0], sizes = [1, 192], strides = [1, 1]} : vector<9x192xf32> to vector<1x192xf32>
    %squeeze3A_224 = vector.shape_cast %slice3A_223 : vector<1x192xf32> to vector<192xf32>
    %broadcast_in_dim3A_225 = vector.shape_cast %squeeze3A_224 : vector<192xf32> to vector<1x1x192xf32>
    %mul3A_226 = vector.broadcast %broadcast_in_dim3A_225 : vector<1x1x192xf32> to vector<16x64x192xf32>
    %mul3A_227 = arith.mulf %mul3A_226, %slice3A_209 : vector<16x64x192xf32>
    %jit3A_228 = arith.constant 0.000000e+00 : f32
    %broadcast_in_dim3A_229 = vector.shape_cast %and3A_222 : vector<1x64x1xi1> to vector<1x64x1xi1>
    %broadcast_in_dim3A_230 = vector.broadcast %broadcast_in_dim3A_229 : vector<1x64x1xi1> to vector<16x64x192xi1>
    %broadcast_in_dim3A_231 = vector.broadcast %jit3A_228 : f32 to vector<16x64x192xf32>
    %select_n3A_232 = arith.select %broadcast_in_dim3A_230, %mul3A_227, %broadcast_in_dim3A_231 : vector<16x64x192xi1>, vector<16x64x192xf32>
    %add3A_233 = arith.addf %add3A_208, %select_n3A_232 : vector<16x64x192xf32>
    %slice3A_234 = vector.extract_strided_slice %concatenate3A {offsets = [0, 24, 0], sizes = [16, 64, 192], strides = [1, 1, 1]} : vector<16x96x192xf32> to vector<16x64x192xf32>
    %add3A_235 = arith.constant 0 : i32
    %add3A_236 = vector.broadcast %add3A_235 : i32 to vector<1x64x1xi32>
    %add3A_237 = arith.addi %select_n3A_51, %add3A_236 : vector<1x64x1xi32>
    %ge3A_238 = arith.constant 0 : i32
    %ge3A_239 = vector.broadcast %ge3A_238 : i32 to vector<1x64x1xi32>
    %ge3A_240 = arith.cmpi sge, %add3A_237, %ge3A_239 : vector<1x64x1xi32>
    %add3A_241 = arith.constant 0 : i32
    %add3A_242 = vector.broadcast %add3A_241 : i32 to vector<1x64x1xi32>
    %add3A_243 = arith.addi %select_n3A_51, %add3A_242 : vector<1x64x1xi32>
    %lt3A_244 = arith.constant 8 : i32
    %lt3A_245 = vector.broadcast %lt3A_244 : i32 to vector<1x64x1xi32>
    %lt3A_246 = arith.cmpi slt, %add3A_243, %lt3A_245 : vector<1x64x1xi32>
    %and3A_247 = arith.andi %ge3A_240, %lt3A_246 : vector<1x64x1xi1>
    %slice3A_248 = vector.extract_strided_slice %get3A_54 {offsets = [7, 0], sizes = [1, 192], strides = [1, 1]} : vector<9x192xf32> to vector<1x192xf32>
    %squeeze3A_249 = vector.shape_cast %slice3A_248 : vector<1x192xf32> to vector<192xf32>
    %broadcast_in_dim3A_250 = vector.shape_cast %squeeze3A_249 : vector<192xf32> to vector<1x1x192xf32>
    %mul3A_251 = vector.broadcast %broadcast_in_dim3A_250 : vector<1x1x192xf32> to vector<16x64x192xf32>
    %mul3A_252 = arith.mulf %mul3A_251, %slice3A_234 : vector<16x64x192xf32>
    %jit3A_253 = arith.constant 0.000000e+00 : f32
    %broadcast_in_dim3A_254 = vector.shape_cast %and3A_247 : vector<1x64x1xi1> to vector<1x64x1xi1>
    %broadcast_in_dim3A_255 = vector.broadcast %broadcast_in_dim3A_254 : vector<1x64x1xi1> to vector<16x64x192xi1>
    %broadcast_in_dim3A_256 = vector.broadcast %jit3A_253 : f32 to vector<16x64x192xf32>
    %select_n3A_257 = arith.select %broadcast_in_dim3A_255, %mul3A_252, %broadcast_in_dim3A_256 : vector<16x64x192xi1>, vector<16x64x192xf32>
    %add3A_258 = arith.addf %add3A_233, %select_n3A_257 : vector<16x64x192xf32>
    %slice3A_259 = vector.extract_strided_slice %concatenate3A {offsets = [0, 25, 0], sizes = [16, 64, 192], strides = [1, 1, 1]} : vector<16x96x192xf32> to vector<16x64x192xf32>
    %add3A_260 = arith.constant 1 : i32
    %add3A_261 = vector.broadcast %add3A_260 : i32 to vector<1x64x1xi32>
    %add3A_262 = arith.addi %select_n3A_51, %add3A_261 : vector<1x64x1xi32>
    %ge3A_263 = arith.constant 0 : i32
    %ge3A_264 = vector.broadcast %ge3A_263 : i32 to vector<1x64x1xi32>
    %ge3A_265 = arith.cmpi sge, %add3A_262, %ge3A_264 : vector<1x64x1xi32>
    %add3A_266 = arith.constant 1 : i32
    %add3A_267 = vector.broadcast %add3A_266 : i32 to vector<1x64x1xi32>
    %add3A_268 = arith.addi %select_n3A_51, %add3A_267 : vector<1x64x1xi32>
    %lt3A_269 = arith.constant 8 : i32
    %lt3A_270 = vector.broadcast %lt3A_269 : i32 to vector<1x64x1xi32>
    %lt3A_271 = arith.cmpi slt, %add3A_268, %lt3A_270 : vector<1x64x1xi32>
    %and3A_272 = arith.andi %ge3A_265, %lt3A_271 : vector<1x64x1xi1>
    %slice3A_273 = vector.extract_strided_slice %get3A_54 {offsets = [8, 0], sizes = [1, 192], strides = [1, 1]} : vector<9x192xf32> to vector<1x192xf32>
    %squeeze3A_274 = vector.shape_cast %slice3A_273 : vector<1x192xf32> to vector<192xf32>
    %broadcast_in_dim3A_275 = vector.shape_cast %squeeze3A_274 : vector<192xf32> to vector<1x1x192xf32>
    %mul3A_276 = vector.broadcast %broadcast_in_dim3A_275 : vector<1x1x192xf32> to vector<16x64x192xf32>
    %mul3A_277 = arith.mulf %mul3A_276, %slice3A_259 : vector<16x64x192xf32>
    %jit3A_278 = arith.constant 0.000000e+00 : f32
    %broadcast_in_dim3A_279 = vector.shape_cast %and3A_272 : vector<1x64x1xi1> to vector<1x64x1xi1>
    %broadcast_in_dim3A_280 = vector.broadcast %broadcast_in_dim3A_279 : vector<1x64x1xi1> to vector<16x64x192xi1>
    %broadcast_in_dim3A_281 = vector.broadcast %jit3A_278 : f32 to vector<16x64x192xf32>
    %select_n3A_282 = arith.select %broadcast_in_dim3A_280, %mul3A_277, %broadcast_in_dim3A_281 : vector<16x64x192xi1>, vector<16x64x192xf32>
    %add3A_283 = arith.addf %add3A_258, %select_n3A_282 : vector<16x64x192xf32>
    %reshape3A_284 = vector.shape_cast %add3A_15 : vector<1024x192xf32> to vector<16x64x192xf32>
    %reshape3A_285 = vector.shape_cast %add3A_25 : vector<1024x192xf32> to vector<16x64x192xf32>
    %reshape3A_286 = vector.shape_cast %add3A_35 : vector<1024x192xf32> to vector<16x64x192xf32>
    %slice3A_287 = vector.extract_strided_slice %reshape3A_284 {offsets = [0, 0, 0], sizes = [1, 64, 192], strides = [1, 1, 1]} : vector<16x64x192xf32> to vector<1x64x192xf32>
    %squeeze3A_288 = vector.shape_cast %slice3A_287 : vector<1x64x192xf32> to vector<64x192xf32>
    %slice3A_289 = vector.extract_strided_slice %reshape3A_285 {offsets = [0, 0, 0], sizes = [1, 64, 192], strides = [1, 1, 1]} : vector<16x64x192xf32> to vector<1x64x192xf32>
    %squeeze3A_290 = vector.shape_cast %slice3A_289 : vector<1x64x192xf32> to vector<64x192xf32>
    %dot_general3A_291 = arith.constant dense<0.000000e+00> : vector<64x64xf32>
    %dot_general3A_292 = tpu.matmul %squeeze3A_288, %squeeze3A_290, %dot_general3A_291 {dimension_numbers = #tpu.dot_dimension_numbers<[1], [1], [0], [0], [0, 0, 1, 0], [], []>, transpose_lhs_hint = false} : vector<64x192xf32>, vector<64x192xf32>, vector<64x64xf32> -> vector<64x64xf32>
    %mul3A_293 = arith.constant 0.0721687824 : f32
    %mul3A_294 = vector.broadcast %mul3A_293 : f32 to vector<64x64xf32>
    %mul3A_295 = arith.mulf %dot_general3A_292, %mul3A_294 : vector<64x64xf32>
    %reduce_max3A = arith.constant dense<0xFF800000> : vector<64xf32>
    %reduce_max3A_296 = vector.multi_reduction <maximumf>, %mul3A_295, %reduce_max3A [1] : vector<64x64xf32> to vector<64xf32>
    %broadcast_in_dim3A_297 = vector.shape_cast %reduce_max3A_296 : vector<64xf32> to vector<64x1xf32>
    %sub3A = vector.broadcast %broadcast_in_dim3A_297 : vector<64x1xf32> to vector<64x64xf32>
    %sub3A_298 = arith.subf %mul3A_295, %sub3A : vector<64x64xf32>
    %exp3A = math.exp %sub3A_298 : vector<64x64xf32>
    %reduce_sum3A = arith.constant dense<0.000000e+00> : vector<64xf32>
    %reduce_sum3A_299 = vector.multi_reduction <add>, %exp3A, %reduce_sum3A [1] : vector<64x64xf32> to vector<64xf32>
    %broadcast_in_dim3A_300 = vector.shape_cast %reduce_sum3A_299 : vector<64xf32> to vector<64x1xf32>
    %div3A = vector.broadcast %broadcast_in_dim3A_300 : vector<64x1xf32> to vector<64x64xf32>
    %div3A_301 = arith.divf %exp3A, %div3A : vector<64x64xf32>
    %slice3A_302 = vector.extract_strided_slice %reshape3A_286 {offsets = [0, 0, 0], sizes = [1, 64, 192], strides = [1, 1, 1]} : vector<16x64x192xf32> to vector<1x64x192xf32>
    %squeeze3A_303 = vector.shape_cast %slice3A_302 : vector<1x64x192xf32> to vector<64x192xf32>
    %dot_general3A_304 = arith.constant dense<0.000000e+00> : vector<64x192xf32>
    %dot_general3A_305 = tpu.matmul %div3A_301, %squeeze3A_303, %dot_general3A_304 {dimension_numbers = #tpu.dot_dimension_numbers<[1], [0], [0], [1], [0, 0, 1, 1], [], []>, transpose_lhs_hint = false} : vector<64x64xf32>, vector<64x192xf32>, vector<64x192xf32> -> vector<64x192xf32>
    %slice3A_306 = vector.extract_strided_slice %reshape3A_284 {offsets = [1, 0, 0], sizes = [1, 64, 192], strides = [1, 1, 1]} : vector<16x64x192xf32> to vector<1x64x192xf32>
    %squeeze3A_307 = vector.shape_cast %slice3A_306 : vector<1x64x192xf32> to vector<64x192xf32>
    %slice3A_308 = vector.extract_strided_slice %reshape3A_285 {offsets = [1, 0, 0], sizes = [1, 64, 192], strides = [1, 1, 1]} : vector<16x64x192xf32> to vector<1x64x192xf32>
    %squeeze3A_309 = vector.shape_cast %slice3A_308 : vector<1x64x192xf32> to vector<64x192xf32>
    %dot_general3A_310 = arith.constant dense<0.000000e+00> : vector<64x64xf32>
    %dot_general3A_311 = tpu.matmul %squeeze3A_307, %squeeze3A_309, %dot_general3A_310 {dimension_numbers = #tpu.dot_dimension_numbers<[1], [1], [0], [0], [0, 0, 1, 0], [], []>, transpose_lhs_hint = false} : vector<64x192xf32>, vector<64x192xf32>, vector<64x64xf32> -> vector<64x64xf32>
    %mul3A_312 = arith.constant 0.0721687824 : f32
    %mul3A_313 = vector.broadcast %mul3A_312 : f32 to vector<64x64xf32>
    %mul3A_314 = arith.mulf %dot_general3A_311, %mul3A_313 : vector<64x64xf32>
    %reduce_max3A_315 = arith.constant dense<0xFF800000> : vector<64xf32>
    %reduce_max3A_316 = vector.multi_reduction <maximumf>, %mul3A_314, %reduce_max3A_315 [1] : vector<64x64xf32> to vector<64xf32>
    %broadcast_in_dim3A_317 = vector.shape_cast %reduce_max3A_316 : vector<64xf32> to vector<64x1xf32>
    %sub3A_318 = vector.broadcast %broadcast_in_dim3A_317 : vector<64x1xf32> to vector<64x64xf32>
    %sub3A_319 = arith.subf %mul3A_314, %sub3A_318 : vector<64x64xf32>
    %exp3A_320 = math.exp %sub3A_319 : vector<64x64xf32>
    %reduce_sum3A_321 = arith.constant dense<0.000000e+00> : vector<64xf32>
    %reduce_sum3A_322 = vector.multi_reduction <add>, %exp3A_320, %reduce_sum3A_321 [1] : vector<64x64xf32> to vector<64xf32>
    %broadcast_in_dim3A_323 = vector.shape_cast %reduce_sum3A_322 : vector<64xf32> to vector<64x1xf32>
    %div3A_324 = vector.broadcast %broadcast_in_dim3A_323 : vector<64x1xf32> to vector<64x64xf32>
    %div3A_325 = arith.divf %exp3A_320, %div3A_324 : vector<64x64xf32>
    %slice3A_326 = vector.extract_strided_slice %reshape3A_286 {offsets = [1, 0, 0], sizes = [1, 64, 192], strides = [1, 1, 1]} : vector<16x64x192xf32> to vector<1x64x192xf32>
    %squeeze3A_327 = vector.shape_cast %slice3A_326 : vector<1x64x192xf32> to vector<64x192xf32>
    %dot_general3A_328 = arith.constant dense<0.000000e+00> : vector<64x192xf32>
    %dot_general3A_329 = tpu.matmul %div3A_325, %squeeze3A_327, %dot_general3A_328 {dimension_numbers = #tpu.dot_dimension_numbers<[1], [0], [0], [1], [0, 0, 1, 1], [], []>, transpose_lhs_hint = false} : vector<64x64xf32>, vector<64x192xf32>, vector<64x192xf32> -> vector<64x192xf32>
    %slice3A_330 = vector.extract_strided_slice %reshape3A_284 {offsets = [2, 0, 0], sizes = [1, 64, 192], strides = [1, 1, 1]} : vector<16x64x192xf32> to vector<1x64x192xf32>
    %squeeze3A_331 = vector.shape_cast %slice3A_330 : vector<1x64x192xf32> to vector<64x192xf32>
    %slice3A_332 = vector.extract_strided_slice %reshape3A_285 {offsets = [2, 0, 0], sizes = [1, 64, 192], strides = [1, 1, 1]} : vector<16x64x192xf32> to vector<1x64x192xf32>
    %squeeze3A_333 = vector.shape_cast %slice3A_332 : vector<1x64x192xf32> to vector<64x192xf32>
    %dot_general3A_334 = arith.constant dense<0.000000e+00> : vector<64x64xf32>
    %dot_general3A_335 = tpu.matmul %squeeze3A_331, %squeeze3A_333, %dot_general3A_334 {dimension_numbers = #tpu.dot_dimension_numbers<[1], [1], [0], [0], [0, 0, 1, 0], [], []>, transpose_lhs_hint = false} : vector<64x192xf32>, vector<64x192xf32>, vector<64x64xf32> -> vector<64x64xf32>
    %mul3A_336 = arith.constant 0.0721687824 : f32
    %mul3A_337 = vector.broadcast %mul3A_336 : f32 to vector<64x64xf32>
    %mul3A_338 = arith.mulf %dot_general3A_335, %mul3A_337 : vector<64x64xf32>
    %reduce_max3A_339 = arith.constant dense<0xFF800000> : vector<64xf32>
    %reduce_max3A_340 = vector.multi_reduction <maximumf>, %mul3A_338, %reduce_max3A_339 [1] : vector<64x64xf32> to vector<64xf32>
    %broadcast_in_dim3A_341 = vector.shape_cast %reduce_max3A_340 : vector<64xf32> to vector<64x1xf32>
    %sub3A_342 = vector.broadcast %broadcast_in_dim3A_341 : vector<64x1xf32> to vector<64x64xf32>
    %sub3A_343 = arith.subf %mul3A_338, %sub3A_342 : vector<64x64xf32>
    %exp3A_344 = math.exp %sub3A_343 : vector<64x64xf32>
    %reduce_sum3A_345 = arith.constant dense<0.000000e+00> : vector<64xf32>
    %reduce_sum3A_346 = vector.multi_reduction <add>, %exp3A_344, %reduce_sum3A_345 [1] : vector<64x64xf32> to vector<64xf32>
    %broadcast_in_dim3A_347 = vector.shape_cast %reduce_sum3A_346 : vector<64xf32> to vector<64x1xf32>
    %div3A_348 = vector.broadcast %broadcast_in_dim3A_347 : vector<64x1xf32> to vector<64x64xf32>
    %div3A_349 = arith.divf %exp3A_344, %div3A_348 : vector<64x64xf32>
    %slice3A_350 = vector.extract_strided_slice %reshape3A_286 {offsets = [2, 0, 0], sizes = [1, 64, 192], strides = [1, 1, 1]} : vector<16x64x192xf32> to vector<1x64x192xf32>
    %squeeze3A_351 = vector.shape_cast %slice3A_350 : vector<1x64x192xf32> to vector<64x192xf32>
    %dot_general3A_352 = arith.constant dense<0.000000e+00> : vector<64x192xf32>
    %dot_general3A_353 = tpu.matmul %div3A_349, %squeeze3A_351, %dot_general3A_352 {dimension_numbers = #tpu.dot_dimension_numbers<[1], [0], [0], [1], [0, 0, 1, 1], [], []>, transpose_lhs_hint = false} : vector<64x64xf32>, vector<64x192xf32>, vector<64x192xf32> -> vector<64x192xf32>
    %slice3A_354 = vector.extract_strided_slice %reshape3A_284 {offsets = [3, 0, 0], sizes = [1, 64, 192], strides = [1, 1, 1]} : vector<16x64x192xf32> to vector<1x64x192xf32>
    %squeeze3A_355 = vector.shape_cast %slice3A_354 : vector<1x64x192xf32> to vector<64x192xf32>
    %slice3A_356 = vector.extract_strided_slice %reshape3A_285 {offsets = [3, 0, 0], sizes = [1, 64, 192], strides = [1, 1, 1]} : vector<16x64x192xf32> to vector<1x64x192xf32>
    %squeeze3A_357 = vector.shape_cast %slice3A_356 : vector<1x64x192xf32> to vector<64x192xf32>
    %dot_general3A_358 = arith.constant dense<0.000000e+00> : vector<64x64xf32>
    %dot_general3A_359 = tpu.matmul %squeeze3A_355, %squeeze3A_357, %dot_general3A_358 {dimension_numbers = #tpu.dot_dimension_numbers<[1], [1], [0], [0], [0, 0, 1, 0], [], []>, transpose_lhs_hint = false} : vector<64x192xf32>, vector<64x192xf32>, vector<64x64xf32> -> vector<64x64xf32>
    %mul3A_360 = arith.constant 0.0721687824 : f32
    %mul3A_361 = vector.broadcast %mul3A_360 : f32 to vector<64x64xf32>
    %mul3A_362 = arith.mulf %dot_general3A_359, %mul3A_361 : vector<64x64xf32>
    %reduce_max3A_363 = arith.constant dense<0xFF800000> : vector<64xf32>
    %reduce_max3A_364 = vector.multi_reduction <maximumf>, %mul3A_362, %reduce_max3A_363 [1] : vector<64x64xf32> to vector<64xf32>
    %broadcast_in_dim3A_365 = vector.shape_cast %reduce_max3A_364 : vector<64xf32> to vector<64x1xf32>
    %sub3A_366 = vector.broadcast %broadcast_in_dim3A_365 : vector<64x1xf32> to vector<64x64xf32>
    %sub3A_367 = arith.subf %mul3A_362, %sub3A_366 : vector<64x64xf32>
    %exp3A_368 = math.exp %sub3A_367 : vector<64x64xf32>
    %reduce_sum3A_369 = arith.constant dense<0.000000e+00> : vector<64xf32>
    %reduce_sum3A_370 = vector.multi_reduction <add>, %exp3A_368, %reduce_sum3A_369 [1] : vector<64x64xf32> to vector<64xf32>
    %broadcast_in_dim3A_371 = vector.shape_cast %reduce_sum3A_370 : vector<64xf32> to vector<64x1xf32>
    %div3A_372 = vector.broadcast %broadcast_in_dim3A_371 : vector<64x1xf32> to vector<64x64xf32>
    %div3A_373 = arith.divf %exp3A_368, %div3A_372 : vector<64x64xf32>
    %slice3A_374 = vector.extract_strided_slice %reshape3A_286 {offsets = [3, 0, 0], sizes = [1, 64, 192], strides = [1, 1, 1]} : vector<16x64x192xf32> to vector<1x64x192xf32>
    %squeeze3A_375 = vector.shape_cast %slice3A_374 : vector<1x64x192xf32> to vector<64x192xf32>
    %dot_general3A_376 = arith.constant dense<0.000000e+00> : vector<64x192xf32>
    %dot_general3A_377 = tpu.matmul %div3A_373, %squeeze3A_375, %dot_general3A_376 {dimension_numbers = #tpu.dot_dimension_numbers<[1], [0], [0], [1], [0, 0, 1, 1], [], []>, transpose_lhs_hint = false} : vector<64x64xf32>, vector<64x192xf32>, vector<64x192xf32> -> vector<64x192xf32>
    %slice3A_378 = vector.extract_strided_slice %reshape3A_284 {offsets = [4, 0, 0], sizes = [1, 64, 192], strides = [1, 1, 1]} : vector<16x64x192xf32> to vector<1x64x192xf32>
    %squeeze3A_379 = vector.shape_cast %slice3A_378 : vector<1x64x192xf32> to vector<64x192xf32>
    %slice3A_380 = vector.extract_strided_slice %reshape3A_285 {offsets = [4, 0, 0], sizes = [1, 64, 192], strides = [1, 1, 1]} : vector<16x64x192xf32> to vector<1x64x192xf32>
    %squeeze3A_381 = vector.shape_cast %slice3A_380 : vector<1x64x192xf32> to vector<64x192xf32>
    %dot_general3A_382 = arith.constant dense<0.000000e+00> : vector<64x64xf32>
    %dot_general3A_383 = tpu.matmul %squeeze3A_379, %squeeze3A_381, %dot_general3A_382 {dimension_numbers = #tpu.dot_dimension_numbers<[1], [1], [0], [0], [0, 0, 1, 0], [], []>, transpose_lhs_hint = false} : vector<64x192xf32>, vector<64x192xf32>, vector<64x64xf32> -> vector<64x64xf32>
    %mul3A_384 = arith.constant 0.0721687824 : f32
    %mul3A_385 = vector.broadcast %mul3A_384 : f32 to vector<64x64xf32>
    %mul3A_386 = arith.mulf %dot_general3A_383, %mul3A_385 : vector<64x64xf32>
    %reduce_max3A_387 = arith.constant dense<0xFF800000> : vector<64xf32>
    %reduce_max3A_388 = vector.multi_reduction <maximumf>, %mul3A_386, %reduce_max3A_387 [1] : vector<64x64xf32> to vector<64xf32>
    %broadcast_in_dim3A_389 = vector.shape_cast %reduce_max3A_388 : vector<64xf32> to vector<64x1xf32>
    %sub3A_390 = vector.broadcast %broadcast_in_dim3A_389 : vector<64x1xf32> to vector<64x64xf32>
    %sub3A_391 = arith.subf %mul3A_386, %sub3A_390 : vector<64x64xf32>
    %exp3A_392 = math.exp %sub3A_391 : vector<64x64xf32>
    %reduce_sum3A_393 = arith.constant dense<0.000000e+00> : vector<64xf32>
    %reduce_sum3A_394 = vector.multi_reduction <add>, %exp3A_392, %reduce_sum3A_393 [1] : vector<64x64xf32> to vector<64xf32>
    %broadcast_in_dim3A_395 = vector.shape_cast %reduce_sum3A_394 : vector<64xf32> to vector<64x1xf32>
    %div3A_396 = vector.broadcast %broadcast_in_dim3A_395 : vector<64x1xf32> to vector<64x64xf32>
    %div3A_397 = arith.divf %exp3A_392, %div3A_396 : vector<64x64xf32>
    %slice3A_398 = vector.extract_strided_slice %reshape3A_286 {offsets = [4, 0, 0], sizes = [1, 64, 192], strides = [1, 1, 1]} : vector<16x64x192xf32> to vector<1x64x192xf32>
    %squeeze3A_399 = vector.shape_cast %slice3A_398 : vector<1x64x192xf32> to vector<64x192xf32>
    %dot_general3A_400 = arith.constant dense<0.000000e+00> : vector<64x192xf32>
    %dot_general3A_401 = tpu.matmul %div3A_397, %squeeze3A_399, %dot_general3A_400 {dimension_numbers = #tpu.dot_dimension_numbers<[1], [0], [0], [1], [0, 0, 1, 1], [], []>, transpose_lhs_hint = false} : vector<64x64xf32>, vector<64x192xf32>, vector<64x192xf32> -> vector<64x192xf32>
    %slice3A_402 = vector.extract_strided_slice %reshape3A_284 {offsets = [5, 0, 0], sizes = [1, 64, 192], strides = [1, 1, 1]} : vector<16x64x192xf32> to vector<1x64x192xf32>
    %squeeze3A_403 = vector.shape_cast %slice3A_402 : vector<1x64x192xf32> to vector<64x192xf32>
    %slice3A_404 = vector.extract_strided_slice %reshape3A_285 {offsets = [5, 0, 0], sizes = [1, 64, 192], strides = [1, 1, 1]} : vector<16x64x192xf32> to vector<1x64x192xf32>
    %squeeze3A_405 = vector.shape_cast %slice3A_404 : vector<1x64x192xf32> to vector<64x192xf32>
    %dot_general3A_406 = arith.constant dense<0.000000e+00> : vector<64x64xf32>
    %dot_general3A_407 = tpu.matmul %squeeze3A_403, %squeeze3A_405, %dot_general3A_406 {dimension_numbers = #tpu.dot_dimension_numbers<[1], [1], [0], [0], [0, 0, 1, 0], [], []>, transpose_lhs_hint = false} : vector<64x192xf32>, vector<64x192xf32>, vector<64x64xf32> -> vector<64x64xf32>
    %mul3A_408 = arith.constant 0.0721687824 : f32
    %mul3A_409 = vector.broadcast %mul3A_408 : f32 to vector<64x64xf32>
    %mul3A_410 = arith.mulf %dot_general3A_407, %mul3A_409 : vector<64x64xf32>
    %reduce_max3A_411 = arith.constant dense<0xFF800000> : vector<64xf32>
    %reduce_max3A_412 = vector.multi_reduction <maximumf>, %mul3A_410, %reduce_max3A_411 [1] : vector<64x64xf32> to vector<64xf32>
    %broadcast_in_dim3A_413 = vector.shape_cast %reduce_max3A_412 : vector<64xf32> to vector<64x1xf32>
    %sub3A_414 = vector.broadcast %broadcast_in_dim3A_413 : vector<64x1xf32> to vector<64x64xf32>
    %sub3A_415 = arith.subf %mul3A_410, %sub3A_414 : vector<64x64xf32>
    %exp3A_416 = math.exp %sub3A_415 : vector<64x64xf32>
    %reduce_sum3A_417 = arith.constant dense<0.000000e+00> : vector<64xf32>
    %reduce_sum3A_418 = vector.multi_reduction <add>, %exp3A_416, %reduce_sum3A_417 [1] : vector<64x64xf32> to vector<64xf32>
    %broadcast_in_dim3A_419 = vector.shape_cast %reduce_sum3A_418 : vector<64xf32> to vector<64x1xf32>
    %div3A_420 = vector.broadcast %broadcast_in_dim3A_419 : vector<64x1xf32> to vector<64x64xf32>
    %div3A_421 = arith.divf %exp3A_416, %div3A_420 : vector<64x64xf32>
    %slice3A_422 = vector.extract_strided_slice %reshape3A_286 {offsets = [5, 0, 0], sizes = [1, 64, 192], strides = [1, 1, 1]} : vector<16x64x192xf32> to vector<1x64x192xf32>
    %squeeze3A_423 = vector.shape_cast %slice3A_422 : vector<1x64x192xf32> to vector<64x192xf32>
    %dot_general3A_424 = arith.constant dense<0.000000e+00> : vector<64x192xf32>
    %dot_general3A_425 = tpu.matmul %div3A_421, %squeeze3A_423, %dot_general3A_424 {dimension_numbers = #tpu.dot_dimension_numbers<[1], [0], [0], [1], [0, 0, 1, 1], [], []>, transpose_lhs_hint = false} : vector<64x64xf32>, vector<64x192xf32>, vector<64x192xf32> -> vector<64x192xf32>
    %slice3A_426 = vector.extract_strided_slice %reshape3A_284 {offsets = [6, 0, 0], sizes = [1, 64, 192], strides = [1, 1, 1]} : vector<16x64x192xf32> to vector<1x64x192xf32>
    %squeeze3A_427 = vector.shape_cast %slice3A_426 : vector<1x64x192xf32> to vector<64x192xf32>
    %slice3A_428 = vector.extract_strided_slice %reshape3A_285 {offsets = [6, 0, 0], sizes = [1, 64, 192], strides = [1, 1, 1]} : vector<16x64x192xf32> to vector<1x64x192xf32>
    %squeeze3A_429 = vector.shape_cast %slice3A_428 : vector<1x64x192xf32> to vector<64x192xf32>
    %dot_general3A_430 = arith.constant dense<0.000000e+00> : vector<64x64xf32>
    %dot_general3A_431 = tpu.matmul %squeeze3A_427, %squeeze3A_429, %dot_general3A_430 {dimension_numbers = #tpu.dot_dimension_numbers<[1], [1], [0], [0], [0, 0, 1, 0], [], []>, transpose_lhs_hint = false} : vector<64x192xf32>, vector<64x192xf32>, vector<64x64xf32> -> vector<64x64xf32>
    %mul3A_432 = arith.constant 0.0721687824 : f32
    %mul3A_433 = vector.broadcast %mul3A_432 : f32 to vector<64x64xf32>
    %mul3A_434 = arith.mulf %dot_general3A_431, %mul3A_433 : vector<64x64xf32>
    %reduce_max3A_435 = arith.constant dense<0xFF800000> : vector<64xf32>
    %reduce_max3A_436 = vector.multi_reduction <maximumf>, %mul3A_434, %reduce_max3A_435 [1] : vector<64x64xf32> to vector<64xf32>
    %broadcast_in_dim3A_437 = vector.shape_cast %reduce_max3A_436 : vector<64xf32> to vector<64x1xf32>
    %sub3A_438 = vector.broadcast %broadcast_in_dim3A_437 : vector<64x1xf32> to vector<64x64xf32>
    %sub3A_439 = arith.subf %mul3A_434, %sub3A_438 : vector<64x64xf32>
    %exp3A_440 = math.exp %sub3A_439 : vector<64x64xf32>
    %reduce_sum3A_441 = arith.constant dense<0.000000e+00> : vector<64xf32>
    %reduce_sum3A_442 = vector.multi_reduction <add>, %exp3A_440, %reduce_sum3A_441 [1] : vector<64x64xf32> to vector<64xf32>
    %broadcast_in_dim3A_443 = vector.shape_cast %reduce_sum3A_442 : vector<64xf32> to vector<64x1xf32>
    %div3A_444 = vector.broadcast %broadcast_in_dim3A_443 : vector<64x1xf32> to vector<64x64xf32>
    %div3A_445 = arith.divf %exp3A_440, %div3A_444 : vector<64x64xf32>
    %slice3A_446 = vector.extract_strided_slice %reshape3A_286 {offsets = [6, 0, 0], sizes = [1, 64, 192], strides = [1, 1, 1]} : vector<16x64x192xf32> to vector<1x64x192xf32>
    %squeeze3A_447 = vector.shape_cast %slice3A_446 : vector<1x64x192xf32> to vector<64x192xf32>
    %dot_general3A_448 = arith.constant dense<0.000000e+00> : vector<64x192xf32>
    %dot_general3A_449 = tpu.matmul %div3A_445, %squeeze3A_447, %dot_general3A_448 {dimension_numbers = #tpu.dot_dimension_numbers<[1], [0], [0], [1], [0, 0, 1, 1], [], []>, transpose_lhs_hint = false} : vector<64x64xf32>, vector<64x192xf32>, vector<64x192xf32> -> vector<64x192xf32>
    %slice3A_450 = vector.extract_strided_slice %reshape3A_284 {offsets = [7, 0, 0], sizes = [1, 64, 192], strides = [1, 1, 1]} : vector<16x64x192xf32> to vector<1x64x192xf32>
    %squeeze3A_451 = vector.shape_cast %slice3A_450 : vector<1x64x192xf32> to vector<64x192xf32>
    %slice3A_452 = vector.extract_strided_slice %reshape3A_285 {offsets = [7, 0, 0], sizes = [1, 64, 192], strides = [1, 1, 1]} : vector<16x64x192xf32> to vector<1x64x192xf32>
    %squeeze3A_453 = vector.shape_cast %slice3A_452 : vector<1x64x192xf32> to vector<64x192xf32>
    %dot_general3A_454 = arith.constant dense<0.000000e+00> : vector<64x64xf32>
    %dot_general3A_455 = tpu.matmul %squeeze3A_451, %squeeze3A_453, %dot_general3A_454 {dimension_numbers = #tpu.dot_dimension_numbers<[1], [1], [0], [0], [0, 0, 1, 0], [], []>, transpose_lhs_hint = false} : vector<64x192xf32>, vector<64x192xf32>, vector<64x64xf32> -> vector<64x64xf32>
    %mul3A_456 = arith.constant 0.0721687824 : f32
    %mul3A_457 = vector.broadcast %mul3A_456 : f32 to vector<64x64xf32>
    %mul3A_458 = arith.mulf %dot_general3A_455, %mul3A_457 : vector<64x64xf32>
    %reduce_max3A_459 = arith.constant dense<0xFF800000> : vector<64xf32>
    %reduce_max3A_460 = vector.multi_reduction <maximumf>, %mul3A_458, %reduce_max3A_459 [1] : vector<64x64xf32> to vector<64xf32>
    %broadcast_in_dim3A_461 = vector.shape_cast %reduce_max3A_460 : vector<64xf32> to vector<64x1xf32>
    %sub3A_462 = vector.broadcast %broadcast_in_dim3A_461 : vector<64x1xf32> to vector<64x64xf32>
    %sub3A_463 = arith.subf %mul3A_458, %sub3A_462 : vector<64x64xf32>
    %exp3A_464 = math.exp %sub3A_463 : vector<64x64xf32>
    %reduce_sum3A_465 = arith.constant dense<0.000000e+00> : vector<64xf32>
    %reduce_sum3A_466 = vector.multi_reduction <add>, %exp3A_464, %reduce_sum3A_465 [1] : vector<64x64xf32> to vector<64xf32>
    %broadcast_in_dim3A_467 = vector.shape_cast %reduce_sum3A_466 : vector<64xf32> to vector<64x1xf32>
    %div3A_468 = vector.broadcast %broadcast_in_dim3A_467 : vector<64x1xf32> to vector<64x64xf32>
    %div3A_469 = arith.divf %exp3A_464, %div3A_468 : vector<64x64xf32>
    %slice3A_470 = vector.extract_strided_slice %reshape3A_286 {offsets = [7, 0, 0], sizes = [1, 64, 192], strides = [1, 1, 1]} : vector<16x64x192xf32> to vector<1x64x192xf32>
    %squeeze3A_471 = vector.shape_cast %slice3A_470 : vector<1x64x192xf32> to vector<64x192xf32>
    %dot_general3A_472 = arith.constant dense<0.000000e+00> : vector<64x192xf32>
    %dot_general3A_473 = tpu.matmul %div3A_469, %squeeze3A_471, %dot_general3A_472 {dimension_numbers = #tpu.dot_dimension_numbers<[1], [0], [0], [1], [0, 0, 1, 1], [], []>, transpose_lhs_hint = false} : vector<64x64xf32>, vector<64x192xf32>, vector<64x192xf32> -> vector<64x192xf32>
    %slice3A_474 = vector.extract_strided_slice %reshape3A_284 {offsets = [8, 0, 0], sizes = [1, 64, 192], strides = [1, 1, 1]} : vector<16x64x192xf32> to vector<1x64x192xf32>
    %squeeze3A_475 = vector.shape_cast %slice3A_474 : vector<1x64x192xf32> to vector<64x192xf32>
    %slice3A_476 = vector.extract_strided_slice %reshape3A_285 {offsets = [8, 0, 0], sizes = [1, 64, 192], strides = [1, 1, 1]} : vector<16x64x192xf32> to vector<1x64x192xf32>
    %squeeze3A_477 = vector.shape_cast %slice3A_476 : vector<1x64x192xf32> to vector<64x192xf32>
    %dot_general3A_478 = arith.constant dense<0.000000e+00> : vector<64x64xf32>
    %dot_general3A_479 = tpu.matmul %squeeze3A_475, %squeeze3A_477, %dot_general3A_478 {dimension_numbers = #tpu.dot_dimension_numbers<[1], [1], [0], [0], [0, 0, 1, 0], [], []>, transpose_lhs_hint = false} : vector<64x192xf32>, vector<64x192xf32>, vector<64x64xf32> -> vector<64x64xf32>
    %mul3A_480 = arith.constant 0.0721687824 : f32
    %mul3A_481 = vector.broadcast %mul3A_480 : f32 to vector<64x64xf32>
    %mul3A_482 = arith.mulf %dot_general3A_479, %mul3A_481 : vector<64x64xf32>
    %reduce_max3A_483 = arith.constant dense<0xFF800000> : vector<64xf32>
    %reduce_max3A_484 = vector.multi_reduction <maximumf>, %mul3A_482, %reduce_max3A_483 [1] : vector<64x64xf32> to vector<64xf32>
    %broadcast_in_dim3A_485 = vector.shape_cast %reduce_max3A_484 : vector<64xf32> to vector<64x1xf32>
    %sub3A_486 = vector.broadcast %broadcast_in_dim3A_485 : vector<64x1xf32> to vector<64x64xf32>
    %sub3A_487 = arith.subf %mul3A_482, %sub3A_486 : vector<64x64xf32>
    %exp3A_488 = math.exp %sub3A_487 : vector<64x64xf32>
    %reduce_sum3A_489 = arith.constant dense<0.000000e+00> : vector<64xf32>
    %reduce_sum3A_490 = vector.multi_reduction <add>, %exp3A_488, %reduce_sum3A_489 [1] : vector<64x64xf32> to vector<64xf32>
    %broadcast_in_dim3A_491 = vector.shape_cast %reduce_sum3A_490 : vector<64xf32> to vector<64x1xf32>
    %div3A_492 = vector.broadcast %broadcast_in_dim3A_491 : vector<64x1xf32> to vector<64x64xf32>
    %div3A_493 = arith.divf %exp3A_488, %div3A_492 : vector<64x64xf32>
    %slice3A_494 = vector.extract_strided_slice %reshape3A_286 {offsets = [8, 0, 0], sizes = [1, 64, 192], strides = [1, 1, 1]} : vector<16x64x192xf32> to vector<1x64x192xf32>
    %squeeze3A_495 = vector.shape_cast %slice3A_494 : vector<1x64x192xf32> to vector<64x192xf32>
    %dot_general3A_496 = arith.constant dense<0.000000e+00> : vector<64x192xf32>
    %dot_general3A_497 = tpu.matmul %div3A_493, %squeeze3A_495, %dot_general3A_496 {dimension_numbers = #tpu.dot_dimension_numbers<[1], [0], [0], [1], [0, 0, 1, 1], [], []>, transpose_lhs_hint = false} : vector<64x64xf32>, vector<64x192xf32>, vector<64x192xf32> -> vector<64x192xf32>
    %slice3A_498 = vector.extract_strided_slice %reshape3A_284 {offsets = [9, 0, 0], sizes = [1, 64, 192], strides = [1, 1, 1]} : vector<16x64x192xf32> to vector<1x64x192xf32>
    %squeeze3A_499 = vector.shape_cast %slice3A_498 : vector<1x64x192xf32> to vector<64x192xf32>
    %slice3A_500 = vector.extract_strided_slice %reshape3A_285 {offsets = [9, 0, 0], sizes = [1, 64, 192], strides = [1, 1, 1]} : vector<16x64x192xf32> to vector<1x64x192xf32>
    %squeeze3A_501 = vector.shape_cast %slice3A_500 : vector<1x64x192xf32> to vector<64x192xf32>
    %dot_general3A_502 = arith.constant dense<0.000000e+00> : vector<64x64xf32>
    %dot_general3A_503 = tpu.matmul %squeeze3A_499, %squeeze3A_501, %dot_general3A_502 {dimension_numbers = #tpu.dot_dimension_numbers<[1], [1], [0], [0], [0, 0, 1, 0], [], []>, transpose_lhs_hint = false} : vector<64x192xf32>, vector<64x192xf32>, vector<64x64xf32> -> vector<64x64xf32>
    %mul3A_504 = arith.constant 0.0721687824 : f32
    %mul3A_505 = vector.broadcast %mul3A_504 : f32 to vector<64x64xf32>
    %mul3A_506 = arith.mulf %dot_general3A_503, %mul3A_505 : vector<64x64xf32>
    %reduce_max3A_507 = arith.constant dense<0xFF800000> : vector<64xf32>
    %reduce_max3A_508 = vector.multi_reduction <maximumf>, %mul3A_506, %reduce_max3A_507 [1] : vector<64x64xf32> to vector<64xf32>
    %broadcast_in_dim3A_509 = vector.shape_cast %reduce_max3A_508 : vector<64xf32> to vector<64x1xf32>
    %sub3A_510 = vector.broadcast %broadcast_in_dim3A_509 : vector<64x1xf32> to vector<64x64xf32>
    %sub3A_511 = arith.subf %mul3A_506, %sub3A_510 : vector<64x64xf32>
    %exp3A_512 = math.exp %sub3A_511 : vector<64x64xf32>
    %reduce_sum3A_513 = arith.constant dense<0.000000e+00> : vector<64xf32>
    %reduce_sum3A_514 = vector.multi_reduction <add>, %exp3A_512, %reduce_sum3A_513 [1] : vector<64x64xf32> to vector<64xf32>
    %broadcast_in_dim3A_515 = vector.shape_cast %reduce_sum3A_514 : vector<64xf32> to vector<64x1xf32>
    %div3A_516 = vector.broadcast %broadcast_in_dim3A_515 : vector<64x1xf32> to vector<64x64xf32>
    %div3A_517 = arith.divf %exp3A_512, %div3A_516 : vector<64x64xf32>
    %slice3A_518 = vector.extract_strided_slice %reshape3A_286 {offsets = [9, 0, 0], sizes = [1, 64, 192], strides = [1, 1, 1]} : vector<16x64x192xf32> to vector<1x64x192xf32>
    %squeeze3A_519 = vector.shape_cast %slice3A_518 : vector<1x64x192xf32> to vector<64x192xf32>
    %dot_general3A_520 = arith.constant dense<0.000000e+00> : vector<64x192xf32>
    %dot_general3A_521 = tpu.matmul %div3A_517, %squeeze3A_519, %dot_general3A_520 {dimension_numbers = #tpu.dot_dimension_numbers<[1], [0], [0], [1], [0, 0, 1, 1], [], []>, transpose_lhs_hint = false} : vector<64x64xf32>, vector<64x192xf32>, vector<64x192xf32> -> vector<64x192xf32>
    %slice3A_522 = vector.extract_strided_slice %reshape3A_284 {offsets = [10, 0, 0], sizes = [1, 64, 192], strides = [1, 1, 1]} : vector<16x64x192xf32> to vector<1x64x192xf32>
    %squeeze3A_523 = vector.shape_cast %slice3A_522 : vector<1x64x192xf32> to vector<64x192xf32>
    %slice3A_524 = vector.extract_strided_slice %reshape3A_285 {offsets = [10, 0, 0], sizes = [1, 64, 192], strides = [1, 1, 1]} : vector<16x64x192xf32> to vector<1x64x192xf32>
    %squeeze3A_525 = vector.shape_cast %slice3A_524 : vector<1x64x192xf32> to vector<64x192xf32>
    %dot_general3A_526 = arith.constant dense<0.000000e+00> : vector<64x64xf32>
    %dot_general3A_527 = tpu.matmul %squeeze3A_523, %squeeze3A_525, %dot_general3A_526 {dimension_numbers = #tpu.dot_dimension_numbers<[1], [1], [0], [0], [0, 0, 1, 0], [], []>, transpose_lhs_hint = false} : vector<64x192xf32>, vector<64x192xf32>, vector<64x64xf32> -> vector<64x64xf32>
    %mul3A_528 = arith.constant 0.0721687824 : f32
    %mul3A_529 = vector.broadcast %mul3A_528 : f32 to vector<64x64xf32>
    %mul3A_530 = arith.mulf %dot_general3A_527, %mul3A_529 : vector<64x64xf32>
    %reduce_max3A_531 = arith.constant dense<0xFF800000> : vector<64xf32>
    %reduce_max3A_532 = vector.multi_reduction <maximumf>, %mul3A_530, %reduce_max3A_531 [1] : vector<64x64xf32> to vector<64xf32>
    %broadcast_in_dim3A_533 = vector.shape_cast %reduce_max3A_532 : vector<64xf32> to vector<64x1xf32>
    %sub3A_534 = vector.broadcast %broadcast_in_dim3A_533 : vector<64x1xf32> to vector<64x64xf32>
    %sub3A_535 = arith.subf %mul3A_530, %sub3A_534 : vector<64x64xf32>
    %exp3A_536 = math.exp %sub3A_535 : vector<64x64xf32>
    %reduce_sum3A_537 = arith.constant dense<0.000000e+00> : vector<64xf32>
    %reduce_sum3A_538 = vector.multi_reduction <add>, %exp3A_536, %reduce_sum3A_537 [1] : vector<64x64xf32> to vector<64xf32>
    %broadcast_in_dim3A_539 = vector.shape_cast %reduce_sum3A_538 : vector<64xf32> to vector<64x1xf32>
    %div3A_540 = vector.broadcast %broadcast_in_dim3A_539 : vector<64x1xf32> to vector<64x64xf32>
    %div3A_541 = arith.divf %exp3A_536, %div3A_540 : vector<64x64xf32>
    %slice3A_542 = vector.extract_strided_slice %reshape3A_286 {offsets = [10, 0, 0], sizes = [1, 64, 192], strides = [1, 1, 1]} : vector<16x64x192xf32> to vector<1x64x192xf32>
    %squeeze3A_543 = vector.shape_cast %slice3A_542 : vector<1x64x192xf32> to vector<64x192xf32>
    %dot_general3A_544 = arith.constant dense<0.000000e+00> : vector<64x192xf32>
    %dot_general3A_545 = tpu.matmul %div3A_541, %squeeze3A_543, %dot_general3A_544 {dimension_numbers = #tpu.dot_dimension_numbers<[1], [0], [0], [1], [0, 0, 1, 1], [], []>, transpose_lhs_hint = false} : vector<64x64xf32>, vector<64x192xf32>, vector<64x192xf32> -> vector<64x192xf32>
    %slice3A_546 = vector.extract_strided_slice %reshape3A_284 {offsets = [11, 0, 0], sizes = [1, 64, 192], strides = [1, 1, 1]} : vector<16x64x192xf32> to vector<1x64x192xf32>
    %squeeze3A_547 = vector.shape_cast %slice3A_546 : vector<1x64x192xf32> to vector<64x192xf32>
    %slice3A_548 = vector.extract_strided_slice %reshape3A_285 {offsets = [11, 0, 0], sizes = [1, 64, 192], strides = [1, 1, 1]} : vector<16x64x192xf32> to vector<1x64x192xf32>
    %squeeze3A_549 = vector.shape_cast %slice3A_548 : vector<1x64x192xf32> to vector<64x192xf32>
    %dot_general3A_550 = arith.constant dense<0.000000e+00> : vector<64x64xf32>
    %dot_general3A_551 = tpu.matmul %squeeze3A_547, %squeeze3A_549, %dot_general3A_550 {dimension_numbers = #tpu.dot_dimension_numbers<[1], [1], [0], [0], [0, 0, 1, 0], [], []>, transpose_lhs_hint = false} : vector<64x192xf32>, vector<64x192xf32>, vector<64x64xf32> -> vector<64x64xf32>
    %mul3A_552 = arith.constant 0.0721687824 : f32
    %mul3A_553 = vector.broadcast %mul3A_552 : f32 to vector<64x64xf32>
    %mul3A_554 = arith.mulf %dot_general3A_551, %mul3A_553 : vector<64x64xf32>
    %reduce_max3A_555 = arith.constant dense<0xFF800000> : vector<64xf32>
    %reduce_max3A_556 = vector.multi_reduction <maximumf>, %mul3A_554, %reduce_max3A_555 [1] : vector<64x64xf32> to vector<64xf32>
    %broadcast_in_dim3A_557 = vector.shape_cast %reduce_max3A_556 : vector<64xf32> to vector<64x1xf32>
    %sub3A_558 = vector.broadcast %broadcast_in_dim3A_557 : vector<64x1xf32> to vector<64x64xf32>
    %sub3A_559 = arith.subf %mul3A_554, %sub3A_558 : vector<64x64xf32>
    %exp3A_560 = math.exp %sub3A_559 : vector<64x64xf32>
    %reduce_sum3A_561 = arith.constant dense<0.000000e+00> : vector<64xf32>
    %reduce_sum3A_562 = vector.multi_reduction <add>, %exp3A_560, %reduce_sum3A_561 [1] : vector<64x64xf32> to vector<64xf32>
    %broadcast_in_dim3A_563 = vector.shape_cast %reduce_sum3A_562 : vector<64xf32> to vector<64x1xf32>
    %div3A_564 = vector.broadcast %broadcast_in_dim3A_563 : vector<64x1xf32> to vector<64x64xf32>
    %div3A_565 = arith.divf %exp3A_560, %div3A_564 : vector<64x64xf32>
    %slice3A_566 = vector.extract_strided_slice %reshape3A_286 {offsets = [11, 0, 0], sizes = [1, 64, 192], strides = [1, 1, 1]} : vector<16x64x192xf32> to vector<1x64x192xf32>
    %squeeze3A_567 = vector.shape_cast %slice3A_566 : vector<1x64x192xf32> to vector<64x192xf32>
    %dot_general3A_568 = arith.constant dense<0.000000e+00> : vector<64x192xf32>
    %dot_general3A_569 = tpu.matmul %div3A_565, %squeeze3A_567, %dot_general3A_568 {dimension_numbers = #tpu.dot_dimension_numbers<[1], [0], [0], [1], [0, 0, 1, 1], [], []>, transpose_lhs_hint = false} : vector<64x64xf32>, vector<64x192xf32>, vector<64x192xf32> -> vector<64x192xf32>
    %slice3A_570 = vector.extract_strided_slice %reshape3A_284 {offsets = [12, 0, 0], sizes = [1, 64, 192], strides = [1, 1, 1]} : vector<16x64x192xf32> to vector<1x64x192xf32>
    %squeeze3A_571 = vector.shape_cast %slice3A_570 : vector<1x64x192xf32> to vector<64x192xf32>
    %slice3A_572 = vector.extract_strided_slice %reshape3A_285 {offsets = [12, 0, 0], sizes = [1, 64, 192], strides = [1, 1, 1]} : vector<16x64x192xf32> to vector<1x64x192xf32>
    %squeeze3A_573 = vector.shape_cast %slice3A_572 : vector<1x64x192xf32> to vector<64x192xf32>
    %dot_general3A_574 = arith.constant dense<0.000000e+00> : vector<64x64xf32>
    %dot_general3A_575 = tpu.matmul %squeeze3A_571, %squeeze3A_573, %dot_general3A_574 {dimension_numbers = #tpu.dot_dimension_numbers<[1], [1], [0], [0], [0, 0, 1, 0], [], []>, transpose_lhs_hint = false} : vector<64x192xf32>, vector<64x192xf32>, vector<64x64xf32> -> vector<64x64xf32>
    %mul3A_576 = arith.constant 0.0721687824 : f32
    %mul3A_577 = vector.broadcast %mul3A_576 : f32 to vector<64x64xf32>
    %mul3A_578 = arith.mulf %dot_general3A_575, %mul3A_577 : vector<64x64xf32>
    %reduce_max3A_579 = arith.constant dense<0xFF800000> : vector<64xf32>
    %reduce_max3A_580 = vector.multi_reduction <maximumf>, %mul3A_578, %reduce_max3A_579 [1] : vector<64x64xf32> to vector<64xf32>
    %broadcast_in_dim3A_581 = vector.shape_cast %reduce_max3A_580 : vector<64xf32> to vector<64x1xf32>
    %sub3A_582 = vector.broadcast %broadcast_in_dim3A_581 : vector<64x1xf32> to vector<64x64xf32>
    %sub3A_583 = arith.subf %mul3A_578, %sub3A_582 : vector<64x64xf32>
    %exp3A_584 = math.exp %sub3A_583 : vector<64x64xf32>
    %reduce_sum3A_585 = arith.constant dense<0.000000e+00> : vector<64xf32>
    %reduce_sum3A_586 = vector.multi_reduction <add>, %exp3A_584, %reduce_sum3A_585 [1] : vector<64x64xf32> to vector<64xf32>
    %broadcast_in_dim3A_587 = vector.shape_cast %reduce_sum3A_586 : vector<64xf32> to vector<64x1xf32>
    %div3A_588 = vector.broadcast %broadcast_in_dim3A_587 : vector<64x1xf32> to vector<64x64xf32>
    %div3A_589 = arith.divf %exp3A_584, %div3A_588 : vector<64x64xf32>
    %slice3A_590 = vector.extract_strided_slice %reshape3A_286 {offsets = [12, 0, 0], sizes = [1, 64, 192], strides = [1, 1, 1]} : vector<16x64x192xf32> to vector<1x64x192xf32>
    %squeeze3A_591 = vector.shape_cast %slice3A_590 : vector<1x64x192xf32> to vector<64x192xf32>
    %dot_general3A_592 = arith.constant dense<0.000000e+00> : vector<64x192xf32>
    %dot_general3A_593 = tpu.matmul %div3A_589, %squeeze3A_591, %dot_general3A_592 {dimension_numbers = #tpu.dot_dimension_numbers<[1], [0], [0], [1], [0, 0, 1, 1], [], []>, transpose_lhs_hint = false} : vector<64x64xf32>, vector<64x192xf32>, vector<64x192xf32> -> vector<64x192xf32>
    %slice3A_594 = vector.extract_strided_slice %reshape3A_284 {offsets = [13, 0, 0], sizes = [1, 64, 192], strides = [1, 1, 1]} : vector<16x64x192xf32> to vector<1x64x192xf32>
    %squeeze3A_595 = vector.shape_cast %slice3A_594 : vector<1x64x192xf32> to vector<64x192xf32>
    %slice3A_596 = vector.extract_strided_slice %reshape3A_285 {offsets = [13, 0, 0], sizes = [1, 64, 192], strides = [1, 1, 1]} : vector<16x64x192xf32> to vector<1x64x192xf32>
    %squeeze3A_597 = vector.shape_cast %slice3A_596 : vector<1x64x192xf32> to vector<64x192xf32>
    %dot_general3A_598 = arith.constant dense<0.000000e+00> : vector<64x64xf32>
    %dot_general3A_599 = tpu.matmul %squeeze3A_595, %squeeze3A_597, %dot_general3A_598 {dimension_numbers = #tpu.dot_dimension_numbers<[1], [1], [0], [0], [0, 0, 1, 0], [], []>, transpose_lhs_hint = false} : vector<64x192xf32>, vector<64x192xf32>, vector<64x64xf32> -> vector<64x64xf32>
    %mul3A_600 = arith.constant 0.0721687824 : f32
    %mul3A_601 = vector.broadcast %mul3A_600 : f32 to vector<64x64xf32>
    %mul3A_602 = arith.mulf %dot_general3A_599, %mul3A_601 : vector<64x64xf32>
    %reduce_max3A_603 = arith.constant dense<0xFF800000> : vector<64xf32>
    %reduce_max3A_604 = vector.multi_reduction <maximumf>, %mul3A_602, %reduce_max3A_603 [1] : vector<64x64xf32> to vector<64xf32>
    %broadcast_in_dim3A_605 = vector.shape_cast %reduce_max3A_604 : vector<64xf32> to vector<64x1xf32>
    %sub3A_606 = vector.broadcast %broadcast_in_dim3A_605 : vector<64x1xf32> to vector<64x64xf32>
    %sub3A_607 = arith.subf %mul3A_602, %sub3A_606 : vector<64x64xf32>
    %exp3A_608 = math.exp %sub3A_607 : vector<64x64xf32>
    %reduce_sum3A_609 = arith.constant dense<0.000000e+00> : vector<64xf32>
    %reduce_sum3A_610 = vector.multi_reduction <add>, %exp3A_608, %reduce_sum3A_609 [1] : vector<64x64xf32> to vector<64xf32>
    %broadcast_in_dim3A_611 = vector.shape_cast %reduce_sum3A_610 : vector<64xf32> to vector<64x1xf32>
    %div3A_612 = vector.broadcast %broadcast_in_dim3A_611 : vector<64x1xf32> to vector<64x64xf32>
    %div3A_613 = arith.divf %exp3A_608, %div3A_612 : vector<64x64xf32>
    %slice3A_614 = vector.extract_strided_slice %reshape3A_286 {offsets = [13, 0, 0], sizes = [1, 64, 192], strides = [1, 1, 1]} : vector<16x64x192xf32> to vector<1x64x192xf32>
    %squeeze3A_615 = vector.shape_cast %slice3A_614 : vector<1x64x192xf32> to vector<64x192xf32>
    %dot_general3A_616 = arith.constant dense<0.000000e+00> : vector<64x192xf32>
    %dot_general3A_617 = tpu.matmul %div3A_613, %squeeze3A_615, %dot_general3A_616 {dimension_numbers = #tpu.dot_dimension_numbers<[1], [0], [0], [1], [0, 0, 1, 1], [], []>, transpose_lhs_hint = false} : vector<64x64xf32>, vector<64x192xf32>, vector<64x192xf32> -> vector<64x192xf32>
    %slice3A_618 = vector.extract_strided_slice %reshape3A_284 {offsets = [14, 0, 0], sizes = [1, 64, 192], strides = [1, 1, 1]} : vector<16x64x192xf32> to vector<1x64x192xf32>
    %squeeze3A_619 = vector.shape_cast %slice3A_618 : vector<1x64x192xf32> to vector<64x192xf32>
    %slice3A_620 = vector.extract_strided_slice %reshape3A_285 {offsets = [14, 0, 0], sizes = [1, 64, 192], strides = [1, 1, 1]} : vector<16x64x192xf32> to vector<1x64x192xf32>
    %squeeze3A_621 = vector.shape_cast %slice3A_620 : vector<1x64x192xf32> to vector<64x192xf32>
    %dot_general3A_622 = arith.constant dense<0.000000e+00> : vector<64x64xf32>
    %dot_general3A_623 = tpu.matmul %squeeze3A_619, %squeeze3A_621, %dot_general3A_622 {dimension_numbers = #tpu.dot_dimension_numbers<[1], [1], [0], [0], [0, 0, 1, 0], [], []>, transpose_lhs_hint = false} : vector<64x192xf32>, vector<64x192xf32>, vector<64x64xf32> -> vector<64x64xf32>
    %mul3A_624 = arith.constant 0.0721687824 : f32
    %mul3A_625 = vector.broadcast %mul3A_624 : f32 to vector<64x64xf32>
    %mul3A_626 = arith.mulf %dot_general3A_623, %mul3A_625 : vector<64x64xf32>
    %reduce_max3A_627 = arith.constant dense<0xFF800000> : vector<64xf32>
    %reduce_max3A_628 = vector.multi_reduction <maximumf>, %mul3A_626, %reduce_max3A_627 [1] : vector<64x64xf32> to vector<64xf32>
    %broadcast_in_dim3A_629 = vector.shape_cast %reduce_max3A_628 : vector<64xf32> to vector<64x1xf32>
    %sub3A_630 = vector.broadcast %broadcast_in_dim3A_629 : vector<64x1xf32> to vector<64x64xf32>
    %sub3A_631 = arith.subf %mul3A_626, %sub3A_630 : vector<64x64xf32>
    %exp3A_632 = math.exp %sub3A_631 : vector<64x64xf32>
    %reduce_sum3A_633 = arith.constant dense<0.000000e+00> : vector<64xf32>
    %reduce_sum3A_634 = vector.multi_reduction <add>, %exp3A_632, %reduce_sum3A_633 [1] : vector<64x64xf32> to vector<64xf32>
    %broadcast_in_dim3A_635 = vector.shape_cast %reduce_sum3A_634 : vector<64xf32> to vector<64x1xf32>
    %div3A_636 = vector.broadcast %broadcast_in_dim3A_635 : vector<64x1xf32> to vector<64x64xf32>
    %div3A_637 = arith.divf %exp3A_632, %div3A_636 : vector<64x64xf32>
    %slice3A_638 = vector.extract_strided_slice %reshape3A_286 {offsets = [14, 0, 0], sizes = [1, 64, 192], strides = [1, 1, 1]} : vector<16x64x192xf32> to vector<1x64x192xf32>
    %squeeze3A_639 = vector.shape_cast %slice3A_638 : vector<1x64x192xf32> to vector<64x192xf32>
    %dot_general3A_640 = arith.constant dense<0.000000e+00> : vector<64x192xf32>
    %dot_general3A_641 = tpu.matmul %div3A_637, %squeeze3A_639, %dot_general3A_640 {dimension_numbers = #tpu.dot_dimension_numbers<[1], [0], [0], [1], [0, 0, 1, 1], [], []>, transpose_lhs_hint = false} : vector<64x64xf32>, vector<64x192xf32>, vector<64x192xf32> -> vector<64x192xf32>
    %slice3A_642 = vector.extract_strided_slice %reshape3A_284 {offsets = [15, 0, 0], sizes = [1, 64, 192], strides = [1, 1, 1]} : vector<16x64x192xf32> to vector<1x64x192xf32>
    %squeeze3A_643 = vector.shape_cast %slice3A_642 : vector<1x64x192xf32> to vector<64x192xf32>
    %slice3A_644 = vector.extract_strided_slice %reshape3A_285 {offsets = [15, 0, 0], sizes = [1, 64, 192], strides = [1, 1, 1]} : vector<16x64x192xf32> to vector<1x64x192xf32>
    %squeeze3A_645 = vector.shape_cast %slice3A_644 : vector<1x64x192xf32> to vector<64x192xf32>
    %dot_general3A_646 = arith.constant dense<0.000000e+00> : vector<64x64xf32>
    %dot_general3A_647 = tpu.matmul %squeeze3A_643, %squeeze3A_645, %dot_general3A_646 {dimension_numbers = #tpu.dot_dimension_numbers<[1], [1], [0], [0], [0, 0, 1, 0], [], []>, transpose_lhs_hint = false} : vector<64x192xf32>, vector<64x192xf32>, vector<64x64xf32> -> vector<64x64xf32>
    %mul3A_648 = arith.constant 0.0721687824 : f32
    %mul3A_649 = vector.broadcast %mul3A_648 : f32 to vector<64x64xf32>
    %mul3A_650 = arith.mulf %dot_general3A_647, %mul3A_649 : vector<64x64xf32>
    %reduce_max3A_651 = arith.constant dense<0xFF800000> : vector<64xf32>
    %reduce_max3A_652 = vector.multi_reduction <maximumf>, %mul3A_650, %reduce_max3A_651 [1] : vector<64x64xf32> to vector<64xf32>
    %broadcast_in_dim3A_653 = vector.shape_cast %reduce_max3A_652 : vector<64xf32> to vector<64x1xf32>
    %sub3A_654 = vector.broadcast %broadcast_in_dim3A_653 : vector<64x1xf32> to vector<64x64xf32>
    %sub3A_655 = arith.subf %mul3A_650, %sub3A_654 : vector<64x64xf32>
    %exp3A_656 = math.exp %sub3A_655 : vector<64x64xf32>
    %reduce_sum3A_657 = arith.constant dense<0.000000e+00> : vector<64xf32>
    %reduce_sum3A_658 = vector.multi_reduction <add>, %exp3A_656, %reduce_sum3A_657 [1] : vector<64x64xf32> to vector<64xf32>
    %broadcast_in_dim3A_659 = vector.shape_cast %reduce_sum3A_658 : vector<64xf32> to vector<64x1xf32>
    %div3A_660 = vector.broadcast %broadcast_in_dim3A_659 : vector<64x1xf32> to vector<64x64xf32>
    %div3A_661 = arith.divf %exp3A_656, %div3A_660 : vector<64x64xf32>
    %slice3A_662 = vector.extract_strided_slice %reshape3A_286 {offsets = [15, 0, 0], sizes = [1, 64, 192], strides = [1, 1, 1]} : vector<16x64x192xf32> to vector<1x64x192xf32>
    %squeeze3A_663 = vector.shape_cast %slice3A_662 : vector<1x64x192xf32> to vector<64x192xf32>
    %dot_general3A_664 = arith.constant dense<0.000000e+00> : vector<64x192xf32>
    %dot_general3A_665 = tpu.matmul %div3A_661, %squeeze3A_663, %dot_general3A_664 {dimension_numbers = #tpu.dot_dimension_numbers<[1], [0], [0], [1], [0, 0, 1, 1], [], []>, transpose_lhs_hint = false} : vector<64x64xf32>, vector<64x192xf32>, vector<64x192xf32> -> vector<64x192xf32>
    %stack3A = vector.shape_cast %dot_general3A_305 : vector<64x192xf32> to vector<1x64x192xf32>
    %stack3A_666 = vector.shape_cast %dot_general3A_329 : vector<64x192xf32> to vector<1x64x192xf32>
    %stack3A_667 = vector.shape_cast %dot_general3A_353 : vector<64x192xf32> to vector<1x64x192xf32>
    %stack3A_668 = vector.shape_cast %dot_general3A_377 : vector<64x192xf32> to vector<1x64x192xf32>
    %stack3A_669 = vector.shape_cast %dot_general3A_401 : vector<64x192xf32> to vector<1x64x192xf32>
    %stack3A_670 = vector.shape_cast %dot_general3A_425 : vector<64x192xf32> to vector<1x64x192xf32>
    %stack3A_671 = vector.shape_cast %dot_general3A_449 : vector<64x192xf32> to vector<1x64x192xf32>
    %stack3A_672 = vector.shape_cast %dot_general3A_473 : vector<64x192xf32> to vector<1x64x192xf32>
    %stack3A_673 = vector.shape_cast %dot_general3A_497 : vector<64x192xf32> to vector<1x64x192xf32>
    %stack3A_674 = vector.shape_cast %dot_general3A_521 : vector<64x192xf32> to vector<1x64x192xf32>
    %stack3A_675 = vector.shape_cast %dot_general3A_545 : vector<64x192xf32> to vector<1x64x192xf32>
    %stack3A_676 = vector.shape_cast %dot_general3A_569 : vector<64x192xf32> to vector<1x64x192xf32>
    %stack3A_677 = vector.shape_cast %dot_general3A_593 : vector<64x192xf32> to vector<1x64x192xf32>
    %stack3A_678 = vector.shape_cast %dot_general3A_617 : vector<64x192xf32> to vector<1x64x192xf32>
    %stack3A_679 = vector.shape_cast %dot_general3A_641 : vector<64x192xf32> to vector<1x64x192xf32>
    %stack3A_680 = vector.shape_cast %dot_general3A_665 : vector<64x192xf32> to vector<1x64x192xf32>
    %stack3A_681 = tpu.concatenate %stack3A, %stack3A_666, %stack3A_667, %stack3A_668, %stack3A_669, %stack3A_670, %stack3A_671, %stack3A_672, %stack3A_673, %stack3A_674, %stack3A_675, %stack3A_676, %stack3A_677, %stack3A_678, %stack3A_679, %stack3A_680 in 0 : vector<1x64x192xf32>, vector<1x64x192xf32>, vector<1x64x192xf32>, vector<1x64x192xf32>, vector<1x64x192xf32>, vector<1x64x192xf32>, vector<1x64x192xf32>, vector<1x64x192xf32>, vector<1x64x192xf32>, vector<1x64x192xf32>, vector<1x64x192xf32>, vector<1x64x192xf32>, vector<1x64x192xf32>, vector<1x64x192xf32>, vector<1x64x192xf32>, vector<1x64x192xf32> -> vector<16x64x192xf32>
    %add3A_682 = arith.addf %stack3A_681, %add3A_283 : vector<16x64x192xf32>
    %reshape3A_683 = vector.shape_cast %add3A_682 : vector<16x64x192xf32> to vector<1024x192xf32>
    %get3A_684 = arith.constant 0 : index
    %get3A_685 = arith.constant 0 : index
    %get3A_686 = vector.load %arg9[%get3A_684, %get3A_685] : memref<192x192xf32, #tpu.memory_space<vmem>>, vector<192x192xf32>
    %dot_general3A_687 = arith.constant dense<0.000000e+00> : vector<1024x192xf32>
    %dot_general3A_688 = tpu.matmul %reshape3A_683, %get3A_686, %dot_general3A_687 {dimension_numbers = #tpu.dot_dimension_numbers<[1], [0], [0], [1], [0, 0, 1, 1], [], []>, transpose_lhs_hint = false} : vector<1024x192xf32>, vector<192x192xf32>, vector<1024x192xf32> -> vector<1024x192xf32>
    %get3A_689 = arith.constant 0 : index
    %get3A_690 = arith.constant 0 : index
    %get3A_691 = vector.load %arg10[%get3A_689, %get3A_690] : memref<1x192xf32, #tpu.memory_space<vmem>>, vector<1x192xf32>
    %add3A_692 = vector.broadcast %get3A_691 : vector<1x192xf32> to vector<1024x192xf32>
    %add3A_693 = arith.addf %dot_general3A_688, %add3A_692 : vector<1024x192xf32>
    %reshape3A_694 = vector.shape_cast %add3A_693 : vector<1024x192xf32> to vector<16x64x192xf32>
    %swap3A = arith.constant 0 : index
    %swap3A_695 = arith.constant 0 : index
    %swap3A_696 = arith.constant 0 : index
    %swap3A_697 = vector.load %arg13[%swap3A, %swap3A_695, %swap3A_696] : memref<16x64x192xf32, #tpu.memory_space<vmem>>, vector<16x64x192xf32>
    tpu.vector_store %arg13[%swap3A, %swap3A_695, %swap3A_696], %reshape3A_694 {strides = array<i32>} : memref<16x64x192xf32, #tpu.memory_space<vmem>>, vector<16x64x192xf32>,
    return
  }
  func.func @transform_0(%arg0: i32) -> (i32, i32, i32) {
    %c0_i32 = arith.constant 0 : i32
    %c0_i32_0 = arith.constant 0 : i32
    %c0_i32_1 = arith.constant 0 : i32
    return %arg0, %c0_i32, %c0_i32_0 : i32, i32, i32
  }
  func.func @transform_1(%arg0: i32) -> (i32, i32, i32) {
    %c0_i32 = arith.constant 0 : i32
    %c0_i32_0 = arith.constant 0 : i32
    %c0_i32_1 = arith.constant 0 : i32
    return %arg0, %c0_i32, %c0_i32_0 : i32, i32, i32
  }
  func.func @transform_2(%arg0: i32) -> (i32, i32) {
    %c0_i32 = arith.constant 0 : i32
    %c0_i32_0 = arith.constant 0 : i32
    %c0_i32_1 = arith.constant 0 : i32
    return %c0_i32, %c0_i32_0 : i32, i32
  }
  func.func @transform_3(%arg0: i32) -> (i32, i32) {
    %c0_i32 = arith.constant 0 : i32
    %c0_i32_0 = arith.constant 0 : i32
    %c0_i32_1 = arith.constant 0 : i32
    return %c0_i32, %c0_i32_0 : i32, i32
  }
  func.func @transform_4(%arg0: i32) -> (i32, i32) {
    %c0_i32 = arith.constant 0 : i32
    %c0_i32_0 = arith.constant 0 : i32
    %c0_i32_1 = arith.constant 0 : i32
    return %c0_i32, %c0_i32_0 : i32, i32
  }
  func.func @transform_5(%arg0: i32) -> (i32, i32) {
    %c0_i32 = arith.constant 0 : i32
    %c0_i32_0 = arith.constant 0 : i32
    %c0_i32_1 = arith.constant 0 : i32
    return %c0_i32, %c0_i32_0 : i32, i32
  }
  func.func @transform_6(%arg0: i32) -> (i32, i32) {
    %c0_i32 = arith.constant 0 : i32
    %c0_i32_0 = arith.constant 0 : i32
    %c0_i32_1 = arith.constant 0 : i32
    return %c0_i32, %c0_i32_0 : i32, i32
  }
  func.func @transform_7(%arg0: i32) -> (i32, i32) {
    %c0_i32 = arith.constant 0 : i32
    %c0_i32_0 = arith.constant 0 : i32
    %c0_i32_1 = arith.constant 0 : i32
    return %c0_i32, %c0_i32_0 : i32, i32
  }
  func.func @transform_8(%arg0: i32) -> (i32, i32) {
    %c0_i32 = arith.constant 0 : i32
    %c0_i32_0 = arith.constant 0 : i32
    %c0_i32_1 = arith.constant 0 : i32
    return %c0_i32, %c0_i32_0 : i32, i32
  }
  func.func @transform_9(%arg0: i32) -> (i32, i32) {
    %c0_i32 = arith.constant 0 : i32
    %c0_i32_0 = arith.constant 0 : i32
    %c0_i32_1 = arith.constant 0 : i32
    return %c0_i32, %c0_i32_0 : i32, i32
  }
  func.func @transform_10(%arg0: i32) -> (i32, i32) {
    %c0_i32 = arith.constant 0 : i32
    %c0_i32_0 = arith.constant 0 : i32
    %c0_i32_1 = arith.constant 0 : i32
    return %c0_i32, %c0_i32_0 : i32, i32
  }
  func.func @transform_11(%arg0: i32) -> (i32, i32, i32) {
    %c0_i32 = arith.constant 0 : i32
    %c0_i32_0 = arith.constant 0 : i32
    %c0_i32_1 = arith.constant 0 : i32
    %c0_i32_2 = arith.constant 0 : i32
    return %c0_i32, %c0_i32_0, %c0_i32_1 : i32, i32, i32
  }
  func.func @transform_12(%arg0: i32) -> (i32, i32, i32) {
    %c0_i32 = arith.constant 0 : i32
    %c0_i32_0 = arith.constant 0 : i32
    %c0_i32_1 = arith.constant 0 : i32
    return %arg0, %c0_i32, %c0_i32_0 : i32, i32, i32
  }
}

</mosaic_0001>

<sc_bundles>
// kernel: kernel.6.cloned.1.call-start
scs
__scs_entry_jumppad:
0x0: {  	(pc) =	sbr.rel $0x88, $3  }
0x1: {  	(tag) =	ssettag $0x0;
	lr =	simm.s32 $0x1  }
0x2: {  	[smem:$0x3F96] =	sst lr;
	_ =	strace $0xD0000000  }
0x3: {  	_ = 	snop  }
0x4: {  	_ = 	snop  }
0x5: {  	_ = 	snop  }
0x6: {  	_ = 	snop  }
0x7: {  	_ = 	snop  }
__scs_overlays_trampoline_lowered:
0x8: {  	[smem:$0x3FA5] =	sst s0  }
0x9: {  	[smem:$0x3FA6] =	sst s1  }
0xa: {  	[smem:$0x3FA7] =	sst s2  }
0xb: {  	[smem:$0x3FA8] =	sst s3  }
0xc: {  	[smem:$0x3FA9] =	sst s4  }
0xd: {  	[smem:$0x3FAA] =	sst s5  }
0xe: {  	[smem:$0x3FAB] =	sst s6  }
0xf: {  	[smem:$0x3FAC] =	sst s7  }
0x10: {  	[smem:$0x3FAD] =	sst s8  }
0x11: {  	[smem:$0x3FAE] =	sst s9;
	s0 =	simm.s32 @!p0 $0x0  }
0x12: {  	s1 =	sld [smem:$0x3F94];
	s0 =	simm.s32 @p0 $0x1  }
0x13: {  	[smem:$0x3FAF] =	sst s0;
	s0 =	simm.s32 @!p1 $0x0  }
0x14: {  	s2 =	sld [smem:$0x3F93];
	s0 =	simm.s32 @p1 $0x1  }
0x15: {  	[smem:$0x3FB0] =	sst s0;
	s0 =	simm.s32 @!p2 $0x0  }
0x16: {  	s3 =	sld [smem:$0x3FDB];
	s0 =	simm.s32 @p2 $0x1  }
0x17: {  	s4 =	simm.s32 $0x1BF5;
	[smem:$0x3FB2] =	sst s0  }
0x18: {  	s0 =	sld [smem:$0x3F95];
	_ =	swait.ge [sflag:s4], $0x0  }
0x19: {  	s7 =	sld [smem:$0x3F96]  }
0x1a: {  	s8 =	sadd.s32 $0xFFFFE003, lr  }
0x1b: {  	s9 =	sadd.s32 $0xFFFFFEF7, lr;
	s5 =	simm.s32 $0xFFFFFFFF;
	p2 =	slt.u32 s8, $0xFFFFF086  }
0x1c: {  	p1 =	slt.u32 s9, $0xF7A;
	s5 =	simm.s32 @!p2 $0x0  }
0x1d: {  	s5 =	simm.s32 @p1 $0x1;
	p0 =	seq.s32 s7, s2  }
0x1e: {  	s7 =	smul.u32 @!p0 $0xF7A, s2;
	p2 =	seq.s32 @!p0 s5, $0x0  }
0x1f: {  	s9 =	smul.u32 $0xF7A, s1;
	s8 =	simm.s32 @!p0 $0x1BF5;
	p2 =	por !p2, p0  }
0x20: {  	[sflag:s8] =	ssyncset.s32 @!p0 $0xFFFFF086;
	s6 =	sadd.s32 @!p0 s3, s7;
	s7 =	simm.s32 @!p0 $0x108  }
0x21: {  	s3 =	sadd.s32 s3, s9;
	s6 =	sadd.s32 @!p0 $0x88, s6;
	s7 =	simm.s32 @p2 $0x1082  }
0x22: {  	[simem:s7], [sflag:s8] =	dma.local @!p0 [hbm:s6], $0xF7A  }
0x23: {  	s9 =	sor.u32 $0xD0000000, s2;
	s6 =	simm.s32 $0x108;
	_ =	swait.ge @!p0 [sflag:s8], $0x0  }
0x24: {  	s3 =	sadd.s32 $0x88, s3;
	s6 =	simm.s32 @!p1 $0x1082;
	[sflag:s4] =	ssyncset.s32 $0xFFFFF086  }
0x25: {  	[simem:s6], [sflag:s4] =	dma.local [hbm:s3], $0xF7A  }
0x26: {  	[smem:$0x3F96] =	sst s1;
	(tag) =	ssettag s2;
	_ =	strace s9  }
0x27: {  	s1 =	sld [smem:$0x3FA6]  }
0x28: {  	s2 =	sld [smem:$0x3FA7]  }
0x29: {  	s4 =	sld [smem:$0x3FA9]  }
0x2a: {  	p0 =	seq.s32 s5, $0x0;
	s5 =	sld [smem:$0x3FAA]  }
0x2b: {  	s6 =	sld [smem:$0x3FAB]  }
0x2c: {  	s7 =	sld [smem:$0x3FAC]  }
0x2d: {  	s3 =	simm.s32 $0x108;
	s8 =	sld [smem:$0x3FAD]  }
0x2e: {  	s3 =	simm.s32 @!p0 $0x1082;
	s9 =	sld [smem:$0x3FAE]  }
0x2f: {  	lr =	sadd.s32 s0, s3;
	s0 =	sld [smem:$0x3FA5]  }
0x30: {  	s3 =	sld [smem:$0x3FA8]  }
0x31: {  	[smem:$0x3FB1] =	sst s10  }
0x32: {  	s10 =	sld [smem:$0x3FAF];
	_ =	sdelay $0x3  }
0x33: {  	p0 =	seq.s32 s10, $0x1;
	s10 =	sld [smem:$0x3FB1];
	_ =	sdelay $0x3  }
0x34: {  	[smem:$0x3FB1] =	sst s10  }
0x35: {  	s10 =	sld [smem:$0x3FB0];
	_ =	sdelay $0x3  }
0x36: {  	p1 =	seq.s32 s10, $0x1;
	s10 =	sld [smem:$0x3FB1];
	_ =	sdelay $0x3  }
0x37: {  	[smem:$0x3FB1] =	sst s10  }
0x38: {  	s10 =	sld [smem:$0x3FB2]  }
0x39: {  	_ = 	snop;
	(pc) =	sbr.ind lr, $3  }
0x3a: {  	_ = 	snop  }
0x3b: {  	_ = 	snop  }
0x3c: {  	p2 =	seq.s32 s10, $0x1;
	s10 =	sld [smem:$0x3FB1]  }
0x3d: {  	_ =	shalt  }
0x3e: {  	_ =	shalt  }
0x3f: {  	_ =	shalt  }
0x40: {  	_ =	shalt  }
0x41: {  	_ =	shalt  }
0x42: {  	_ =	shalt  }
0x43: {  	_ =	shalt  }
0x44: {  	_ =	shalt  }
0x45: {  	_ =	shalt  }
0x46: {  	_ =	shalt  }
0x47: {  	_ =	shalt  }
0x48: {  	_ =	shalt  }
0x49: {  	_ =	shalt  }
0x4a: {  	_ =	shalt  }
0x4b: {  	_ =	shalt  }
0x4c: {  	_ =	shalt  }
0x4d: {  	_ =	shalt  }
0x4e: {  	_ =	shalt  }
0x4f: {  	_ =	shalt  }
0x50: {  	_ =	shalt  }
0x51: {  	_ =	shalt  }
0x52: {  	_ =	shalt  }
0x53: {  	_ =	shalt  }
0x54: {  	_ =	shalt  }
0x55: {  	_ =	shalt  }
0x56: {  	_ =	shalt  }
0x57: {  	_ =	shalt  }
0x58: {  	_ =	shalt  }
0x59: {  	_ =	shalt  }
0x5a: {  	_ =	shalt  }
0x5b: {  	_ =	shalt  }
0x5c: {  	_ =	shalt  }
0x5d: {  	_ =	shalt  }
0x5e: {  	_ =	shalt  }
0x5f: {  	_ =	shalt  }
0x60: {  	_ =	shalt  }
0x61: {  	_ =	shalt  }
0x62: {  	_ =	shalt  }
0x63: {  	_ =	shalt  }
0x64: {  	_ =	shalt  }
0x65: {  	_ =	shalt  }
0x66: {  	_ =	shalt  }
0x67: {  	_ =	shalt  }
0x68: {  	_ =	shalt  }
0x69: {  	_ =	shalt  }
0x6a: {  	_ =	shalt  }
0x6b: {  	_ =	shalt  }
0x6c: {  	_ =	shalt  }
0x6d: {  	_ =	shalt  }
0x6e: {  	_ =	shalt  }
0x6f: {  	_ =	shalt  }
0x70: {  	_ =	shalt  }
0x71: {  	_ =	shalt  }
0x72: {  	_ =	shalt  }
0x73: {  	_ =	shalt  }
0x74: {  	_ =	shalt  }
0x75: {  	_ =	shalt  }
0x76: {  	_ =	shalt  }
0x77: {  	_ =	shalt  }
0x78: {  	_ =	shalt  }
0x79: {  	_ =	shalt  }
0x7a: {  	_ =	shalt  }
0x7b: {  	_ =	shalt  }
0x7c: {  	_ =	shalt  }
0x7d: {  	_ =	shalt  }
0x7e: {  	_ =	shalt  }
0x7f: {  	_ =	shalt  }
0x80: {  	_ =	shalt  }
0x81: {  	_ =	shalt  }
0x82: {  	_ =	shalt  }
0x83: {  	_ =	shalt  }
0x84: {  	_ =	shalt  }
0x85: {  	_ =	shalt  }
0x86: {  	_ =	shalt  }
0x87: {  	_ =	shalt  }
.Lfunc_end0:
.L_simem_size_0:
called_computation.3_lowered:
.L_overlay_start_0:
0x88: {  	s2 =	sld [smem:$0x3FD9]  }
0x89: {  	s3 =	sld [smem:$0x3FFE];
	_ =	sdelay $0x1  }
0x8a: {  	s1 =	srdreg.scid  }
0x8b: {  	s0 =	sand.u32 $0x1, s1  }
0x8c: {  	s17 =	sshll.u32 s0, $0xA;
	s2 =	sadd.s32 s3, s2  }
0x8d: {  	s2 =	sadd.s32 s2, s17  }
0x8e: {  	[smem:$0x3FBD] =	sst s2  }
0x8f: {  	_ = 	snop  }
0x90: {  	s2 =	sld [smem:$0x3FD0];
	(tm) =	ssettm $0x1  }
0x91: {  	s18 =	sld [smem:$0x3FFB];
	_ =	sdelay $0x3  }
0x92: {  	_ =	strace s18  }
0x93: {  	s3 =	sld [smem:$0x3FFC];
	_ =	sdelay $0x3  }
0x94: {  	_ =	strace s3  }
0x95: {  	s3 =	sld [smem:$0x3FFD];
	_ =	sdelay $0x3  }
0x96: {  	_ =	strace s3  }
0x97: {  	_ =	strace $0x8FFFFFFF  }
0x98: {  	s19 =	sld [smem:$0x3FDB];
	_ =	sdelay $0x1  }
0x99: {  	s4 =	simm.s32 $_scs_section_size  }
0x9a: {  	s5 =	simm.s32 $_size__tile_overlayer_lowered;
	s6 =	simm.s32 $_tile_overlayer_lowered  }
0x9b: {  	s22 =	simm.s32 $0x1BFF;
	s21 =	sshll.u32 s6, $0x1;
	s3 =	sadd.s32 s4, s19  }
0x9c: {  	s7 =	simm.s32 $0x0;
	s20 =	sshll.u32 s5, $0x1;
	s5 =	sadd.s32 s21, s3  }
0x9d: {  	[timem:s7], [sflag:s22] =	dma.local [hbm:s5], s20  }
0x9e: {  	_ =	swait.ge [sflag:s22], s20  }
0x9f: {  	s4 =	ssub.s32 $0x0, s20;
	[sflag:s22] =	ssyncset.done $0x0  }
0xa0: {  	[sflag:s22] =	ssyncadd.s32 s4;
	_ =	sdelay $0x1  }
0xa1: {  	s23 =	simm.s32 $0x1B8B  }
0xa2: {  	_ =	swait.ge [sflag:s23], $0x1  }
0xa3: {  	[sflag:s23] =	ssyncset.done $0x0  }
0xa4: {  	s25 =	simm.s32 $0x1B8E;
	s24 =	sld [smem:$0x3FFE];
	[sflag:s23] =	ssyncadd.s32 $0xFFFFFFFF  }
0xa5: {  	s26 =	simm.s32 $execute0_lowered;
	[smem:$0x3FD2] =	sst s25  }
0xa6: {  	s5 =	sshll.u32 s26, $0x1;
	_ =	strace $0x80000049;
	[dreg:$0x1] =	wrdreg $0xFFFFFFFF  }
0xa7: {  	s28 =	simm.s32 $_size_execute0_lowered;
	s3 =	sadd.s32 s3, s5;
	[dreg:$0x0] =	wrdreg $0x0  }
0xa8: {  	s5 =	sshll.u32 s28, $0x1;
	[dreg:$0x2] =	wrdreg s3  }
0xa9: {  	[dreg:$0x3] =	wrdreg s5  }
0xaa: {  	[dreg:$0x4] =	wrdreg $0xC0  }
0xab: {  	_ =	task [dreg:s7], $0x5FFFF  }
0xac: {  	[dreg:$0x1] =	wrdreg $0xFFFFFFFF  }
0xad: {  	[dreg:$0x0] =	wrdreg $0x60  }
0xae: {  	[dreg:$0x2] =	wrdreg s2  }
0xaf: {  	[dreg:$0x3] =	wrdreg s24  }
0xb0: {  	[dreg:$0x4] =	wrdreg $0x9  }
0xb1: {  	_ =	task.clear_ibuf [dreg:s7], $0x5FFFF;
	_ =	strace $0x90000049  }
0xb2: {  	s29 =	simm.s32 $0x9;
	_ =	strace $0x8000004B  }
0xb3: {  	_ =	swait.ge [sflag:s29], $0x1  }
0xb4: {  	[sflag:s29] =	ssyncadd.s32 $0xFFFFFFFF  }
0xb5: {  	_ =	strace $0x9000004B  }
0xb6: {  	_ =	sfence  }
0xb7: {  	s30 =	sld [smem:$0x0];
	_ =	sdelay $0x2  }
0xb8: {  	s31 =	sshll.u32 s1, $0xD;
	s1 =	sshrl.u32 s1, $0x2  }
0xb9: {  	s3 =	sand.u32 $0x4000, s31;
	s1 =	sadd.s32 s1, s30  }
0xba: {  	s0 =	sor.u32 s3, s0;
	s1 =	sshll.u32 s1, $0x11  }
0xbb: {  	s0 =	sor.u32 s1, s0  }
0xbc: {  	s0 =	sadd.s32 $0x8F2B, s0  }
0xbd: {  	[sflag:s0] =	ssyncadd.remote.s32 $0x1  }
0xbe: {  	_ =	sfence.sel $0xFFFF  }
0xbf: {  	[dreg:$0x0] =	wrdreg $0xFFFFFFFF;
	(pc) =	sbr.abs _section_cstart, $3  }
0xc0: {  	[dreg:$0x1] =	wrdreg $0xFFFFFFFF  }
0xc1: {  	_ =	task.clear_ibuf [dreg:s7], $0x2FFFF;
	_ =	strace $0x9FFFFFFF  }
0xc2: {  	(tm) =	ssettm $0x7FFFFFFF  }
0xc3: {  	_ =	shalt  }
tec
execute0_lowered:
.L_overlay_start_1:
0x0: {  	(tag) =	ssettag $0x1  }
0x1: {  	s9 =	rddreg [dreg:$0x0]  }
0x2: {  	s0 =	rddreg [dreg:$0x1];
	s1 =	srdreg.scid  }
0x3: {  	s4 =	stileid.u32;
	s3 =	simm.s32 $0x0;
	s1 =	sand.u32 $0x1, s1  }
0x4: {  	s2 =	sshll.u32 s4, $0x1;
	s4 =	sshrl.u32 s4, $0x2;
	[smem:$0x7FF] =	sst s3  }
0x5: {  	s19 =	sadd.s32 $0x200, s9;
	s20 =	sadd.s32 $0x400, s9;
	s21 =	sadd.s32 $0x600, s9  }
0x6: {  	s22 =	sadd.s32 $0x800, s9;
	_ =	strace $0x8000004A;
	[dreg:$0x6] =	wrdreg s19  }
0x7: {  	s23 =	sadd.s32 $0xA00, s9;
	s24 =	sadd.s32 $0xC00, s9;
	[dreg:$0x7] =	wrdreg s20  }
0x8: {  	s25 =	sadd.s32 $0xE00, s9;
	s26 =	sadd.s32 $0x1000, s9;
	[dreg:$0x8] =	wrdreg s21  }
0x9: {  	s18 =	sadd.s32 $0x1200, s9;
	s28 =	sadd.s32 $0x2200, s9;
	[dreg:$0x9] =	wrdreg s22  }
0xa: {  	s29 =	sadd.s32 $0x2400, s9;
	s30 =	sadd.s32 $0x2600, s9;
	[dreg:$0xa] =	wrdreg s23  }
0xb: {  	s31 =	sadd.s32 $0x2800, s9;
	s2 =	sor.u32 s1, s2;
	[dreg:$0xb] =	wrdreg s24  }
0xc: {  	s5 =	smul.u32 $0x6C00, s4;
	s4 =	sadd.s32 $0x1C00, s0;
	[dreg:$0xc] =	wrdreg s25  }
0xd: {  	s1 =	ssub.s32 $0x2, s1;
	[dreg:$0xd] =	wrdreg s26;
	s19 =	sadd.s32 $0x1400, s9  }
0xe: {  	s20 =	sadd.s32 $0x1600, s9;
	s21 =	sadd.s32 $0x1800, s9;
	s22 =	sadd.s32 $0x1A00, s9  }
0xf: {  	s23 =	sadd.s32 $0x1C00, s9;
	s24 =	sadd.s32 $0x1E00, s9;
	s26 =	sadd.s32 $0x2000, s9  }
0x10: {  	s25 =	simm.s32 $0x4;
	s12 =	sshll.u32 s2, $0x7;
	s7 =	sshrl.u32 s1, $0x1  }
0x11: {  	s14 =	smul.u32 $0x48, s2;
	s6 =	sand.u32 $0x380, s12;
	s13 =	ssub.s32 s1, s7  }
0x12: {  	s1 =	sadd.s32 $0x2C00, s9;
	s7 =	simm.s32 $0x3;
	s5 =	sor.u32 s5, s6  }
0x13: {  	s12 =	simm.s32 $0x0;
	[dreg:$0x3] =	wrdreg s14;
	s6 =	sshrl.u32 s5, $0x3  }
0x14: {  	s5 =	smul.u32 $0x2400, s2;
	s8 =	sadd.s32 s6, s0;
	s6 =	sadd.s32 $0xE200, s0  }
.Ltmp0:
0x15: {  	s0 =	smax.u32 s13, $0x1;
	s15 =	sadd.s32 $0xAC00, s8;
	(pc) =	sbr.rel .LBB2_1-.Ltmp0, $4  }
0x16: {  	s16 =	sshrl.u32 s5, $0x3;
	[dreg:$0xe] =	wrdreg s0;
	s0 =	sadd.s32 $0x2A00, s9  }
0x17: {  	v0 =	vlaneseq.u32;
	s8 =	sadd.s32 $0x2E00, s9;
	[dreg:$0x4] =	wrdreg s15;
	s17 =	sadd.s32 s4, s16  }
0x18: {  	v1 =	vshrl.u32 v0, $0x2;
	s9 =	simm.s32 $0x80;
	[dreg:$0x5] =	wrdreg s17;
	s2 =	sadd.s32 $0x10, s17  }
0x19: {  	vm0 =	vmmov $0xffff;
	v0 =	vand.u32 $0x3, v0;
	v1 =	vmul.u32 $0x8, v1;
	s17 =	simm.s32 $0x400;
	[dreg:$0xf] =	wrdreg s2;
	s2 =	simm.s32 $0x2  }
.LBB2_13:
0x1a: {  	s10 =	simm.s32 $0x5  }
0x1b: {  	_ =	swait.ge [sflag:s10], $0x3000  }
0x1c: {  	[sflag:s10] =	ssyncset.done $0x0  }
0x1d: {  	s11 =	simm.s32 $0x6;
	[sflag:s10] =	ssyncadd.s32 $0xFFFFD000  }
0x1e: {  	_ =	swait.ge [sflag:s11], $0x3000  }
0x1f: {  	s12 =	rddreg [dreg:$0x10]  }
0x20: {  	s16 =	rddreg [dreg:$0xe];
	s12 =	sadd.s32 $0x1, s12  }
0x21: {  	p0 =	sne.s32 s12, s16  }
.Ltmp1:
0x22: {  	_ = 	snop;
	(pc) =	sbr.rel @!p0 .LBB2_14-.Ltmp1, $3  }
0x23: {  	_ =	sdelay $0x1  }
0x24: {  	[sflag:s11] =	ssyncset.done $0x0  }
0x25: {  	[sflag:s11] =	ssyncadd.s32 $0xFFFFD000  }
.LBB2_1:
0x26: {  	[dreg:$0x10] =	wrdreg s12  }
0x27: {  	s10 =	rddreg [dreg:$0x4];
	s11 =	simm.s32 $0x100;
	s16 =	simm.s32 $0x7  }
0x28: {  	[tilespmem:s11], [sflag:$0x7] =	stream.strided.gather [hbm4b:s10+s9], $0xD80, s17, s9, $0x38;
	[tilespmem:$0x1EE80] =	vst v63  }
0x29: {  	_ =	swait.ge [sflag:s16], $0xD80  }
0x2a: {  	[sflag:s16] =	ssyncset.done $0x0  }
0x2b: {  	s12 =	rddreg [dreg:$0x5];
	[sflag:s16] =	ssyncadd.s32 $0xFFFFF280  }
0x2c: {  	[tilespmem:s3], [sflag:$0x7] =	stream.linear.gather [hbm4b:s12+s3], $0x4, $0x38;
	[tilespmem:$0x1EE80] =	vst v63  }
0x2d: {  	_ =	swait.ge [sflag:s16], $0x4  }
0x2e: {  	[sflag:s16] =	ssyncset.done $0x0  }
0x2f: {  	[sflag:s16] =	ssyncadd.s32 $0xFFFFFFFC  }
0x30: {  	v2 =	vld.msk [tilespmem:$0x0], $0xf;
	_ =	sdelay $0x4  }
0x31: {  	v3 =	vshrl.u32 v2, $0x3  }
0x32: {  	v3 =	vmul.u32 $0x300, v3  }
0x33: {  	v2 =	vand.u32 $0x7, v2  }
0x34: {  	v2 =	vor.u32 v2, v3  }
0x35: {  	v2 =	vperm.xlane v2, v0;
	_ =	sdelay $0x1  }
0x36: {  	v2 =	vadd.s32 v1, v2;
	_ =	sdelay $0x3  }
0x37: {  	s14 =	simm.s32 $0xE80;
	s13 =	rddreg [dreg:$0x0]  }
0x38: {  	[tilespmem:s14], [sflag:$0x3] =	stream.indirect_vreg.gather [hbm4b:s13+s3], $0x80, v2, vm0, $0xb8;
	[tilespmem:$0x1EE80] =	vst v63  }
0x39: {  	s15 =	rddreg [dreg:$0x6];
	s16 =	simm.s32 $0x1680  }
0x3a: {  	[tilespmem:s16], [sflag:$0x3] =	stream.indirect_vreg.gather [hbm4b:s15+s3], $0x80, v2, vm0, $0xb8;
	[tilespmem:$0x1EE80] =	vst v63  }
0x3b: {  	s12 =	simm.s32 $0x1E80;
	s11 =	rddreg [dreg:$0x7]  }
0x3c: {  	[tilespmem:s12], [sflag:$0x3] =	stream.indirect_vreg.gather [hbm4b:s11+s3], $0x80, v2, vm0, $0xb8;
	[tilespmem:$0x1EE80] =	vst v63  }
0x3d: {  	s13 =	rddreg [dreg:$0x8];
	s14 =	simm.s32 $0x2680  }
0x3e: {  	[tilespmem:s14], [sflag:$0x3] =	stream.indirect_vreg.gather [hbm4b:s13+s3], $0x80, v2, vm0, $0xb8;
	[tilespmem:$0x1EE80] =	vst v63  }
0x3f: {  	s15 =	rddreg [dreg:$0x9];
	s16 =	simm.s32 $0x2E80  }
0x40: {  	[tilespmem:s16], [sflag:$0x3] =	stream.indirect_vreg.gather [hbm4b:s15+s3], $0x80, v2, vm0, $0xb8;
	[tilespmem:$0x1EE80] =	vst v63  }
0x41: {  	s11 =	rddreg [dreg:$0xa];
	s12 =	simm.s32 $0x3680  }
0x42: {  	[tilespmem:s12], [sflag:$0x3] =	stream.indirect_vreg.gather [hbm4b:s11+s3], $0x80, v2, vm0, $0xb8;
	[tilespmem:$0x1EE80] =	vst v63  }
0x43: {  	s13 =	rddreg [dreg:$0xb];
	s14 =	simm.s32 $0x3E80  }
0x44: {  	[tilespmem:s14], [sflag:$0x3] =	stream.indirect_vreg.gather [hbm4b:s13+s3], $0x80, v2, vm0, $0xb8;
	[tilespmem:$0x1EE80] =	vst v63  }
0x45: {  	s15 =	rddreg [dreg:$0xc];
	s16 =	simm.s32 $0x4680  }
0x46: {  	[tilespmem:s16], [sflag:$0x3] =	stream.indirect_vreg.gather [hbm4b:s15+s3], $0x80, v2, vm0, $0xb8;
	[tilespmem:$0x1EE80] =	vst v63  }
0x47: {  	s11 =	rddreg [dreg:$0xd];
	s12 =	simm.s32 $0x4E80  }
0x48: {  	[tilespmem:s12], [sflag:$0x3] =	stream.indirect_vreg.gather [hbm4b:s11+s3], $0x80, v2, vm0, $0xb8;
	[tilespmem:$0x1EE80] =	vst v63  }
0x49: {  	s13 =	simm.s32 $0x5680  }
0x4a: {  	[tilespmem:s13], [sflag:$0x3] =	stream.indirect_vreg.gather [hbm4b:s18+s3], $0x80, v2, vm0, $0xb8;
	[tilespmem:$0x1EE80] =	vst v63  }
0x4b: {  	s14 =	simm.s32 $0x5E80  }
0x4c: {  	[tilespmem:s14], [sflag:$0x3] =	stream.indirect_vreg.gather [hbm4b:s19+s3], $0x80, v2, vm0, $0xb8;
	[tilespmem:$0x1EE80] =	vst v63  }
0x4d: {  	s15 =	simm.s32 $0x6680  }
0x4e: {  	[tilespmem:s15], [sflag:$0x3] =	stream.indirect_vreg.gather [hbm4b:s20+s3], $0x80, v2, vm0, $0xb8;
	[tilespmem:$0x1EE80] =	vst v63  }
0x4f: {  	s16 =	simm.s32 $0x6E80  }
0x50: {  	[tilespmem:s16], [sflag:$0x3] =	stream.indirect_vreg.gather [hbm4b:s21+s3], $0x80, v2, vm0, $0xb8;
	[tilespmem:$0x1EE80] =	vst v63  }
0x51: {  	s11 =	simm.s32 $0x7680  }
0x52: {  	[tilespmem:s11], [sflag:$0x3] =	stream.indirect_vreg.gather [hbm4b:s22+s3], $0x80, v2, vm0, $0xb8;
	[tilespmem:$0x1EE80] =	vst v63  }
0x53: {  	s12 =	simm.s32 $0x7E80  }
0x54: {  	[tilespmem:s12], [sflag:$0x3] =	stream.indirect_vreg.gather [hbm4b:s23+s3], $0x80, v2, vm0, $0xb8;
	[tilespmem:$0x1EE80] =	vst v63  }
0x55: {  	s13 =	simm.s32 $0x8680  }
0x56: {  	[tilespmem:s13], [sflag:$0x3] =	stream.indirect_vreg.gather [hbm4b:s24+s3], $0x80, v2, vm0, $0xb8;
	[tilespmem:$0x1EE80] =	vst v63  }
0x57: {  	s14 =	simm.s32 $0x8E80  }
0x58: {  	[tilespmem:s14], [sflag:$0x3] =	stream.indirect_vreg.gather [hbm4b:s26+s3], $0x80, v2, vm0, $0xb8;
	[tilespmem:$0x1EE80] =	vst v63  }
0x59: {  	s15 =	simm.s32 $0x9680  }
0x5a: {  	[tilespmem:s15], [sflag:$0x3] =	stream.indirect_vreg.gather [hbm4b:s28+s3], $0x80, v2, vm0, $0xb8;
	[tilespmem:$0x1EE80] =	vst v63  }
0x5b: {  	s16 =	simm.s32 $0x9E80  }
0x5c: {  	[tilespmem:s16], [sflag:$0x3] =	stream.indirect_vreg.gather [hbm4b:s29+s3], $0x80, v2, vm0, $0xb8;
	[tilespmem:$0x1EE80] =	vst v63  }
0x5d: {  	s11 =	simm.s32 $0xA680  }
0x5e: {  	[tilespmem:s11], [sflag:$0x3] =	stream.indirect_vreg.gather [hbm4b:s30+s3], $0x80, v2, vm0, $0xb8;
	[tilespmem:$0x1EE80] =	vst v63  }
0x5f: {  	s12 =	simm.s32 $0xAE80  }
0x60: {  	[tilespmem:s12], [sflag:$0x3] =	stream.indirect_vreg.gather [hbm4b:s31+s3], $0x80, v2, vm0, $0xb8;
	[tilespmem:$0x1EE80] =	vst v63  }
0x61: {  	s13 =	simm.s32 $0xB680  }
0x62: {  	[tilespmem:s13], [sflag:$0x3] =	stream.indirect_vreg.gather [hbm4b:s0+s3], $0x80, v2, vm0, $0xb8;
	[tilespmem:$0x1EE80] =	vst v63  }
0x63: {  	s14 =	simm.s32 $0xBE80  }
0x64: {  	[tilespmem:s14], [sflag:$0x3] =	stream.indirect_vreg.gather [hbm4b:s1+s3], $0x80, v2, vm0, $0xb8;
	[tilespmem:$0x1EE80] =	vst v63  }
0x65: {  	s15 =	simm.s32 $0xC680  }
0x66: {  	[tilespmem:s15], [sflag:$0x3] =	stream.indirect_vreg.gather [hbm4b:s8+s3], $0x80, v2, vm0, $0xb8;
	[tilespmem:$0x1EE80] =	vst v63  }
0x67: {  	s10 =	simm.s32 $0x0;
	s16 =	rddreg [dreg:$0xf]  }
0x68: {  	[tilespmem:s9], [sflag:$0x2] =	stream.linear.gather [hbm4b:s16+s3], $0x4, $0x38;
	[tilespmem:$0x1EE80] =	vst v63  }
.LBB2_2:
0x69: {  	_ =	swait.ge [sflag:s2], $0x4  }
0x6a: {  	[sflag:s2] =	ssyncset.done $0x0  }
0x6b: {  	[sflag:s2] =	ssyncadd.s32 $0xFFFFFFFC  }
0x6c: {  	v2 =	vld.msk [tilespmem:$0x80], $0xf;
	_ =	sdelay $0x4  }
0x6d: {  	v3 =	vshrl.u32 v2, $0x3  }
0x6e: {  	v3 =	vmul.u32 $0x300, v3  }
0x6f: {  	v2 =	vand.u32 $0x7, v2  }
0x70: {  	v2 =	vor.u32 v2, v3  }
0x71: {  	v2 =	vperm.xlane v2, v0;
	_ =	sdelay $0x1  }
0x72: {  	v2 =	vadd.s32 v1, v2;
	_ =	sdelay $0x3  }
0x73: {  	s12 =	simm.s32 $0xCE80;
	s11 =	rddreg [dreg:$0x0]  }
0x74: {  	[tilespmem:s12], [sflag:$0x4] =	stream.indirect_vreg.gather [hbm4b:s11+s3], $0x80, v2, vm0, $0xb8;
	[tilespmem:$0x1EE80] =	vst v63  }
0x75: {  	s14 =	simm.s32 $0xD680;
	s13 =	rddreg [dreg:$0x6]  }
0x76: {  	[tilespmem:s14], [sflag:$0x4] =	stream.indirect_vreg.gather [hbm4b:s13+s3], $0x80, v2, vm0, $0xb8;
	[tilespmem:$0x1EE80] =	vst v63  }
0x77: {  	s16 =	simm.s32 $0xDE80;
	s15 =	rddreg [dreg:$0x7]  }
0x78: {  	[tilespmem:s16], [sflag:$0x4] =	stream.indirect_vreg.gather [hbm4b:s15+s3], $0x80, v2, vm0, $0xb8;
	[tilespmem:$0x1EE80] =	vst v63  }
0x79: {  	s13 =	rddreg [dreg:$0x8];
	s14 =	simm.s32 $0xE680  }
0x7a: {  	[tilespmem:s14], [sflag:$0x4] =	stream.indirect_vreg.gather [hbm4b:s13+s3], $0x80, v2, vm0, $0xb8;
	[tilespmem:$0x1EE80] =	vst v63  }
0x7b: {  	s15 =	rddreg [dreg:$0x9];
	s16 =	simm.s32 $0xEE80  }
0x7c: {  	[tilespmem:s16], [sflag:$0x4] =	stream.indirect_vreg.gather [hbm4b:s15+s3], $0x80, v2, vm0, $0xb8;
	[tilespmem:$0x1EE80] =	vst v63  }
0x7d: {  	s13 =	rddreg [dreg:$0xa];
	s14 =	simm.s32 $0xF680  }
0x7e: {  	[tilespmem:s14], [sflag:$0x4] =	stream.indirect_vreg.gather [hbm4b:s13+s3], $0x80, v2, vm0, $0xb8;
	[tilespmem:$0x1EE80] =	vst v63  }
0x7f: {  	s15 =	rddreg [dreg:$0xb];
	s16 =	simm.s32 $0xFE80  }
0x80: {  	[tilespmem:s16], [sflag:$0x4] =	stream.indirect_vreg.gather [hbm4b:s15+s3], $0x80, v2, vm0, $0xb8;
	[tilespmem:$0x1EE80] =	vst v63  }
0x81: {  	s13 =	rddreg [dreg:$0xc];
	s14 =	simm.s32 $0x10680  }
0x82: {  	[tilespmem:s14], [sflag:$0x4] =	stream.indirect_vreg.gather [hbm4b:s13+s3], $0x80, v2, vm0, $0xb8;
	[tilespmem:$0x1EE80] =	vst v63  }
0x83: {  	s15 =	rddreg [dreg:$0xd];
	s16 =	simm.s32 $0x10E80  }
0x84: {  	[tilespmem:s16], [sflag:$0x4] =	stream.indirect_vreg.gather [hbm4b:s15+s3], $0x80, v2, vm0, $0xb8;
	[tilespmem:$0x1EE80] =	vst v63  }
0x85: {  	s12 =	simm.s32 $0x11680  }
0x86: {  	[tilespmem:s12], [sflag:$0x4] =	stream.indirect_vreg.gather [hbm4b:s18+s3], $0x80, v2, vm0, $0xb8;
	[tilespmem:$0x1EE80] =	vst v63  }
0x87: {  	s13 =	simm.s32 $0x11E80  }
0x88: {  	[tilespmem:s13], [sflag:$0x4] =	stream.indirect_vreg.gather [hbm4b:s19+s3], $0x80, v2, vm0, $0xb8;
	[tilespmem:$0x1EE80] =	vst v63  }
0x89: {  	s14 =	simm.s32 $0x12680  }
0x8a: {  	[tilespmem:s14], [sflag:$0x4] =	stream.indirect_vreg.gather [hbm4b:s20+s3], $0x80, v2, vm0, $0xb8;
	[tilespmem:$0x1EE80] =	vst v63  }
0x8b: {  	s15 =	simm.s32 $0x12E80  }
0x8c: {  	[tilespmem:s15], [sflag:$0x4] =	stream.indirect_vreg.gather [hbm4b:s21+s3], $0x80, v2, vm0, $0xb8;
	[tilespmem:$0x1EE80] =	vst v63  }
0x8d: {  	s16 =	simm.s32 $0x13680  }
0x8e: {  	[tilespmem:s16], [sflag:$0x4] =	stream.indirect_vreg.gather [hbm4b:s22+s3], $0x80, v2, vm0, $0xb8;
	[tilespmem:$0x1EE80] =	vst v63  }
0x8f: {  	s12 =	simm.s32 $0x13E80  }
0x90: {  	[tilespmem:s12], [sflag:$0x4] =	stream.indirect_vreg.gather [hbm4b:s23+s3], $0x80, v2, vm0, $0xb8;
	[tilespmem:$0x1EE80] =	vst v63  }
0x91: {  	s13 =	simm.s32 $0x14680  }
0x92: {  	[tilespmem:s13], [sflag:$0x4] =	stream.indirect_vreg.gather [hbm4b:s24+s3], $0x80, v2, vm0, $0xb8;
	[tilespmem:$0x1EE80] =	vst v63  }
0x93: {  	s14 =	simm.s32 $0x14E80  }
0x94: {  	[tilespmem:s14], [sflag:$0x4] =	stream.indirect_vreg.gather [hbm4b:s26+s3], $0x80, v2, vm0, $0xb8;
	[tilespmem:$0x1EE80] =	vst v63  }
0x95: {  	s15 =	simm.s32 $0x15680  }
0x96: {  	[tilespmem:s15], [sflag:$0x4] =	stream.indirect_vreg.gather [hbm4b:s28+s3], $0x80, v2, vm0, $0xb8;
	[tilespmem:$0x1EE80] =	vst v63  }
0x97: {  	s16 =	simm.s32 $0x15E80  }
0x98: {  	[tilespmem:s16], [sflag:$0x4] =	stream.indirect_vreg.gather [hbm4b:s29+s3], $0x80, v2, vm0, $0xb8;
	[tilespmem:$0x1EE80] =	vst v63  }
0x99: {  	s12 =	simm.s32 $0x16680  }
0x9a: {  	[tilespmem:s12], [sflag:$0x4] =	stream.indirect_vreg.gather [hbm4b:s30+s3], $0x80, v2, vm0, $0xb8;
	[tilespmem:$0x1EE80] =	vst v63  }
0x9b: {  	p0 =	seq.s32 s10, $0x23;
	s13 =	simm.s32 $0x16E80  }
0x9c: {  	[tilespmem:s13], [sflag:$0x4] =	stream.indirect_vreg.gather [hbm4b:s31+s3], $0x80, v2, vm0, $0xb8;
	[tilespmem:$0x1EE80] =	vst v63  }
0x9d: {  	s11 =	sshll.u32 @!p0 s10, $0x8;
	s14 =	simm.s32 $0x17680  }
0x9e: {  	[tilespmem:s14], [sflag:$0x4] =	stream.indirect_vreg.gather [hbm4b:s0+s3], $0x80, v2, vm0, $0xb8;
	[tilespmem:$0x1EE80] =	vst v63  }
0x9f: {  	p1 =	seq.s32 @!p0 s10, $0x0;
	s11 =	sadd.s32 @!p0 $0x100, s11;
	s15 =	simm.s32 $0x17E80  }
0xa0: {  	[tilespmem:s15], [sflag:$0x4] =	stream.indirect_vreg.gather [hbm4b:s1+s3], $0x80, v2, vm0, $0xb8;
	[tilespmem:$0x1EE80] =	vst v63  }
0xa1: {  	p1 =	por p0, !p1;
	s16 =	simm.s32 $0x18680;
	s12 =	sand.u32 @!p0 $0x7C00, s11  }
0xa2: {  	[tilespmem:s16], [sflag:$0x4] =	stream.indirect_vreg.gather [hbm4b:s8+s3], $0x80, v2, vm0, $0xb8;
	[tilespmem:$0x1EE80] =	vst v63  }
.Ltmp2:
0xa3: {  	s11 =	sand.u32 @!p0 $0x300, s11;
	s12 =	sadd.s32 @!p0 s5, s12;
	(pc) =	sbr.rel @!p1 .LBB2_3-.Ltmp2, $4  }
0xa4: {  	s11 =	sor.u32 @!p0 s11, s12;
	_ =	swait.ge [sflag:s7], $0xC000  }
0xa5: {  	s11 =	sshrl.u32 @!p0 s11, $0x3;
	[sflag:s7] =	ssyncset.done $0x0  }
0xa6: {  	s12 =	simm.s32 @!p0 $0x0;
	s11 =	sadd.s32 @!p0 s4, s11;
	[sflag:s7] =	ssyncadd.s32 $0xFFFF4000  }
0xa7: {  	[tilespmem:s12], [sflag:$0x1] =	stream.linear.gather @!p0 [hbm4b:s11+s12], $0x4, $0x38;
	[tilespmem:$0x1EE80] =	vst v63  }
.Ltmp3:
0xa8: {  	(pc) =	sbr.rel .LBB2_5-.Ltmp3, $4  }
0xa9: {  	s11 =	simm.s32 $0x5  }
0xaa: {  	_ =	swait.ge [sflag:s11], $0x3000  }
0xab: {  	[sflag:s11] =	ssyncset.done $0x0  }
0xac: {  	p1 =	por $0x0, $0x0;
	[sflag:s11] =	ssyncadd.s32 $0xFFFFD000  }
.LBB2_3:
0xad: {  	p1 =	por @!p0 $0x1, $0x1  }
.LBB2_5:
0xae: {  	s11 =	smul.u32 $0x180, s10;
	s12 =	simm.s32 $0xF40  }
0xaf: {  	v5 =	vld [tilespmem:s12+$0xFFFFFFC0]  }
0xb0: {  	v6 =	vld [tilespmem:s12+$0xFFFFFF40];
	s11 =	sshra.s32 s11, $0x2  }
0xb1: {  	v2 =	vld [tilespmem:s11+$0x100]  }
0xb2: {  	v3 =	vld [tilespmem:s11+$0x110]  }
0xb3: {  	v7 =	vld [tilespmem:s12+$0x40]  }
0xb4: {  	v4 =	vld [tilespmem:s11+$0x120];
	_ =	sdelay $0x2  }
0xb5: {  	v5 =	vmul.f32 v5, v3;
	v6 =	vmul.f32 v6, v2;
	_ =	sdelay $0x1  }
0xb6: {  	v7 =	vmul.f32 v7, v4;
	v5 =	vadd.f32 v5, v6;
	_ =	sdelay $0x1  }
0xb7: {  	v5 =	vadd.f32 v7, v5  }
0xb8: {  	s13 =	simm.s32 $0x18EC0  }
0xb9: {  	[tilespmem:s13+$0xFFFFFFC0] =	vst v5  }
0xba: {  	v5 =	vld [tilespmem:s12+$0xFFFFFF50]  }
0xbb: {  	v6 =	vld [tilespmem:s12+$0xFFFFFFD0];
	_ =	sdelay $0x1  }
0xbc: {  	v7 =	vld [tilespmem:s12+$0x50];
	_ =	sdelay $0x2  }
0xbd: {  	v5 =	vmul.f32 v5, v2;
	v6 =	vmul.f32 v6, v3;
	_ =	sdelay $0x1  }
0xbe: {  	v5 =	vadd.f32 v6, v5;
	v6 =	vmul.f32 v7, v4;
	_ =	sdelay $0x1  }
0xbf: {  	v5 =	vadd.f32 v6, v5;
	_ =	sdelay $0x1  }
0xc0: {  	[tilespmem:s13+$0xFFFFFFD0] =	vst v5  }
0xc1: {  	v5 =	vld [tilespmem:s12+$0xFFFFFF60]  }
0xc2: {  	v6 =	vld [tilespmem:s12+$0xFFFFFFE0];
	_ =	sdelay $0x1  }
0xc3: {  	v7 =	vld [tilespmem:s12+$0x60];
	_ =	sdelay $0x2  }
0xc4: {  	v5 =	vmul.f32 v5, v2;
	v6 =	vmul.f32 v6, v3;
	_ =	sdelay $0x1  }
0xc5: {  	v5 =	vadd.f32 v6, v5;
	v6 =	vmul.f32 v7, v4;
	_ =	sdelay $0x1  }
0xc6: {  	v5 =	vadd.f32 v6, v5;
	_ =	sdelay $0x1  }
0xc7: {  	[tilespmem:s13+$0xFFFFFFE0] =	vst v5  }
0xc8: {  	v5 =	vld [tilespmem:s12+$0xFFFFFF70]  }
0xc9: {  	v6 =	vld [tilespmem:s12+$0xFFFFFFF0];
	_ =	sdelay $0x1  }
0xca: {  	v7 =	vld [tilespmem:s12+$0x70];
	_ =	sdelay $0x2  }
0xcb: {  	v5 =	vmul.f32 v5, v2;
	v6 =	vmul.f32 v6, v3;
	_ =	sdelay $0x1  }
0xcc: {  	v5 =	vadd.f32 v6, v5;
	v6 =	vmul.f32 v7, v4;
	_ =	sdelay $0x1  }
0xcd: {  	v5 =	vadd.f32 v6, v5;
	_ =	sdelay $0x1  }
0xce: {  	[tilespmem:s13+$0xFFFFFFF0] =	vst v5  }
0xcf: {  	v5 =	vld [tilespmem:s12+$0xFFFFFF80]  }
0xd0: {  	v6 =	vld [tilespmem:s12+$0x0];
	_ =	sdelay $0x1  }
0xd1: {  	v7 =	vld [tilespmem:s12+$0x80];
	_ =	sdelay $0x2  }
0xd2: {  	v5 =	vmul.f32 v5, v2;
	v6 =	vmul.f32 v6, v3;
	_ =	sdelay $0x1  }
0xd3: {  	v5 =	vadd.f32 v6, v5;
	v6 =	vmul.f32 v7, v4;
	_ =	sdelay $0x1  }
0xd4: {  	v5 =	vadd.f32 v6, v5;
	_ =	sdelay $0x1  }
0xd5: {  	[tilespmem:s13+$0x0] =	vst v5  }
0xd6: {  	v5 =	vld [tilespmem:s12+$0xFFFFFF90]  }
0xd7: {  	v6 =	vld [tilespmem:s12+$0x10];
	_ =	sdelay $0x1  }
0xd8: {  	v7 =	vld [tilespmem:s12+$0x90];
	_ =	sdelay $0x2  }
0xd9: {  	v5 =	vmul.f32 v5, v2;
	v6 =	vmul.f32 v6, v3;
	_ =	sdelay $0x1  }
0xda: {  	v5 =	vadd.f32 v6, v5;
	v6 =	vmul.f32 v7, v4;
	_ =	sdelay $0x1  }
0xdb: {  	v5 =	vadd.f32 v6, v5;
	_ =	sdelay $0x1  }
0xdc: {  	[tilespmem:s13+$0x10] =	vst v5  }
0xdd: {  	v5 =	vld [tilespmem:s12+$0xFFFFFFA0]  }
0xde: {  	v6 =	vld [tilespmem:s12+$0x20];
	_ =	sdelay $0x1  }
0xdf: {  	v7 =	vld [tilespmem:s12+$0xA0];
	_ =	sdelay $0x2  }
0xe0: {  	v5 =	vmul.f32 v5, v2;
	v6 =	vmul.f32 v6, v3;
	_ =	sdelay $0x1  }
0xe1: {  	v5 =	vadd.f32 v6, v5;
	v6 =	vmul.f32 v7, v4;
	_ =	sdelay $0x1  }
0xe2: {  	v5 =	vadd.f32 v6, v5;
	_ =	sdelay $0x1  }
0xe3: {  	[tilespmem:s13+$0x20] =	vst v5  }
0xe4: {  	v5 =	vld [tilespmem:s12+$0xFFFFFFB0]  }
0xe5: {  	s15 =	sshll.u32 s10, $0x1;
	v6 =	vld [tilespmem:s12+$0x30]  }
0xe6: {  	s16 =	simm.s32 $0x0;
	s14 =	simm.s32 $0x18EC0;
	s11 =	sshllo.u32 s10, $0x1;
	v7 =	vld [tilespmem:s12+$0xB0]  }
.LBB2_6:
0xe7: {  	_ = 	snop  }
0xe8: {  	s16 =	sadd.s32 $0x8, s16;
	s12 =	sadd.s32 $0x200, s12;
	s13 =	sadd.s32 $0x80, s13  }
0xe9: {  	p2 =	slt.u32 s16, $0x2F8;
	v5 =	vmul.f32 v5, v2  }
0xea: {  	v6 =	vmul.f32 v6, v3  }
0xeb: {  	v7 =	vmul.f32 v7, v4  }
0xec: {  	v5 =	vadd.f32 v6, v5;
	_ =	sdelay $0x1  }
0xed: {  	v5 =	vadd.f32 v7, v5;
	_ =	sdelay $0x1  }
0xee: {  	[tilespmem:s14+$0x30] =	vst v5;
	s14 =	smov.u32 s13  }
0xef: {  	v5 =	vld [tilespmem:s12+$0xFFFFFFC0]  }
0xf0: {  	v6 =	vld [tilespmem:s12+$0xFFFFFF40]  }
0xf1: {  	v7 =	vld [tilespmem:s12+$0x40];
	_ =	sdelay $0x2  }
0xf2: {  	v5 =	vmul.f32 v5, v3  }
0xf3: {  	v6 =	vmul.f32 v6, v2  }
0xf4: {  	v7 =	vmul.f32 v7, v4  }
0xf5: {  	v5 =	vadd.f32 v5, v6;
	_ =	sdelay $0x1  }
0xf6: {  	v5 =	vadd.f32 v7, v5;
	_ =	sdelay $0x1  }
0xf7: {  	[tilespmem:s13+$0xFFFFFFC0] =	vst v5  }
0xf8: {  	v5 =	vld [tilespmem:s12+$0xFFFFFF50]  }
0xf9: {  	v6 =	vld [tilespmem:s12+$0xFFFFFFD0];
	_ =	sdelay $0x1  }
0xfa: {  	v7 =	vld [tilespmem:s12+$0x50];
	_ =	sdelay $0x2  }
0xfb: {  	v5 =	vmul.f32 v5, v2;
	v6 =	vmul.f32 v6, v3;
	_ =	sdelay $0x1  }
0xfc: {  	v5 =	vadd.f32 v6, v5;
	v6 =	vmul.f32 v7, v4;
	_ =	sdelay $0x1  }
0xfd: {  	v5 =	vadd.f32 v6, v5;
	_ =	sdelay $0x1  }
0xfe: {  	[tilespmem:s13+$0xFFFFFFD0] =	vst v5  }
0xff: {  	v5 =	vld [tilespmem:s12+$0xFFFFFF60]  }
0x100: {  	v6 =	vld [tilespmem:s12+$0xFFFFFFE0];
	_ =	sdelay $0x1  }
0x101: {  	v7 =	vld [tilespmem:s12+$0x60];
	_ =	sdelay $0x2  }
0x102: {  	v5 =	vmul.f32 v5, v2;
	v6 =	vmul.f32 v6, v3;
	_ =	sdelay $0x1  }
0x103: {  	v5 =	vadd.f32 v6, v5;
	v6 =	vmul.f32 v7, v4;
	_ =	sdelay $0x1  }
0x104: {  	v5 =	vadd.f32 v6, v5;
	_ =	sdelay $0x1  }
0x105: {  	[tilespmem:s13+$0xFFFFFFE0] =	vst v5  }
0x106: {  	v5 =	vld [tilespmem:s12+$0xFFFFFF70]  }
0x107: {  	v6 =	vld [tilespmem:s12+$0xFFFFFFF0];
	_ =	sdelay $0x1  }
0x108: {  	v7 =	vld [tilespmem:s12+$0x70];
	_ =	sdelay $0x1  }
0x109: {  	v5 =	vmul.f32 v5, v2  }
0x10a: {  	v6 =	vmul.f32 v6, v3;
	_ =	sdelay $0x1  }
0x10b: {  	v5 =	vadd.f32 v6, v5;
	v6 =	vmul.f32 v7, v4;
	_ =	sdelay $0x1  }
0x10c: {  	v5 =	vadd.f32 v6, v5;
	_ =	sdelay $0x1  }
0x10d: {  	[tilespmem:s13+$0xFFFFFFF0] =	vst v5  }
0x10e: {  	v5 =	vld [tilespmem:s12+$0xFFFFFF80]  }
0x10f: {  	v6 =	vld [tilespmem:s12+$0x0];
	_ =	sdelay $0x1  }
0x110: {  	v7 =	vld [tilespmem:s12+$0x80];
	_ =	sdelay $0x1  }
0x111: {  	v5 =	vmul.f32 v5, v2  }
0x112: {  	v6 =	vmul.f32 v6, v3;
	_ =	sdelay $0x1  }
0x113: {  	v5 =	vadd.f32 v6, v5;
	v6 =	vmul.f32 v7, v4;
	_ =	sdelay $0x1  }
0x114: {  	v5 =	vadd.f32 v6, v5;
	_ =	sdelay $0x1  }
0x115: {  	[tilespmem:s13+$0x0] =	vst v5  }
0x116: {  	v5 =	vld [tilespmem:s12+$0xFFFFFF90]  }
0x117: {  	v6 =	vld [tilespmem:s12+$0x10]  }
0x118: {  	v7 =	vld [tilespmem:s12+$0x90];
	_ =	sdelay $0x3  }
0x119: {  	v5 =	vmul.f32 v5, v2;
	v6 =	vmul.f32 v6, v3;
	_ =	sdelay $0x1  }
0x11a: {  	v5 =	vadd.f32 v6, v5;
	v6 =	vmul.f32 v7, v4;
	_ =	sdelay $0x1  }
0x11b: {  	v5 =	vadd.f32 v6, v5;
	_ =	sdelay $0x1  }
0x11c: {  	[tilespmem:s13+$0x10] =	vst v5  }
0x11d: {  	v5 =	vld [tilespmem:s12+$0xFFFFFFA0]  }
0x11e: {  	v6 =	vld [tilespmem:s12+$0x20]  }
0x11f: {  	v7 =	vld [tilespmem:s12+$0xA0];
	_ =	sdelay $0x2  }
0x120: {  	v5 =	vmul.f32 v5, v2  }
0x121: {  	v6 =	vmul.f32 v6, v3;
	_ =	sdelay $0x1  }
0x122: {  	v5 =	vadd.f32 v6, v5;
	v6 =	vmul.f32 v7, v4;
	_ =	sdelay $0x1  }
0x123: {  	v5 =	vadd.f32 v6, v5  }
.Ltmp4:
0x124: {  	(pc) =	sbr.rel @p2 .LBB2_6-.Ltmp4, $4  }
0x125: {  	[tilespmem:s13+$0x20] =	vst v5  }
0x126: {  	v5 =	vld [tilespmem:s12+$0xFFFFFFB0]  }
0x127: {  	v6 =	vld [tilespmem:s12+$0x30]  }
0x128: {  	v7 =	vld [tilespmem:s12+$0xB0]  }
0x129: {  	_ =	sdelay $0x1  }
0x12a: {  	s12 =	rddreg [dreg:$0x3]  }
0x12b: {  	s12 =	sadd.s32 s12, s15;
	v2 =	vmul.f32 v5, v2;
	v3 =	vmul.f32 v6, v3  }
0x12c: {  	s12 =	sshrl.u32 s12, $0x3  }
0x12d: {  	s13 =	smul.u32 $0x18000, s12;
	s12 =	sshll.u32 s10, $0x8;
	v4 =	vmul.f32 v7, v4;
	v2 =	vadd.f32 v3, v2  }
.Ltmp5:
0x12e: {  	s16 =	sand.u32 $0x300, s12;
	(pc) =	sbr.rel @p0 .LBB2_9-.Ltmp5, $4  }
0x12f: {  	s15 =	sor.u32 s16, s13;
	v2 =	vadd.f32 v4, v2  }
0x130: {  	s15 =	sshrl.u32 s15, $0x3  }
0x131: {  	s16 =	simm.s32 $0x18E80;
	s15 =	sadd.s32 s6, s15;
	[tilespmem:s14+$0x30] =	vst v2  }
0x132: {  	[hbm4b:s15+s9] =	stream.strided.scatter [tilespmem:s16], [sflag:$0x5], $0x3000, s17, s9, $0x38;
	[tilespmem:$0x1EE80] =	vst v63  }
0x133: {  	s14 =	simm.s32 $0x1  }
0x134: {  	_ =	swait.ge [sflag:s14], $0x4  }
0x135: {  	[sflag:s14] =	ssyncset.done $0x0  }
0x136: {  	[sflag:s14] =	ssyncadd.s32 $0xFFFFFFFC  }
0x137: {  	v2 =	vld.msk [tilespmem:$0x0], $0xf;
	_ =	sdelay $0x4  }
0x138: {  	v3 =	vshrl.u32 v2, $0x3  }
0x139: {  	v3 =	vmul.u32 $0x300, v3  }
0x13a: {  	v2 =	vand.u32 $0x7, v2  }
0x13b: {  	v2 =	vor.u32 v2, v3  }
0x13c: {  	v2 =	vperm.xlane v2, v0;
	_ =	sdelay $0x1  }
0x13d: {  	v2 =	vadd.s32 v1, v2;
	_ =	sdelay $0x3  }
0x13e: {  	s15 =	simm.s32 $0xE80;
	s14 =	rddreg [dreg:$0x0]  }
0x13f: {  	[tilespmem:s15], [sflag:$0x3] =	stream.indirect_vreg.gather [hbm4b:s14+s3], $0x80, v2, vm0, $0xb8;
	[tilespmem:$0x1EE80] =	vst v63  }
0x140: {  	s17 =	simm.s32 $0x1680;
	s16 =	rddreg [dreg:$0x6]  }
0x141: {  	[tilespmem:s17], [sflag:$0x3] =	stream.indirect_vreg.gather [hbm4b:s16+s3], $0x80, v2, vm0, $0xb8;
	[tilespmem:$0x1EE80] =	vst v63  }
0x142: {  	s16 =	rddreg [dreg:$0x7];
	s17 =	simm.s32 $0x1E80  }
0x143: {  	[tilespmem:s17], [sflag:$0x3] =	stream.indirect_vreg.gather [hbm4b:s16+s3], $0x80, v2, vm0, $0xb8;
	[tilespmem:$0x1EE80] =	vst v63  }
0x144: {  	s16 =	rddreg [dreg:$0x8];
	s17 =	simm.s32 $0x2680  }
0x145: {  	[tilespmem:s17], [sflag:$0x3] =	stream.indirect_vreg.gather [hbm4b:s16+s3], $0x80, v2, vm0, $0xb8;
	[tilespmem:$0x1EE80] =	vst v63  }
0x146: {  	s16 =	rddreg [dreg:$0x9];
	s17 =	simm.s32 $0x2E80  }
0x147: {  	[tilespmem:s17], [sflag:$0x3] =	stream.indirect_vreg.gather [hbm4b:s16+s3], $0x80, v2, vm0, $0xb8;
	[tilespmem:$0x1EE80] =	vst v63  }
0x148: {  	s16 =	rddreg [dreg:$0xa];
	s17 =	simm.s32 $0x3680  }
0x149: {  	[tilespmem:s17], [sflag:$0x3] =	stream.indirect_vreg.gather [hbm4b:s16+s3], $0x80, v2, vm0, $0xb8;
	[tilespmem:$0x1EE80] =	vst v63  }
0x14a: {  	s16 =	rddreg [dreg:$0xb];
	s17 =	simm.s32 $0x3E80  }
0x14b: {  	[tilespmem:s17], [sflag:$0x3] =	stream.indirect_vreg.gather [hbm4b:s16+s3], $0x80, v2, vm0, $0xb8;
	[tilespmem:$0x1EE80] =	vst v63  }
0x14c: {  	s16 =	rddreg [dreg:$0xc];
	s17 =	simm.s32 $0x4680  }
0x14d: {  	[tilespmem:s17], [sflag:$0x3] =	stream.indirect_vreg.gather [hbm4b:s16+s3], $0x80, v2, vm0, $0xb8;
	[tilespmem:$0x1EE80] =	vst v63  }
0x14e: {  	s16 =	rddreg [dreg:$0xd];
	s17 =	simm.s32 $0x4E80  }
0x14f: {  	[tilespmem:s17], [sflag:$0x3] =	stream.indirect_vreg.gather [hbm4b:s16+s3], $0x80, v2, vm0, $0xb8;
	[tilespmem:$0x1EE80] =	vst v63  }
0x150: {  	s15 =	simm.s32 $0x5680  }
0x151: {  	[tilespmem:s15], [sflag:$0x3] =	stream.indirect_vreg.gather [hbm4b:s18+s3], $0x80, v2, vm0, $0xb8;
	[tilespmem:$0x1EE80] =	vst v63  }
0x152: {  	s16 =	simm.s32 $0x5E80  }
0x153: {  	[tilespmem:s16], [sflag:$0x3] =	stream.indirect_vreg.gather [hbm4b:s19+s3], $0x80, v2, vm0, $0xb8;
	[tilespmem:$0x1EE80] =	vst v63  }
0x154: {  	s17 =	simm.s32 $0x6680  }
0x155: {  	[tilespmem:s17], [sflag:$0x3] =	stream.indirect_vreg.gather [hbm4b:s20+s3], $0x80, v2, vm0, $0xb8;
	[tilespmem:$0x1EE80] =	vst v63  }
0x156: {  	s15 =	simm.s32 $0x6E80  }
0x157: {  	[tilespmem:s15], [sflag:$0x3] =	stream.indirect_vreg.gather [hbm4b:s21+s3], $0x80, v2, vm0, $0xb8;
	[tilespmem:$0x1EE80] =	vst v63  }
0x158: {  	s16 =	simm.s32 $0x7680  }
0x159: {  	[tilespmem:s16], [sflag:$0x3] =	stream.indirect_vreg.gather [hbm4b:s22+s3], $0x80, v2, vm0, $0xb8;
	[tilespmem:$0x1EE80] =	vst v63  }
0x15a: {  	s17 =	simm.s32 $0x7E80  }
0x15b: {  	[tilespmem:s17], [sflag:$0x3] =	stream.indirect_vreg.gather [hbm4b:s23+s3], $0x80, v2, vm0, $0xb8;
	[tilespmem:$0x1EE80] =	vst v63  }
0x15c: {  	s15 =	simm.s32 $0x8680  }
0x15d: {  	[tilespmem:s15], [sflag:$0x3] =	stream.indirect_vreg.gather [hbm4b:s24+s3], $0x80, v2, vm0, $0xb8;
	[tilespmem:$0x1EE80] =	vst v63  }
0x15e: {  	s16 =	simm.s32 $0x8E80  }
0x15f: {  	[tilespmem:s16], [sflag:$0x3] =	stream.indirect_vreg.gather [hbm4b:s26+s3], $0x80, v2, vm0, $0xb8;
	[tilespmem:$0x1EE80] =	vst v63  }
0x160: {  	s17 =	simm.s32 $0x9680  }
0x161: {  	[tilespmem:s17], [sflag:$0x3] =	stream.indirect_vreg.gather [hbm4b:s28+s3], $0x80, v2, vm0, $0xb8;
	[tilespmem:$0x1EE80] =	vst v63  }
0x162: {  	s15 =	simm.s32 $0x9E80  }
0x163: {  	[tilespmem:s15], [sflag:$0x3] =	stream.indirect_vreg.gather [hbm4b:s29+s3], $0x80, v2, vm0, $0xb8;
	[tilespmem:$0x1EE80] =	vst v63  }
0x164: {  	s16 =	simm.s32 $0xA680  }
0x165: {  	[tilespmem:s16], [sflag:$0x3] =	stream.indirect_vreg.gather [hbm4b:s30+s3], $0x80, v2, vm0, $0xb8;
	[tilespmem:$0x1EE80] =	vst v63  }
0x166: {  	s17 =	simm.s32 $0xAE80  }
0x167: {  	[tilespmem:s17], [sflag:$0x3] =	stream.indirect_vreg.gather [hbm4b:s31+s3], $0x80, v2, vm0, $0xb8;
	[tilespmem:$0x1EE80] =	vst v63  }
0x168: {  	s15 =	simm.s32 $0xB680  }
0x169: {  	[tilespmem:s15], [sflag:$0x3] =	stream.indirect_vreg.gather [hbm4b:s0+s3], $0x80, v2, vm0, $0xb8;
	[tilespmem:$0x1EE80] =	vst v63  }
0x16a: {  	s16 =	simm.s32 $0xBE80  }
0x16b: {  	[tilespmem:s16], [sflag:$0x3] =	stream.indirect_vreg.gather [hbm4b:s1+s3], $0x80, v2, vm0, $0xb8;
	[tilespmem:$0x1EE80] =	vst v63  }
0x16c: {  	s17 =	simm.s32 $0xC680  }
0x16d: {  	[tilespmem:s17], [sflag:$0x3] =	stream.indirect_vreg.gather [hbm4b:s8+s3], $0x80, v2, vm0, $0xb8;
	[tilespmem:$0x1EE80] =	vst v63  }
.LBB2_9:
0x16e: {  	_ =	swait.ge [sflag:s25], $0xC000  }
0x16f: {  	[sflag:s25] =	ssyncset.done $0x0  }
0x170: {  	s14 =	simm.s32 @!p1 $0x6;
	[sflag:s25] =	ssyncadd.s32 $0xFFFF4000  }
0x171: {  	s15 =	smul.u32 $0xC0, s11;
	_ =	swait.ge @!p1 [sflag:s14], $0x3000  }
0x172: {  	[sflag:s14] =	ssyncset.done @!p1 $0x0  }
0x173: {  	s15 =	sshra.s32 s15, $0x2;
	[sflag:s14] =	ssyncadd.s32 @!p1 $0xFFFFD000  }
0x174: {  	v2 =	vld [tilespmem:s15+$0x100]  }
0x175: {  	s14 =	simm.s32 $0xCF40;
	v3 =	vld [tilespmem:s15+$0x110]  }
0x176: {  	v5 =	vld [tilespmem:s14+$0xFFFFFFC0]  }
0x177: {  	v6 =	vld [tilespmem:s14+$0xFFFFFF40]  }
0x178: {  	v4 =	vld [tilespmem:s15+$0x120]  }
0x179: {  	v7 =	vld [tilespmem:s14+$0x40];
	_ =	sdelay $0x2  }
0x17a: {  	v5 =	vmul.f32 v5, v3;
	v6 =	vmul.f32 v6, v2;
	_ =	sdelay $0x1  }
0x17b: {  	v7 =	vmul.f32 v7, v4;
	v5 =	vadd.f32 v5, v6;
	_ =	sdelay $0x1  }
0x17c: {  	v5 =	vadd.f32 v7, v5  }
0x17d: {  	s15 =	simm.s32 $0x1BEC0  }
0x17e: {  	[tilespmem:s15+$0xFFFFFFC0] =	vst v5  }
0x17f: {  	v5 =	vld [tilespmem:s14+$0xFFFFFF50]  }
0x180: {  	v6 =	vld [tilespmem:s14+$0xFFFFFFD0];
	_ =	sdelay $0x1  }
0x181: {  	v7 =	vld [tilespmem:s14+$0x50];
	_ =	sdelay $0x2  }
0x182: {  	v5 =	vmul.f32 v5, v2;
	v6 =	vmul.f32 v6, v3;
	_ =	sdelay $0x1  }
0x183: {  	v5 =	vadd.f32 v6, v5;
	v6 =	vmul.f32 v7, v4;
	_ =	sdelay $0x1  }
0x184: {  	v5 =	vadd.f32 v6, v5;
	_ =	sdelay $0x1  }
0x185: {  	[tilespmem:s15+$0xFFFFFFD0] =	vst v5  }
0x186: {  	v5 =	vld [tilespmem:s14+$0xFFFFFF60]  }
0x187: {  	v6 =	vld [tilespmem:s14+$0xFFFFFFE0];
	_ =	sdelay $0x1  }
0x188: {  	v7 =	vld [tilespmem:s14+$0x60];
	_ =	sdelay $0x2  }
0x189: {  	v5 =	vmul.f32 v5, v2;
	v6 =	vmul.f32 v6, v3;
	_ =	sdelay $0x1  }
0x18a: {  	v5 =	vadd.f32 v6, v5;
	v6 =	vmul.f32 v7, v4;
	_ =	sdelay $0x1  }
0x18b: {  	v5 =	vadd.f32 v6, v5;
	_ =	sdelay $0x1  }
0x18c: {  	[tilespmem:s15+$0xFFFFFFE0] =	vst v5  }
0x18d: {  	v5 =	vld [tilespmem:s14+$0xFFFFFF70]  }
0x18e: {  	v6 =	vld [tilespmem:s14+$0xFFFFFFF0];
	_ =	sdelay $0x1  }
0x18f: {  	v7 =	vld [tilespmem:s14+$0x70];
	_ =	sdelay $0x2  }
0x190: {  	v5 =	vmul.f32 v5, v2;
	v6 =	vmul.f32 v6, v3;
	_ =	sdelay $0x1  }
0x191: {  	v5 =	vadd.f32 v6, v5;
	v6 =	vmul.f32 v7, v4;
	_ =	sdelay $0x1  }
0x192: {  	v5 =	vadd.f32 v6, v5;
	_ =	sdelay $0x1  }
0x193: {  	[tilespmem:s15+$0xFFFFFFF0] =	vst v5  }
0x194: {  	v5 =	vld [tilespmem:s14+$0xFFFFFF80]  }
0x195: {  	v6 =	vld [tilespmem:s14+$0x0];
	_ =	sdelay $0x1  }
0x196: {  	v7 =	vld [tilespmem:s14+$0x80];
	_ =	sdelay $0x2  }
0x197: {  	v5 =	vmul.f32 v5, v2;
	v6 =	vmul.f32 v6, v3;
	_ =	sdelay $0x1  }
0x198: {  	v5 =	vadd.f32 v6, v5;
	v6 =	vmul.f32 v7, v4;
	_ =	sdelay $0x1  }
0x199: {  	v5 =	vadd.f32 v6, v5;
	_ =	sdelay $0x1  }
0x19a: {  	[tilespmem:s15+$0x0] =	vst v5  }
0x19b: {  	v5 =	vld [tilespmem:s14+$0xFFFFFF90]  }
0x19c: {  	v6 =	vld [tilespmem:s14+$0x10];
	_ =	sdelay $0x1  }
0x19d: {  	v7 =	vld [tilespmem:s14+$0x90];
	_ =	sdelay $0x2  }
0x19e: {  	v5 =	vmul.f32 v5, v2;
	v6 =	vmul.f32 v6, v3;
	_ =	sdelay $0x1  }
0x19f: {  	v5 =	vadd.f32 v6, v5;
	v6 =	vmul.f32 v7, v4;
	_ =	sdelay $0x1  }
0x1a0: {  	v5 =	vadd.f32 v6, v5;
	_ =	sdelay $0x1  }
0x1a1: {  	[tilespmem:s15+$0x10] =	vst v5  }
0x1a2: {  	v5 =	vld [tilespmem:s14+$0xFFFFFFA0]  }
0x1a3: {  	v6 =	vld [tilespmem:s14+$0x20];
	_ =	sdelay $0x1  }
0x1a4: {  	v7 =	vld [tilespmem:s14+$0xA0];
	_ =	sdelay $0x2  }
0x1a5: {  	v5 =	vmul.f32 v5, v2;
	v6 =	vmul.f32 v6, v3;
	_ =	sdelay $0x1  }
0x1a6: {  	v5 =	vadd.f32 v6, v5;
	v6 =	vmul.f32 v7, v4;
	_ =	sdelay $0x1  }
0x1a7: {  	v5 =	vadd.f32 v6, v5;
	_ =	sdelay $0x1  }
0x1a8: {  	[tilespmem:s15+$0x20] =	vst v5  }
0x1a9: {  	v5 =	vld [tilespmem:s14+$0xFFFFFFB0]  }
0x1aa: {  	v6 =	vld [tilespmem:s14+$0x30]  }
0x1ab: {  	s17 =	simm.s32 $0x0;
	s16 =	simm.s32 $0x1BEC0;
	v7 =	vld [tilespmem:s14+$0xB0]  }
.LBB2_10:
0x1ac: {  	_ = 	snop  }
0x1ad: {  	s17 =	sadd.s32 $0x8, s17;
	s14 =	sadd.s32 $0x200, s14;
	s15 =	sadd.s32 $0x80, s15  }
0x1ae: {  	p1 =	slt.u32 s17, $0x2F8;
	v5 =	vmul.f32 v5, v2  }
0x1af: {  	v6 =	vmul.f32 v6, v3  }
0x1b0: {  	v7 =	vmul.f32 v7, v4  }
0x1b1: {  	v5 =	vadd.f32 v6, v5;
	_ =	sdelay $0x1  }
0x1b2: {  	v5 =	vadd.f32 v7, v5;
	_ =	sdelay $0x1  }
0x1b3: {  	[tilespmem:s16+$0x30] =	vst v5;
	s16 =	smov.u32 s15  }
0x1b4: {  	v5 =	vld [tilespmem:s14+$0xFFFFFFC0]  }
0x1b5: {  	v6 =	vld [tilespmem:s14+$0xFFFFFF40]  }
0x1b6: {  	v7 =	vld [tilespmem:s14+$0x40];
	_ =	sdelay $0x2  }
0x1b7: {  	v5 =	vmul.f32 v5, v3  }
0x1b8: {  	v6 =	vmul.f32 v6, v2  }
0x1b9: {  	v7 =	vmul.f32 v7, v4  }
0x1ba: {  	v5 =	vadd.f32 v5, v6;
	_ =	sdelay $0x1  }
0x1bb: {  	v5 =	vadd.f32 v7, v5;
	_ =	sdelay $0x1  }
0x1bc: {  	[tilespmem:s15+$0xFFFFFFC0] =	vst v5  }
0x1bd: {  	v5 =	vld [tilespmem:s14+$0xFFFFFF50]  }
0x1be: {  	v6 =	vld [tilespmem:s14+$0xFFFFFFD0];
	_ =	sdelay $0x1  }
0x1bf: {  	v7 =	vld [tilespmem:s14+$0x50];
	_ =	sdelay $0x2  }
0x1c0: {  	v5 =	vmul.f32 v5, v2;
	v6 =	vmul.f32 v6, v3;
	_ =	sdelay $0x1  }
0x1c1: {  	v5 =	vadd.f32 v6, v5;
	v6 =	vmul.f32 v7, v4;
	_ =	sdelay $0x1  }
0x1c2: {  	v5 =	vadd.f32 v6, v5;
	_ =	sdelay $0x1  }
0x1c3: {  	[tilespmem:s15+$0xFFFFFFD0] =	vst v5  }
0x1c4: {  	v5 =	vld [tilespmem:s14+$0xFFFFFF60]  }
0x1c5: {  	v6 =	vld [tilespmem:s14+$0xFFFFFFE0];
	_ =	sdelay $0x1  }
0x1c6: {  	v7 =	vld [tilespmem:s14+$0x60];
	_ =	sdelay $0x2  }
0x1c7: {  	v5 =	vmul.f32 v5, v2;
	v6 =	vmul.f32 v6, v3;
	_ =	sdelay $0x1  }
0x1c8: {  	v5 =	vadd.f32 v6, v5;
	v6 =	vmul.f32 v7, v4;
	_ =	sdelay $0x1  }
0x1c9: {  	v5 =	vadd.f32 v6, v5;
	_ =	sdelay $0x1  }
0x1ca: {  	[tilespmem:s15+$0xFFFFFFE0] =	vst v5  }
0x1cb: {  	v5 =	vld [tilespmem:s14+$0xFFFFFF70]  }
0x1cc: {  	v6 =	vld [tilespmem:s14+$0xFFFFFFF0];
	_ =	sdelay $0x1  }
0x1cd: {  	v7 =	vld [tilespmem:s14+$0x70];
	_ =	sdelay $0x1  }
0x1ce: {  	v5 =	vmul.f32 v5, v2  }
0x1cf: {  	v6 =	vmul.f32 v6, v3;
	_ =	sdelay $0x1  }
0x1d0: {  	v5 =	vadd.f32 v6, v5;
	v6 =	vmul.f32 v7, v4;
	_ =	sdelay $0x1  }
0x1d1: {  	v5 =	vadd.f32 v6, v5;
	_ =	sdelay $0x1  }
0x1d2: {  	[tilespmem:s15+$0xFFFFFFF0] =	vst v5  }
0x1d3: {  	v5 =	vld [tilespmem:s14+$0xFFFFFF80]  }
0x1d4: {  	v6 =	vld [tilespmem:s14+$0x0];
	_ =	sdelay $0x1  }
0x1d5: {  	v7 =	vld [tilespmem:s14+$0x80];
	_ =	sdelay $0x1  }
0x1d6: {  	v5 =	vmul.f32 v5, v2  }
0x1d7: {  	v6 =	vmul.f32 v6, v3;
	_ =	sdelay $0x1  }
0x1d8: {  	v5 =	vadd.f32 v6, v5;
	v6 =	vmul.f32 v7, v4;
	_ =	sdelay $0x1  }
0x1d9: {  	v5 =	vadd.f32 v6, v5;
	_ =	sdelay $0x1  }
0x1da: {  	[tilespmem:s15+$0x0] =	vst v5  }
0x1db: {  	v5 =	vld [tilespmem:s14+$0xFFFFFF90]  }
0x1dc: {  	v6 =	vld [tilespmem:s14+$0x10]  }
0x1dd: {  	v7 =	vld [tilespmem:s14+$0x90];
	_ =	sdelay $0x3  }
0x1de: {  	v5 =	vmul.f32 v5, v2;
	v6 =	vmul.f32 v6, v3;
	_ =	sdelay $0x1  }
0x1df: {  	v5 =	vadd.f32 v6, v5;
	v6 =	vmul.f32 v7, v4;
	_ =	sdelay $0x1  }
0x1e0: {  	v5 =	vadd.f32 v6, v5;
	_ =	sdelay $0x1  }
0x1e1: {  	[tilespmem:s15+$0x10] =	vst v5  }
0x1e2: {  	v5 =	vld [tilespmem:s14+$0xFFFFFFA0]  }
0x1e3: {  	v6 =	vld [tilespmem:s14+$0x20]  }
0x1e4: {  	v7 =	vld [tilespmem:s14+$0xA0];
	_ =	sdelay $0x2  }
0x1e5: {  	v5 =	vmul.f32 v5, v2  }
0x1e6: {  	v6 =	vmul.f32 v6, v3;
	_ =	sdelay $0x1  }
0x1e7: {  	v5 =	vadd.f32 v6, v5;
	v6 =	vmul.f32 v7, v4;
	_ =	sdelay $0x1  }
0x1e8: {  	v5 =	vadd.f32 v6, v5  }
.Ltmp6:
0x1e9: {  	(pc) =	sbr.rel @p1 .LBB2_10-.Ltmp6, $4  }
0x1ea: {  	[tilespmem:s15+$0x20] =	vst v5  }
0x1eb: {  	v5 =	vld [tilespmem:s14+$0xFFFFFFB0]  }
0x1ec: {  	v6 =	vld [tilespmem:s14+$0x30]  }
0x1ed: {  	v7 =	vld [tilespmem:s14+$0xB0]  }
0x1ee: {  	_ =	sdelay $0x2  }
0x1ef: {  	v2 =	vmul.f32 v5, v2;
	v3 =	vmul.f32 v6, v3;
	_ =	sdelay $0x1  }
0x1f0: {  	s11 =	sshll.u32 s11, $0x7;
	v4 =	vmul.f32 v7, v4;
	v2 =	vadd.f32 v3, v2  }
.Ltmp7:
0x1f1: {  	s11 =	sand.u32 $0x380, s11;
	(pc) =	sbr.rel @p0 .LBB2_13-.Ltmp7, $4  }
0x1f2: {  	s11 =	sor.u32 s11, s13;
	v2 =	vadd.f32 v4, v2  }
0x1f3: {  	s11 =	sshrl.u32 s11, $0x3  }
0x1f4: {  	s17 =	simm.s32 $0x400;
	s11 =	sadd.s32 s6, s11;
	[tilespmem:s16+$0x30] =	vst v2;
	s16 =	simm.s32 $0x1BE80  }
0x1f5: {  	[hbm4b:s11+s9] =	stream.strided.scatter [tilespmem:s16], [sflag:$0x6], $0x3000, s17, s9, $0x38;
	[tilespmem:$0x1EE80] =	vst v63  }
0x1f6: {  	s11 =	sadd.s32 $0x180, s12  }
0x1f7: {  	s12 =	sand.u32 $0x7C00, s11  }
.Ltmp8:
0x1f8: {  	s11 =	sand.u32 $0x380, s11;
	s12 =	sadd.s32 s5, s12;
	(pc) =	sbr.rel .LBB2_2-.Ltmp8, $4  }
0x1f9: {  	s11 =	sor.u32 s11, s12  }
0x1fa: {  	s11 =	sshrl.u32 s11, $0x3  }
0x1fb: {  	s10 =	sadd.s32 $0x1, s10;
	s11 =	sadd.s32 s4, s11  }
0x1fc: {  	[tilespmem:s9], [sflag:$0x2] =	stream.linear.gather [hbm4b:s11+s3], $0x4, $0x38;
	[tilespmem:$0x1EE80] =	vst v63  }
.LBB2_14:
0x1fd: {  	_ =	sfence.sel $0x180000  }
0x1fe: {  	[bflag:$0x0] =	sbarrier.arrive $0xFFFF  }
0x1ff: {  	_ =	strace $0x9000004A  }
0x200: {  	s0 =	stileid.u32;
	[bflag:$0x2] =	sbarrier.arrive $0xFFFF  }
0x201: {  	p0 =	sne.s32 s0, $0x0;
	s0 =	rddreg [dreg:$0x2]  }
0x202: {  	s0 =	sadd.s32 @!p0 $0x100000, s0  }
0x203: {  	[sflag:s0] =	ssyncadd.tile.s32 @!p0 $0x1;
	_ =	shalt  }
.Lfunc_end2:
_tile_overlayer_lowered:
.L_overlay_start_2:
0x204: {  	(tag) =	ssettag $0x2  }
0x205: {  	s0 =	rddreg [dreg:$0x0];
	s2 =	stileid.u32  }
0x206: {  	s1 =	rddreg [dreg:$0x1];
	p0 =	sne.s32 s2, $0x0  }
0x207: {  	s3 =	rddreg [dreg:$0x2];
	[bflag:$0x3] =	sbarrier.arrive $0xFFFF;
	s2 =	simm.s32 @!p0 $0x1C07  }
0x208: {  	[timem:s3], [sflag:s2] =	dma.local @!p0 [hbm:s0], s1  }
0x209: {  	s0 =	simm.s32 @!p0 $0x7  }
0x20a: {  	_ =	swait.ge @!p0 [sflag:s0], s1  }
0x20b: {  	s1 =	ssub.s32 @!p0 $0x0, s1;
	[sflag:s0] =	ssyncset.done @!p0 $0x0  }
0x20c: {  	[sflag:s0] =	ssyncadd.s32 @!p0 s1  }
0x20d: {  	[bflag:$0x3] =	sbarrier.arrive $0xFFFF  }
0x20e: {  	_ =	shalt  }

// kernel: sparse-core-data-format-call.1.cloned.1.call-start
scs
called_computation.1_lowered:
.L_overlay_start_0:
0x0: {  	s1 =	sld [smem:$0x3FD9]  }
0x1: {  	s2 =	sld [smem:$0x3FFE];
	_ =	sdelay $0x1  }
0x2: {  	s3 =	srdreg.scid  }
0x3: {  	s0 =	sand.u32 $0x1, s3  }
0x4: {  	s17 =	sshll.u32 s0, $0xA;
	s1 =	sadd.s32 s2, s1  }
0x5: {  	s1 =	sadd.s32 s1, s17  }
0x6: {  	[smem:$0x3FBD] =	sst s1  }
0x7: {  	_ = 	snop  }
0x8: {  	(tm) =	ssettm $0x1  }
0x9: {  	s18 =	sld [smem:$0x3FFB];
	_ =	sdelay $0x3  }
0xa: {  	_ =	strace s18  }
0xb: {  	s1 =	sld [smem:$0x3FFC];
	_ =	sdelay $0x3  }
0xc: {  	_ =	strace s1  }
0xd: {  	s1 =	sld [smem:$0x3FFD];
	_ =	sdelay $0x3  }
0xe: {  	_ =	strace s1  }
0xf: {  	_ =	strace $0x8FFFFFFF  }
0x10: {  	s19 =	sld [smem:$0x3FDB];
	_ =	sdelay $0x1  }
0x11: {  	s20 =	simm.s32 $_scs_section_size  }
0x12: {  	s4 =	simm.s32 $_size__tile_overlayer_lowered;
	s5 =	simm.s32 $_tile_overlayer_lowered  }
0x13: {  	s23 =	simm.s32 $0x1BFF;
	s22 =	sshll.u32 s5, $0x1;
	s1 =	sadd.s32 s20, s19  }
0x14: {  	s6 =	simm.s32 $0x0;
	s21 =	sshll.u32 s4, $0x1;
	s4 =	sadd.s32 s22, s1  }
0x15: {  	[timem:s6], [sflag:s23] =	dma.local [hbm:s4], s21  }
0x16: {  	_ =	swait.ge [sflag:s23], s21  }
0x17: {  	s2 =	ssub.s32 $0x0, s21;
	[sflag:s23] =	ssyncset.done $0x0  }
0x18: {  	[sflag:s23] =	ssyncadd.s32 s2;
	_ =	sdelay $0x1  }
0x19: {  	s24 =	simm.s32 $0x1B8B  }
0x1a: {  	_ =	swait.ge [sflag:s24], $0x1  }
0x1b: {  	[sflag:s24] =	ssyncset.done $0x0  }
0x1c: {  	s26 =	simm.s32 $0x1B8E;
	s25 =	sld [smem:$0x3FFE];
	[sflag:s24] =	ssyncadd.s32 $0xFFFFFFFF  }
0x1d: {  	s27 =	simm.s32 $execute0_lowered;
	[smem:$0x3FD2] =	sst s26  }
0x1e: {  	s4 =	sshll.u32 s27, $0x1;
	_ =	strace $0x8000004C;
	[dreg:$0x1] =	wrdreg $0xFFFFFFFF  }
0x1f: {  	s28 =	simm.s32 $_size_execute0_lowered;
	s1 =	sadd.s32 s1, s4;
	[dreg:$0x0] =	wrdreg $0x0  }
0x20: {  	s4 =	sshll.u32 s28, $0x1;
	[dreg:$0x2] =	wrdreg s1  }
0x21: {  	[dreg:$0x3] =	wrdreg s4  }
0x22: {  	[dreg:$0x4] =	wrdreg $0xC0  }
0x23: {  	_ =	task [dreg:s6], $0x5FFFF  }
0x24: {  	[dreg:$0x1] =	wrdreg $0xFFFFFFFF  }
0x25: {  	[dreg:$0x0] =	wrdreg $0x60  }
0x26: {  	[dreg:$0x2] =	wrdreg s25  }
0x27: {  	[dreg:$0x3] =	wrdreg $0x9  }
0x28: {  	_ =	task.clear_ibuf [dreg:s6], $0x4FFFF;
	_ =	strace $0x9000004C  }
0x29: {  	s29 =	simm.s32 $0x9;
	_ =	strace $0x8000004E  }
0x2a: {  	_ =	swait.ge [sflag:s29], $0x1  }
0x2b: {  	[sflag:s29] =	ssyncadd.s32 $0xFFFFFFFF  }
0x2c: {  	_ =	strace $0x9000004E  }
0x2d: {  	_ =	sfence  }
0x2e: {  	s30 =	sld [smem:$0x0];
	_ =	sdelay $0x2  }
0x2f: {  	s31 =	sshll.u32 s3, $0xD;
	s3 =	sshrl.u32 s3, $0x2  }
0x30: {  	s2 =	sand.u32 $0x4000, s31;
	s1 =	sadd.s32 s3, s30  }
0x31: {  	s0 =	sor.u32 s2, s0;
	s1 =	sshll.u32 s1, $0x11  }
0x32: {  	s0 =	sor.u32 s1, s0  }
0x33: {  	s0 =	sadd.s32 $0x8F2B, s0  }
0x34: {  	[sflag:s0] =	ssyncadd.remote.s32 $0x1  }
0x35: {  	_ =	sfence.sel $0xFFFF  }
0x36: {  	[dreg:$0x0] =	wrdreg $0xFFFFFFFF;
	(pc) =	sbr.abs _section_cstart, $3  }
0x37: {  	[dreg:$0x1] =	wrdreg $0xFFFFFFFF  }
0x38: {  	_ =	task.clear_ibuf [dreg:s6], $0x2FFFF;
	_ =	strace $0x9FFFFFFF  }
0x39: {  	(tm) =	ssettm $0x7FFFFFFF  }
tec
execute0_lowered:
.L_overlay_start_1:
0x0: {  	(tag) =	ssettag $0x1  }
0x1: {  	s0 =	srdreg.scid;
	s6 =	rddreg [dreg:$0x0];
	s4 =	simm.s32 $0x1  }
0x2: {  	s7 =	simm.s32 $0x2;
	s14 =	simm.s32 $0x0;
	s1 =	sshll.u32 s0, $0x4  }
0x3: {  	s8 =	simm.s32 $0x800;
	s0 =	stileid.u32;
	s1 =	sand.u32 $0x10, s1  }
0x4: {  	s9 =	simm.s32 $0x18000;
	s10 =	simm.s32 $0x0;
	s2 =	sor.u32 s0, s1  }
.Ltmp0:
0x5: {  	s15 =	simm.s32 $0x0;
	s3 =	ssub.s32 $0x4F, s2;
	(pc) =	sbr.rel .LBB1_1-.Ltmp0, $4  }
0x6: {  	s11 =	simm.s32 $0x0;
	s13 =	simm.s32 $0x0;
	s5 =	sshrl.u32 s3, $0x5  }
0x7: {  	s1 =	rddreg [dreg:$0x1];
	_ =	strace $0x8000004D;
	s5 =	smul.u32 $0x30, s5  }
0x8: {  	[sflag:s4] =	ssyncpa.u1 $0x0;
	s12 =	smov.u32 s2;
	s3 =	sadd.s32 $0x901C00, s6  }
0x9: {  	s6 =	sadd.s32 $0x1C00, s6;
	[sflag:s7] =	ssyncpa.u1 $0x0;
	s7 =	sor.u32 $0x1, s5  }
.LBB1_7:
0xa: {  	s16 =	sadd.s32 $0x1, s11  }
0xb: {  	s14 =	sadd.s32 $0x20, s12;
	s18 =	smov.u32 s12;
	p1 =	sgt.s32 s16, $0x2F  }
0xc: {  	s18 =	smov.u32 @p1 s14  }
0xd: {  	s16 =	simm.s32 @p1 $0x0;
	p1 =	sgt.s32 s18, $0x2F  }
0xe: {  	s18 =	smov.u32 @p1 s2;
	p1 =	sne.s32 s13, s7  }
.Ltmp1:
0xf: {  	p0 =	slt.u32 s13, $0x2;
	(pc) =	sbr.rel @!p1 .LBB1_8-.Ltmp1, $4  }
0x10: {  	s17 =	simm.s32 @!p0 $0x2  }
0x11: {  	s15 =	smov.u32 s12;
	s10 =	sadd.s32 $0x4000, s10;
	_ =	swait.ge @!p0 [sflag:s17], $0x4000  }
0x12: {  	s14 =	smov.u32 s11;
	[sflag:s17] =	ssyncset.done @!p0 $0x0;
	s11 =	smov.u32 s16  }
0x13: {  	s13 =	sadd.s32 $0x1, s13;
	[sflag:s17] =	ssyncadd.s32 @!p0 $0xFFFFC000;
	s12 =	smov.u32 s18  }
.LBB1_1:
0x14: {  	p0 =	sge.u32 s13, s5  }
0x15: {  	s16 =	smul.u32 @!p0 $0x18000, s12  }
0x16: {  	s31 =	sadd.s32 $0xFFFFFFFF, s13;
	s17 =	sxor.u32 @!p0 $0xFFFFFFFF, s13  }
0x17: {  	s18 =	sshll.u32 @!p0 s11, $0xB;
	s17 =	sshll.u32 @!p0 s17, $0xE;
	s16 =	sadd.s32 @!p0 s3, s16  }
0x18: {  	s17 =	sand.u32 @!p0 $0x4000, s17;
	s16 =	sadd.s32 @!p0 s18, s16;
	s18 =	simm.s32 @!p0 $0x0  }
0x19: {  	[tilespmem:s17], [sflag:$0x1] =	stream.linear.gather @!p0 [hbm4b:s16+s18], $0x4000, $0x38;
	[tilespmem:$0x10000] =	vst v63  }
0x1a: {  	p0 =	sge.u32 s31, s5  }
.Ltmp2:
0x1b: {  	_ = 	snop;
	(pc) =	sbr.rel @p0 .LBB1_7-.Ltmp2, $1  }
0x1c: {  	_ =	sdelay $0x3  }
0x1d: {  	s17 =	sand.u32 $0x4000, s10  }
0x1e: {  	_ =	swait.ge [sflag:s4], $0x4000;
	s19 =	sshll.u32 s13, $0xE;
	s16 =	sor.u32 $0x400, s17  }
0x1f: {  	s18 =	sor.u32 $0x8470, s17;
	[sflag:s4] =	ssyncset.done $0x0;
	s31 =	sand.u32 $0x4000, s19  }
0x20: {  	s19 =	simm.s32 $0x0;
	[sflag:s4] =	ssyncadd.s32 $0xFFFFC000;
	s17 =	sor.u32 $0x8000, s31  }
.LBB1_3:
0x21: {  	v1 =	vmov s16;
	_ =	sdelay $0x3  }
0x22: {  	s20 =	simm.s32 $0x0  }
0x23: {  	v2 =	vld.idx.msk [tilespmem:v1+s20+$0x70 ss:$0x1], $0xffff  }
0x24: {  	v0 =	vmov s18;
	v3 =	vld.idx.msk [tilespmem:v1+s20+$0xFFFFFC00 ss:$0x1], $0xffff  }
0x25: {  	v4 =	vld.idx.msk [tilespmem:v1+s20+$0xFFFFFC10 ss:$0x1], $0xffff  }
0x26: {  	v5 =	vld.idx.msk [tilespmem:v1+s20+$0xFFFFFC20 ss:$0x1], $0xffff  }
0x27: {  	v6 =	vld.idx.msk [tilespmem:v1+s20+$0xFFFFFC30 ss:$0x1], $0xffff  }
0x28: {  	v7 =	vld.idx.msk [tilespmem:v1+s20+$0xFFFFFC40 ss:$0x1], $0xffff  }
0x29: {  	v8 =	vld.idx.msk [tilespmem:v1+s20+$0xFFFFFC50 ss:$0x1], $0xffff;
	[tilespmem:v0+s20+$0x0 ss:$0x1] =	vst.idx.msk $0xffff, v2  }
0x2a: {  	v9 =	vld.idx.msk [tilespmem:v1+s20+$0xFFFFFC60 ss:$0x1], $0xffff;
	[tilespmem:v0+s20+$0xFFFFFB90 ss:$0x1] =	vst.idx.msk $0xffff, v3  }
0x2b: {  	v10 =	vld.idx.msk [tilespmem:v1+s20+$0xFFFFFC70 ss:$0x1], $0xffff;
	[tilespmem:v0+s20+$0xFFFFFBA0 ss:$0x1] =	vst.idx.msk $0xffff, v4  }
0x2c: {  	v11 =	vld.idx.msk [tilespmem:v1+s20+$0x0 ss:$0x1], $0xffff;
	[tilespmem:v0+s20+$0xFFFFFBB0 ss:$0x1] =	vst.idx.msk $0xffff, v5  }
0x2d: {  	[tilespmem:v0+s20+$0xFFFFFBC0 ss:$0x1] =	vst.idx.msk $0xffff, v6;
	v2 =	vld.idx.msk [tilespmem:v1+s20+$0x10 ss:$0x1], $0xffff  }
0x2e: {  	[tilespmem:v0+s20+$0xFFFFFBD0 ss:$0x1] =	vst.idx.msk $0xffff, v7;
	v3 =	vld.idx.msk [tilespmem:v1+s20+$0x20 ss:$0x1], $0xffff  }
0x2f: {  	[tilespmem:v0+s20+$0xFFFFFBE0 ss:$0x1] =	vst.idx.msk $0xffff, v8;
	v4 =	vld.idx.msk [tilespmem:v1+s20+$0x30 ss:$0x1], $0xffff  }
0x30: {  	[tilespmem:v0+s20+$0xFFFFFBF0 ss:$0x1] =	vst.idx.msk $0xffff, v9;
	v5 =	vld.idx.msk [tilespmem:v1+s20+$0x40 ss:$0x1], $0xffff  }
0x31: {  	[tilespmem:v0+s20+$0xFFFFFC00 ss:$0x1] =	vst.idx.msk $0xffff, v10;
	v6 =	vld.idx.msk [tilespmem:v1+s20+$0x50 ss:$0x1], $0xffff  }
0x32: {  	s21 =	simm.s32 $0x80;
	s22 =	simm.s32 $0x400;
	[tilespmem:v0+s20+$0xFFFFFF90 ss:$0x1] =	vst.idx.msk $0xffff, v11;
	v7 =	vld.idx.msk [tilespmem:v1+s20+$0x60 ss:$0x1], $0xffff  }
.LBB1_4:
0x33: {  	p0 =	sne.s32 s22, $0xE00;
	v8 =	vld.idx.msk [tilespmem:v1+s21+$0x70 ss:$0x1], $0xffff;
	[tilespmem:v0+s20+$0xFFFFFFA0 ss:$0x1] =	vst.idx.msk $0xffff, v2  }
0x34: {  	v2 =	vld.idx.msk [tilespmem:v1+s21+$0xFFFFFC00 ss:$0x1], $0xffff;
	[tilespmem:v0+s20+$0xFFFFFFB0 ss:$0x1] =	vst.idx.msk $0xffff, v3  }
0x35: {  	v3 =	vld.idx.msk [tilespmem:v1+s21+$0xFFFFFC10 ss:$0x1], $0xffff;
	[tilespmem:v0+s20+$0xFFFFFFC0 ss:$0x1] =	vst.idx.msk $0xffff, v4  }
0x36: {  	v4 =	vld.idx.msk [tilespmem:v1+s21+$0xFFFFFC20 ss:$0x1], $0xffff;
	[tilespmem:v0+s20+$0xFFFFFFD0 ss:$0x1] =	vst.idx.msk $0xffff, v5  }
0x37: {  	v5 =	vld.idx.msk [tilespmem:v1+s21+$0xFFFFFC30 ss:$0x1], $0xffff;
	[tilespmem:v0+s20+$0xFFFFFFE0 ss:$0x1] =	vst.idx.msk $0xffff, v6  }
0x38: {  	v6 =	vld.idx.msk [tilespmem:v1+s21+$0xFFFFFC40 ss:$0x1], $0xffff;
	[tilespmem:v0+s20+$0xFFFFFFF0 ss:$0x1] =	vst.idx.msk $0xffff, v7;
	s20 =	smov.u32 s21  }
0x39: {  	v7 =	vld.idx.msk [tilespmem:v1+s20+$0xFFFFFC50 ss:$0x1], $0xffff;
	[tilespmem:v0+s20+$0x0 ss:$0x1] =	vst.idx.msk $0xffff, v8  }
0x3a: {  	[tilespmem:v0+s20+$0xFFFFFB90 ss:$0x1] =	vst.idx.msk $0xffff, v2;
	v8 =	vld.idx.msk [tilespmem:v1+s20+$0xFFFFFC60 ss:$0x1], $0xffff  }
0x3b: {  	[tilespmem:v0+s20+$0xFFFFFBA0 ss:$0x1] =	vst.idx.msk $0xffff, v3;
	v9 =	vld.idx.msk [tilespmem:v1+s20+$0xFFFFFC70 ss:$0x1], $0xffff  }
0x3c: {  	[tilespmem:v0+s20+$0xFFFFFBB0 ss:$0x1] =	vst.idx.msk $0xffff, v4;
	v10 =	vld.idx.msk [tilespmem:v1+s20+$0x0 ss:$0x1], $0xffff  }
0x3d: {  	[tilespmem:v0+s20+$0xFFFFFBC0 ss:$0x1] =	vst.idx.msk $0xffff, v5;
	v2 =	vld.idx.msk [tilespmem:v1+s20+$0x10 ss:$0x1], $0xffff  }
.Ltmp3:
0x3e: {  	[tilespmem:v0+s20+$0xFFFFFBD0 ss:$0x1] =	vst.idx.msk $0xffff, v6;
	v3 =	vld.idx.msk [tilespmem:v1+s20+$0x20 ss:$0x1], $0xffff;
	(pc) =	sbr.rel @p0 .LBB1_4-.Ltmp3, $4  }
0x3f: {  	[tilespmem:v0+s20+$0xFFFFFBE0 ss:$0x1] =	vst.idx.msk $0xffff, v7;
	v4 =	vld.idx.msk [tilespmem:v1+s20+$0x30 ss:$0x1], $0xffff  }
0x40: {  	[tilespmem:v0+s20+$0xFFFFFBF0 ss:$0x1] =	vst.idx.msk $0xffff, v8;
	v5 =	vld.idx.msk [tilespmem:v1+s20+$0x40 ss:$0x1], $0xffff  }
0x41: {  	[tilespmem:v0+s20+$0xFFFFFC00 ss:$0x1] =	vst.idx.msk $0xffff, v9;
	v6 =	vld.idx.msk [tilespmem:v1+s20+$0x50 ss:$0x1], $0xffff  }
0x42: {  	s21 =	sshra.s32 s22, $0x2;
	s22 =	sadd.s32 $0x200, s22;
	[tilespmem:v0+s20+$0xFFFFFF90 ss:$0x1] =	vst.idx.msk $0xffff, v10;
	v7 =	vld.idx.msk [tilespmem:v1+s20+$0x60 ss:$0x1], $0xffff  }
0x43: {  	_ =	sdelay $0x3  }
0x44: {  	[tilespmem:v0+s20+$0xFFFFFFA0 ss:$0x1] =	vst.idx.msk $0xffff, v2  }
0x45: {  	v48 =	vld.idx.msk [tilespmem:v1+s21+$0x70 ss:$0x1], $0xffff;
	[tilespmem:v0+s20+$0xFFFFFFB0 ss:$0x1] =	vst.idx.msk $0xffff, v3  }
0x46: {  	v49 =	vld.idx.msk [tilespmem:v1+s21+$0xFFFFFC00 ss:$0x1], $0xffff;
	[tilespmem:v0+s20+$0xFFFFFFC0 ss:$0x1] =	vst.idx.msk $0xffff, v4  }
0x47: {  	v50 =	vld.idx.msk [tilespmem:v1+s21+$0xFFFFFC10 ss:$0x1], $0xffff;
	[tilespmem:v0+s20+$0xFFFFFFD0 ss:$0x1] =	vst.idx.msk $0xffff, v5  }
0x48: {  	v51 =	vld.idx.msk [tilespmem:v1+s21+$0xFFFFFC20 ss:$0x1], $0xffff;
	[tilespmem:v0+s20+$0xFFFFFFE0 ss:$0x1] =	vst.idx.msk $0xffff, v6  }
0x49: {  	v52 =	vld.idx.msk [tilespmem:v1+s21+$0xFFFFFC30 ss:$0x1], $0xffff;
	[tilespmem:v0+s20+$0xFFFFFFF0 ss:$0x1] =	vst.idx.msk $0xffff, v7  }
0x4a: {  	v53 =	vld.idx.msk [tilespmem:v1+s21+$0xFFFFFC40 ss:$0x1], $0xffff;
	[tilespmem:v0+s21+$0x0 ss:$0x1] =	vst.idx.msk $0xffff, v48  }
0x4b: {  	v54 =	vld.idx.msk [tilespmem:v1+s21+$0xFFFFFC50 ss:$0x1], $0xffff;
	[tilespmem:v0+s21+$0xFFFFFB90 ss:$0x1] =	vst.idx.msk $0xffff, v49  }
0x4c: {  	v55 =	vld.idx.msk [tilespmem:v1+s21+$0xFFFFFC60 ss:$0x1], $0xffff;
	[tilespmem:v0+s21+$0xFFFFFBA0 ss:$0x1] =	vst.idx.msk $0xffff, v50  }
0x4d: {  	v56 =	vld.idx.msk [tilespmem:v1+s21+$0xFFFFFC70 ss:$0x1], $0xffff;
	[tilespmem:v0+s21+$0xFFFFFBB0 ss:$0x1] =	vst.idx.msk $0xffff, v51  }
0x4e: {  	v57 =	vld.idx.msk [tilespmem:v1+s21+$0x0 ss:$0x1], $0xffff;
	[tilespmem:v0+s21+$0xFFFFFBC0 ss:$0x1] =	vst.idx.msk $0xffff, v52  }
0x4f: {  	v58 =	vld.idx.msk [tilespmem:v1+s21+$0x10 ss:$0x1], $0xffff;
	[tilespmem:v0+s21+$0xFFFFFBD0 ss:$0x1] =	vst.idx.msk $0xffff, v53  }
0x50: {  	v59 =	vld.idx.msk [tilespmem:v1+s21+$0x20 ss:$0x1], $0xffff;
	[tilespmem:v0+s21+$0xFFFFFBE0 ss:$0x1] =	vst.idx.msk $0xffff, v54  }
0x51: {  	v60 =	vld.idx.msk [tilespmem:v1+s21+$0x30 ss:$0x1], $0xffff;
	[tilespmem:v0+s21+$0xFFFFFBF0 ss:$0x1] =	vst.idx.msk $0xffff, v55  }
0x52: {  	v61 =	vld.idx.msk [tilespmem:v1+s21+$0x40 ss:$0x1], $0xffff;
	[tilespmem:v0+s21+$0xFFFFFC00 ss:$0x1] =	vst.idx.msk $0xffff, v56  }
0x53: {  	v62 =	vld.idx.msk [tilespmem:v1+s21+$0x50 ss:$0x1], $0xffff;
	s19 =	sadd.s32 $0x1, s19;
	[tilespmem:v0+s21+$0xFFFFFF90 ss:$0x1] =	vst.idx.msk $0xffff, v57  }
0x54: {  	v63 =	vld.idx.msk [tilespmem:v1+s21+$0x60 ss:$0x1], $0xffff;
	p0 =	sne.s32 s19, $0x8;
	[tilespmem:v0+s21+$0xFFFFFFA0 ss:$0x1] =	vst.idx.msk $0xffff, v58  }
.Ltmp4:
0x55: {  	[tilespmem:v0+s21+$0xFFFFFFB0 ss:$0x1] =	vst.idx.msk $0xffff, v59;
	(pc) =	sbr.rel @p0 .LBB1_3-.Ltmp4, $4  }
0x56: {  	[tilespmem:v0+s21+$0xFFFFFFC0 ss:$0x1] =	vst.idx.msk $0xffff, v60  }
0x57: {  	[tilespmem:v0+s21+$0xFFFFFFD0 ss:$0x1] =	vst.idx.msk $0xffff, v61  }
0x58: {  	[tilespmem:v0+s21+$0xFFFFFFE0 ss:$0x1] =	vst.idx.msk $0xffff, v62  }
0x59: {  	s16 =	sadd.s32 $0x800, s16;
	s18 =	sadd.s32 $0x800, s18;
	[tilespmem:v0+s21+$0xFFFFFFF0 ss:$0x1] =	vst.idx.msk $0xffff, v63  }
0x5a: {  	s15 =	smul.u32 $0x18000, s15  }
.Ltmp5:
0x5b: {  	_ = 	snop;
	(pc) =	sbr.rel .LBB1_7-.Ltmp5, $4  }
0x5c: {  	_ = 	snop  }
0x5d: {  	s14 =	sshll.u32 s14, $0x8;
	s15 =	sadd.s32 s6, s15  }
0x5e: {  	s14 =	sadd.s32 s14, s15  }
0x5f: {  	[hbm4b:s14+s8] =	stream.strided.scatter [tilespmem:s17], [sflag:$0x2], $0x4000, s9, s8, $0x38;
	[tilespmem:$0x10000] =	vst v63  }
.LBB1_8:
0x60: {  	_ =	sfence.sel $0x180000  }
0x61: {  	s2 =	simm.s32 $0x1;
	[bflag:$0x0] =	sbarrier.arrive $0xFFFF  }
0x62: {  	s31 =	simm.s32 $0x2;
	[sflag:s2] =	ssyncpa.u1 $0x1  }
0x63: {  	[sflag:s31] =	ssyncpa.u1 $0x1  }
0x64: {  	p0 =	sne.s32 s0, $0x0;
	_ =	strace $0x9000004D  }
0x65: {  	s0 =	sadd.s32 @!p0 $0x100000, s1;
	[bflag:$0x2] =	sbarrier.arrive $0xFFFF  }
0x66: {  	[sflag:s0] =	ssyncadd.tile.s32 @!p0 $0x1;
	_ =	shalt  }
.Lfunc_end1:
_tile_overlayer_lowered:
.L_overlay_start_2:
0x67: {  	(tag) =	ssettag $0x2  }
0x68: {  	s0 =	rddreg [dreg:$0x0];
	s2 =	stileid.u32  }
0x69: {  	s1 =	rddreg [dreg:$0x1];
	p0 =	sne.s32 s2, $0x0  }
0x6a: {  	s3 =	rddreg [dreg:$0x2];
	[bflag:$0x3] =	sbarrier.arrive $0xFFFF;
	s2 =	simm.s32 @!p0 $0x1C01  }
0x6b: {  	[timem:s3], [sflag:s2] =	dma.local @!p0 [hbm:s0], s1  }
0x6c: {  	s0 =	simm.s32 @!p0 $0x1  }
0x6d: {  	_ =	swait.ge @!p0 [sflag:s0], s1  }
0x6e: {  	s1 =	ssub.s32 @!p0 $0x0, s1;
	[sflag:s0] =	ssyncset.done @!p0 $0x0  }
0x6f: {  	[sflag:s0] =	ssyncadd.s32 @!p0 s1  }
0x70: {  	[bflag:$0x3] =	sbarrier.arrive $0xFFFF  }
0x71: {  	_ =	shalt  }

// kernel: sparse-core-data-format-call.2.cloned.1.call-start
scs
called_computation.2_lowered:
.L_overlay_start_0:
0x0: {  	s1 =	sld [smem:$0x3FD9]  }
0x1: {  	s2 =	sld [smem:$0x3FFE];
	_ =	sdelay $0x1  }
0x2: {  	s3 =	srdreg.scid  }
0x3: {  	s0 =	sand.u32 $0x1, s3  }
0x4: {  	s17 =	sshll.u32 s0, $0xA;
	s1 =	sadd.s32 s2, s1  }
0x5: {  	s1 =	sadd.s32 s1, s17  }
0x6: {  	[smem:$0x3FBD] =	sst s1  }
0x7: {  	_ = 	snop  }
0x8: {  	(tm) =	ssettm $0x1  }
0x9: {  	s18 =	sld [smem:$0x3FFB];
	_ =	sdelay $0x3  }
0xa: {  	_ =	strace s18  }
0xb: {  	s1 =	sld [smem:$0x3FFC];
	_ =	sdelay $0x3  }
0xc: {  	_ =	strace s1  }
0xd: {  	s1 =	sld [smem:$0x3FFD];
	_ =	sdelay $0x3  }
0xe: {  	_ =	strace s1  }
0xf: {  	_ =	strace $0x8FFFFFFF  }
0x10: {  	s19 =	sld [smem:$0x3FDB];
	_ =	sdelay $0x1  }
0x11: {  	s20 =	simm.s32 $_scs_section_size  }
0x12: {  	s4 =	simm.s32 $_size__tile_overlayer_lowered;
	s5 =	simm.s32 $_tile_overlayer_lowered  }
0x13: {  	s23 =	simm.s32 $0x1BFF;
	s22 =	sshll.u32 s5, $0x1;
	s1 =	sadd.s32 s20, s19  }
0x14: {  	s6 =	simm.s32 $0x0;
	s21 =	sshll.u32 s4, $0x1;
	s4 =	sadd.s32 s22, s1  }
0x15: {  	[timem:s6], [sflag:s23] =	dma.local [hbm:s4], s21  }
0x16: {  	_ =	swait.ge [sflag:s23], s21  }
0x17: {  	s2 =	ssub.s32 $0x0, s21;
	[sflag:s23] =	ssyncset.done $0x0  }
0x18: {  	[sflag:s23] =	ssyncadd.s32 s2;
	_ =	sdelay $0x1  }
0x19: {  	s24 =	simm.s32 $0x1B8B  }
0x1a: {  	_ =	swait.ge [sflag:s24], $0x1  }
0x1b: {  	[sflag:s24] =	ssyncset.done $0x0  }
0x1c: {  	s26 =	simm.s32 $0x1B8E;
	s25 =	sld [smem:$0x3FFE];
	[sflag:s24] =	ssyncadd.s32 $0xFFFFFFFF  }
0x1d: {  	s27 =	simm.s32 $execute0_lowered;
	[smem:$0x3FD2] =	sst s26  }
0x1e: {  	s4 =	sshll.u32 s27, $0x1;
	_ =	strace $0x80000046;
	[dreg:$0x1] =	wrdreg $0xFFFFFFFF  }
0x1f: {  	s28 =	simm.s32 $_size_execute0_lowered;
	s1 =	sadd.s32 s1, s4;
	[dreg:$0x0] =	wrdreg $0x0  }
0x20: {  	s4 =	sshll.u32 s28, $0x1;
	[dreg:$0x2] =	wrdreg s1  }
0x21: {  	[dreg:$0x3] =	wrdreg s4  }
0x22: {  	[dreg:$0x4] =	wrdreg $0xC0  }
0x23: {  	_ =	task [dreg:s6], $0x5FFFF  }
0x24: {  	[dreg:$0x1] =	wrdreg $0xFFFFFFFF  }
0x25: {  	[dreg:$0x0] =	wrdreg $0x60  }
0x26: {  	[dreg:$0x2] =	wrdreg s25  }
0x27: {  	[dreg:$0x3] =	wrdreg $0x9  }
0x28: {  	_ =	task.clear_ibuf [dreg:s6], $0x4FFFF;
	_ =	strace $0x90000046  }
0x29: {  	s29 =	simm.s32 $0x9;
	_ =	strace $0x80000048  }
0x2a: {  	_ =	swait.ge [sflag:s29], $0x1  }
0x2b: {  	[sflag:s29] =	ssyncadd.s32 $0xFFFFFFFF  }
0x2c: {  	_ =	strace $0x90000048  }
0x2d: {  	_ =	sfence  }
0x2e: {  	s30 =	sld [smem:$0x0];
	_ =	sdelay $0x2  }
0x2f: {  	s31 =	sshll.u32 s3, $0xD;
	s3 =	sshrl.u32 s3, $0x2  }
0x30: {  	s2 =	sand.u32 $0x4000, s31;
	s1 =	sadd.s32 s3, s30  }
0x31: {  	s0 =	sor.u32 s2, s0;
	s1 =	sshll.u32 s1, $0x11  }
0x32: {  	s0 =	sor.u32 s1, s0  }
0x33: {  	s0 =	sadd.s32 $0x8F2B, s0  }
0x34: {  	[sflag:s0] =	ssyncadd.remote.s32 $0x1  }
0x35: {  	_ =	sfence.sel $0xFFFF  }
0x36: {  	[dreg:$0x0] =	wrdreg $0xFFFFFFFF;
	(pc) =	sbr.abs _section_cstart, $3  }
0x37: {  	[dreg:$0x1] =	wrdreg $0xFFFFFFFF  }
0x38: {  	_ =	task.clear_ibuf [dreg:s6], $0x2FFFF;
	_ =	strace $0x9FFFFFFF  }
0x39: {  	(tm) =	ssettm $0x7FFFFFFF  }
tec
execute0_lowered:
.L_overlay_start_1:
0x0: {  	(tag) =	ssettag $0x1  }
0x1: {  	s1 =	rddreg [dreg:$0x0]  }
0x2: {  	s0 =	rddreg [dreg:$0x1];
	s3 =	srdreg.scid  }
0x3: {  	_ =	strace $0x80000047;
	s5 =	simm.s32 $0x1;
	s7 =	simm.s32 $0x2  }
0x4: {  	s13 =	simm.s32 $0x0;
	p0 =	por $0x0, $0x0;
	s8 =	simm.s32 $0x4000  }
0x5: {  	s14 =	simm.s32 $0x0;
	s15 =	simm.s32 $0x0;
	s10 =	simm.s32 $0x0  }
.Ltmp0:
0x6: {  	s2 =	sadd.s32 $0x1C00, s1;
	s4 =	sshll.u32 s3, $0x4;
	(pc) =	sbr.rel .LBB1_1-.Ltmp0, $4  }
0x7: {  	s3 =	sadd.s32 $0x481C00, s1;
	s1 =	stileid.u32;
	s4 =	sand.u32 $0x10, s4  }
0x8: {  	s9 =	simm.s32 $0x0;
	[sflag:s5] =	ssyncpa.u1 $0x0;
	s6 =	sor.u32 s1, s4  }
0x9: {  	[sflag:s7] =	ssyncpa.u1 $0x0;
	s4 =	sand.u32 $0x3, s1;
	s6 =	sshrl.u32 s6, $0x2  }
0xa: {  	s7 =	simm.s32 $0x800;
	s12 =	smov.u32 s4;
	s11 =	smov.u32 s6  }
.LBB1_7:
0xb: {  	s16 =	sadd.s32 $0x8, s10  }
0xc: {  	s13 =	sadd.s32 $0x8, s11;
	s17 =	smov.u32 s11;
	p2 =	sgt.s32 s16, $0x2F  }
0xd: {  	s17 =	smov.u32 @p2 s13  }
0xe: {  	s19 =	smov.u32 s12;
	s13 =	sadd.s32 $0x4, s12;
	p3 =	sgt.s32 s17, $0x7  }
0xf: {  	p1 =	slt.u32 s9, $0x2;
	s19 =	smov.u32 @p3 s13  }
0x10: {  	s9 =	sadd.s32 $0x1, s9;
	s16 =	simm.s32 @p2 $0x0;
	p2 =	sgt.s32 s19, $0x2F  }
0x11: {  	s19 =	smov.u32 @p2 s4;
	p2 =	sne.s32 s9, $0x4A  }
.Ltmp1:
0x12: {  	s18 =	simm.s32 @!p1 $0x2;
	(pc) =	sbr.rel @!p2 .LBB1_8-.Ltmp1, $4  }
0x13: {  	s14 =	smov.u32 s11;
	_ =	swait.ge @!p1 [sflag:s18], $0x4000  }
0x14: {  	s15 =	smov.u32 s12;
	p0 =	por !p0, !p0;
	[sflag:s18] =	ssyncset.done @!p1 $0x0  }
0x15: {  	s17 =	smov.u32 @p3 s6;
	s13 =	smov.u32 s10;
	[sflag:s18] =	ssyncadd.s32 @!p1 $0xFFFFC000  }
0x16: {  	s10 =	smov.u32 s16;
	s11 =	smov.u32 s17;
	s12 =	smov.u32 s19  }
.LBB1_1:
0x17: {  	p1 =	sgt.u32 s9, $0x47  }
0x18: {  	s16 =	smul.u32 @!p1 $0x18000, s12  }
0x19: {  	s17 =	smul.u32 @!p1 $0x3000, s11  }
0x1a: {  	s18 =	sxor.u32 @!p1 $0xFFFFFFFF, s9;
	s16 =	sadd.s32 @!p1 s2, s16  }
0x1b: {  	s19 =	sshll.u32 @!p1 s10, $0x8;
	s18 =	sshll.u32 @!p1 s18, $0xE;
	s16 =	sadd.s32 @!p1 s17, s16  }
0x1c: {  	s17 =	sand.u32 @!p1 $0x4000, s18;
	s18 =	simm.s32 @!p1 $0x0;
	s16 =	sadd.s32 @!p1 s19, s16  }
0x1d: {  	[tilespmem:s17], [sflag:$0x1] =	stream.linear.gather @!p1 [hbm4b:s16+s18], $0x4000, $0x38;
	[tilespmem:$0x10000] =	vst v63  }
0x1e: {  	p1 =	seq.s32 s9, $0x0  }
0x1f: {  	p2 =	seq.s32 @!p1 s9, $0x49  }
0x20: {  	p1 =	por p1, p2  }
.Ltmp2:
0x21: {  	_ = 	snop;
	(pc) =	sbr.rel @p1 .LBB1_7-.Ltmp2, $1  }
0x22: {  	_ =	sdelay $0x3  }
0x23: {  	s16 =	simm.s32 $0x1;
	_ =	swait.ge [sflag:s5], $0x4000;
	s19 =	sshll.u32 s9, $0xE  }
0x24: {  	s16 =	simm.s32 @!p0 $0x0;
	[sflag:s5] =	ssyncset.done $0x0;
	s31 =	sand.u32 $0x4000, s19  }
0x25: {  	s19 =	simm.s32 $0x0;
	s16 =	sshll.u32 s16, $0xE;
	[sflag:s5] =	ssyncadd.s32 $0xFFFFC000  }
0x26: {  	s17 =	sor.u32 $0x400, s16;
	s18 =	sor.u32 $0x8470, s16;
	s16 =	sor.u32 $0x8000, s31  }
.LBB1_3:
0x27: {  	v1 =	vmov s17;
	_ =	sdelay $0x3  }
0x28: {  	s20 =	simm.s32 $0x0  }
0x29: {  	v2 =	vld.idx.msk [tilespmem:v1+s20+$0x70 ss:$0x1], $0xffff  }
0x2a: {  	v0 =	vmov s18;
	v3 =	vld.idx.msk [tilespmem:v1+s20+$0xFFFFFC00 ss:$0x1], $0xffff  }
0x2b: {  	v4 =	vld.idx.msk [tilespmem:v1+s20+$0xFFFFFC10 ss:$0x1], $0xffff  }
0x2c: {  	v5 =	vld.idx.msk [tilespmem:v1+s20+$0xFFFFFC20 ss:$0x1], $0xffff  }
0x2d: {  	v6 =	vld.idx.msk [tilespmem:v1+s20+$0xFFFFFC30 ss:$0x1], $0xffff  }
0x2e: {  	v7 =	vld.idx.msk [tilespmem:v1+s20+$0xFFFFFC40 ss:$0x1], $0xffff  }
0x2f: {  	v8 =	vld.idx.msk [tilespmem:v1+s20+$0xFFFFFC50 ss:$0x1], $0xffff;
	[tilespmem:v0+s20+$0x0 ss:$0x1] =	vst.idx.msk $0xffff, v2  }
0x30: {  	v9 =	vld.idx.msk [tilespmem:v1+s20+$0xFFFFFC60 ss:$0x1], $0xffff;
	[tilespmem:v0+s20+$0xFFFFFB90 ss:$0x1] =	vst.idx.msk $0xffff, v3  }
0x31: {  	v10 =	vld.idx.msk [tilespmem:v1+s20+$0xFFFFFC70 ss:$0x1], $0xffff;
	[tilespmem:v0+s20+$0xFFFFFBA0 ss:$0x1] =	vst.idx.msk $0xffff, v4  }
0x32: {  	v11 =	vld.idx.msk [tilespmem:v1+s20+$0x0 ss:$0x1], $0xffff;
	[tilespmem:v0+s20+$0xFFFFFBB0 ss:$0x1] =	vst.idx.msk $0xffff, v5  }
0x33: {  	[tilespmem:v0+s20+$0xFFFFFBC0 ss:$0x1] =	vst.idx.msk $0xffff, v6;
	v2 =	vld.idx.msk [tilespmem:v1+s20+$0x10 ss:$0x1], $0xffff  }
0x34: {  	[tilespmem:v0+s20+$0xFFFFFBD0 ss:$0x1] =	vst.idx.msk $0xffff, v7;
	v3 =	vld.idx.msk [tilespmem:v1+s20+$0x20 ss:$0x1], $0xffff  }
0x35: {  	[tilespmem:v0+s20+$0xFFFFFBE0 ss:$0x1] =	vst.idx.msk $0xffff, v8;
	v4 =	vld.idx.msk [tilespmem:v1+s20+$0x30 ss:$0x1], $0xffff  }
0x36: {  	[tilespmem:v0+s20+$0xFFFFFBF0 ss:$0x1] =	vst.idx.msk $0xffff, v9;
	v5 =	vld.idx.msk [tilespmem:v1+s20+$0x40 ss:$0x1], $0xffff  }
0x37: {  	[tilespmem:v0+s20+$0xFFFFFC00 ss:$0x1] =	vst.idx.msk $0xffff, v10;
	v6 =	vld.idx.msk [tilespmem:v1+s20+$0x50 ss:$0x1], $0xffff  }
0x38: {  	s21 =	simm.s32 $0x80;
	s22 =	simm.s32 $0x400;
	[tilespmem:v0+s20+$0xFFFFFF90 ss:$0x1] =	vst.idx.msk $0xffff, v11;
	v7 =	vld.idx.msk [tilespmem:v1+s20+$0x60 ss:$0x1], $0xffff  }
.LBB1_4:
0x39: {  	p1 =	sne.s32 s22, $0xE00;
	v8 =	vld.idx.msk [tilespmem:v1+s21+$0x70 ss:$0x1], $0xffff;
	[tilespmem:v0+s20+$0xFFFFFFA0 ss:$0x1] =	vst.idx.msk $0xffff, v2  }
0x3a: {  	v2 =	vld.idx.msk [tilespmem:v1+s21+$0xFFFFFC00 ss:$0x1], $0xffff;
	[tilespmem:v0+s20+$0xFFFFFFB0 ss:$0x1] =	vst.idx.msk $0xffff, v3  }
0x3b: {  	v3 =	vld.idx.msk [tilespmem:v1+s21+$0xFFFFFC10 ss:$0x1], $0xffff;
	[tilespmem:v0+s20+$0xFFFFFFC0 ss:$0x1] =	vst.idx.msk $0xffff, v4  }
0x3c: {  	v4 =	vld.idx.msk [tilespmem:v1+s21+$0xFFFFFC20 ss:$0x1], $0xffff;
	[tilespmem:v0+s20+$0xFFFFFFD0 ss:$0x1] =	vst.idx.msk $0xffff, v5  }
0x3d: {  	v5 =	vld.idx.msk [tilespmem:v1+s21+$0xFFFFFC30 ss:$0x1], $0xffff;
	[tilespmem:v0+s20+$0xFFFFFFE0 ss:$0x1] =	vst.idx.msk $0xffff, v6  }
0x3e: {  	v6 =	vld.idx.msk [tilespmem:v1+s21+$0xFFFFFC40 ss:$0x1], $0xffff;
	[tilespmem:v0+s20+$0xFFFFFFF0 ss:$0x1] =	vst.idx.msk $0xffff, v7;
	s20 =	smov.u32 s21  }
0x3f: {  	v7 =	vld.idx.msk [tilespmem:v1+s20+$0xFFFFFC50 ss:$0x1], $0xffff;
	[tilespmem:v0+s20+$0x0 ss:$0x1] =	vst.idx.msk $0xffff, v8  }
0x40: {  	[tilespmem:v0+s20+$0xFFFFFB90 ss:$0x1] =	vst.idx.msk $0xffff, v2;
	v8 =	vld.idx.msk [tilespmem:v1+s20+$0xFFFFFC60 ss:$0x1], $0xffff  }
0x41: {  	[tilespmem:v0+s20+$0xFFFFFBA0 ss:$0x1] =	vst.idx.msk $0xffff, v3;
	v9 =	vld.idx.msk [tilespmem:v1+s20+$0xFFFFFC70 ss:$0x1], $0xffff  }
0x42: {  	[tilespmem:v0+s20+$0xFFFFFBB0 ss:$0x1] =	vst.idx.msk $0xffff, v4;
	v10 =	vld.idx.msk [tilespmem:v1+s20+$0x0 ss:$0x1], $0xffff  }
0x43: {  	[tilespmem:v0+s20+$0xFFFFFBC0 ss:$0x1] =	vst.idx.msk $0xffff, v5;
	v2 =	vld.idx.msk [tilespmem:v1+s20+$0x10 ss:$0x1], $0xffff  }
.Ltmp3:
0x44: {  	[tilespmem:v0+s20+$0xFFFFFBD0 ss:$0x1] =	vst.idx.msk $0xffff, v6;
	v3 =	vld.idx.msk [tilespmem:v1+s20+$0x20 ss:$0x1], $0xffff;
	(pc) =	sbr.rel @p1 .LBB1_4-.Ltmp3, $4  }
0x45: {  	[tilespmem:v0+s20+$0xFFFFFBE0 ss:$0x1] =	vst.idx.msk $0xffff, v7;
	v4 =	vld.idx.msk [tilespmem:v1+s20+$0x30 ss:$0x1], $0xffff  }
0x46: {  	[tilespmem:v0+s20+$0xFFFFFBF0 ss:$0x1] =	vst.idx.msk $0xffff, v8;
	v5 =	vld.idx.msk [tilespmem:v1+s20+$0x40 ss:$0x1], $0xffff  }
0x47: {  	[tilespmem:v0+s20+$0xFFFFFC00 ss:$0x1] =	vst.idx.msk $0xffff, v9;
	v6 =	vld.idx.msk [tilespmem:v1+s20+$0x50 ss:$0x1], $0xffff  }
0x48: {  	s21 =	sshra.s32 s22, $0x2;
	s22 =	sadd.s32 $0x200, s22;
	[tilespmem:v0+s20+$0xFFFFFF90 ss:$0x1] =	vst.idx.msk $0xffff, v10;
	v7 =	vld.idx.msk [tilespmem:v1+s20+$0x60 ss:$0x1], $0xffff  }
0x49: {  	_ =	sdelay $0x3  }
0x4a: {  	[tilespmem:v0+s20+$0xFFFFFFA0 ss:$0x1] =	vst.idx.msk $0xffff, v2  }
0x4b: {  	v48 =	vld.idx.msk [tilespmem:v1+s21+$0x70 ss:$0x1], $0xffff;
	[tilespmem:v0+s20+$0xFFFFFFB0 ss:$0x1] =	vst.idx.msk $0xffff, v3  }
0x4c: {  	v49 =	vld.idx.msk [tilespmem:v1+s21+$0xFFFFFC00 ss:$0x1], $0xffff;
	[tilespmem:v0+s20+$0xFFFFFFC0 ss:$0x1] =	vst.idx.msk $0xffff, v4  }
0x4d: {  	v50 =	vld.idx.msk [tilespmem:v1+s21+$0xFFFFFC10 ss:$0x1], $0xffff;
	[tilespmem:v0+s20+$0xFFFFFFD0 ss:$0x1] =	vst.idx.msk $0xffff, v5  }
0x4e: {  	v51 =	vld.idx.msk [tilespmem:v1+s21+$0xFFFFFC20 ss:$0x1], $0xffff;
	[tilespmem:v0+s20+$0xFFFFFFE0 ss:$0x1] =	vst.idx.msk $0xffff, v6  }
0x4f: {  	v52 =	vld.idx.msk [tilespmem:v1+s21+$0xFFFFFC30 ss:$0x1], $0xffff;
	[tilespmem:v0+s20+$0xFFFFFFF0 ss:$0x1] =	vst.idx.msk $0xffff, v7  }
0x50: {  	v53 =	vld.idx.msk [tilespmem:v1+s21+$0xFFFFFC40 ss:$0x1], $0xffff;
	[tilespmem:v0+s21+$0x0 ss:$0x1] =	vst.idx.msk $0xffff, v48  }
0x51: {  	v54 =	vld.idx.msk [tilespmem:v1+s21+$0xFFFFFC50 ss:$0x1], $0xffff;
	[tilespmem:v0+s21+$0xFFFFFB90 ss:$0x1] =	vst.idx.msk $0xffff, v49  }
0x52: {  	v55 =	vld.idx.msk [tilespmem:v1+s21+$0xFFFFFC60 ss:$0x1], $0xffff;
	[tilespmem:v0+s21+$0xFFFFFBA0 ss:$0x1] =	vst.idx.msk $0xffff, v50  }
0x53: {  	v56 =	vld.idx.msk [tilespmem:v1+s21+$0xFFFFFC70 ss:$0x1], $0xffff;
	[tilespmem:v0+s21+$0xFFFFFBB0 ss:$0x1] =	vst.idx.msk $0xffff, v51  }
0x54: {  	v57 =	vld.idx.msk [tilespmem:v1+s21+$0x0 ss:$0x1], $0xffff;
	[tilespmem:v0+s21+$0xFFFFFBC0 ss:$0x1] =	vst.idx.msk $0xffff, v52  }
0x55: {  	v58 =	vld.idx.msk [tilespmem:v1+s21+$0x10 ss:$0x1], $0xffff;
	[tilespmem:v0+s21+$0xFFFFFBD0 ss:$0x1] =	vst.idx.msk $0xffff, v53  }
0x56: {  	v59 =	vld.idx.msk [tilespmem:v1+s21+$0x20 ss:$0x1], $0xffff;
	[tilespmem:v0+s21+$0xFFFFFBE0 ss:$0x1] =	vst.idx.msk $0xffff, v54  }
0x57: {  	v60 =	vld.idx.msk [tilespmem:v1+s21+$0x30 ss:$0x1], $0xffff;
	[tilespmem:v0+s21+$0xFFFFFBF0 ss:$0x1] =	vst.idx.msk $0xffff, v55  }
0x58: {  	v61 =	vld.idx.msk [tilespmem:v1+s21+$0x40 ss:$0x1], $0xffff;
	[tilespmem:v0+s21+$0xFFFFFC00 ss:$0x1] =	vst.idx.msk $0xffff, v56  }
0x59: {  	v62 =	vld.idx.msk [tilespmem:v1+s21+$0x50 ss:$0x1], $0xffff;
	s19 =	sadd.s32 $0x1, s19;
	[tilespmem:v0+s21+$0xFFFFFF90 ss:$0x1] =	vst.idx.msk $0xffff, v57  }
0x5a: {  	v63 =	vld.idx.msk [tilespmem:v1+s21+$0x60 ss:$0x1], $0xffff;
	p1 =	sne.s32 s19, $0x8;
	[tilespmem:v0+s21+$0xFFFFFFA0 ss:$0x1] =	vst.idx.msk $0xffff, v58  }
.Ltmp4:
0x5b: {  	[tilespmem:v0+s21+$0xFFFFFFB0 ss:$0x1] =	vst.idx.msk $0xffff, v59;
	(pc) =	sbr.rel @p1 .LBB1_3-.Ltmp4, $4  }
0x5c: {  	[tilespmem:v0+s21+$0xFFFFFFC0 ss:$0x1] =	vst.idx.msk $0xffff, v60  }
0x5d: {  	[tilespmem:v0+s21+$0xFFFFFFD0 ss:$0x1] =	vst.idx.msk $0xffff, v61  }
0x5e: {  	[tilespmem:v0+s21+$0xFFFFFFE0 ss:$0x1] =	vst.idx.msk $0xffff, v62  }
0x5f: {  	s17 =	sadd.s32 $0x800, s17;
	s18 =	sadd.s32 $0x800, s18;
	[tilespmem:v0+s21+$0xFFFFFFF0 ss:$0x1] =	vst.idx.msk $0xffff, v63  }
0x60: {  	s15 =	smul.u32 $0x18000, s15  }
.Ltmp5:
0x61: {  	_ = 	snop;
	(pc) =	sbr.rel .LBB1_7-.Ltmp5, $4  }
0x62: {  	s14 =	sshll.u32 s14, $0x8;
	s15 =	sadd.s32 s3, s15  }
0x63: {  	s13 =	sshll.u32 s13, $0xB;
	s14 =	sadd.s32 s14, s15  }
0x64: {  	s13 =	sadd.s32 s13, s14  }
0x65: {  	[hbm4b:s13+s7] =	stream.strided.scatter [tilespmem:s16], [sflag:$0x2], $0x4000, s8, s7, $0x38;
	[tilespmem:$0x10000] =	vst v63  }
.LBB1_8:
0x66: {  	_ =	sfence.sel $0x180000  }
0x67: {  	s2 =	simm.s32 $0x1;
	[bflag:$0x0] =	sbarrier.arrive $0xFFFF  }
0x68: {  	s31 =	simm.s32 $0x2;
	[sflag:s2] =	ssyncpa.u1 $0x1  }
0x69: {  	[sflag:s31] =	ssyncpa.u1 $0x1  }
0x6a: {  	p0 =	sne.s32 s1, $0x0;
	_ =	strace $0x90000047  }
0x6b: {  	s0 =	sadd.s32 @!p0 $0x100000, s0;
	[bflag:$0x2] =	sbarrier.arrive $0xFFFF  }
0x6c: {  	[sflag:s0] =	ssyncadd.tile.s32 @!p0 $0x1;
	_ =	shalt  }
.Lfunc_end1:
_tile_overlayer_lowered:
.L_overlay_start_2:
0x6d: {  	(tag) =	ssettag $0x2  }
0x6e: {  	s0 =	rddreg [dreg:$0x0];
	s2 =	stileid.u32  }
0x6f: {  	s1 =	rddreg [dreg:$0x1];
	p0 =	sne.s32 s2, $0x0  }
0x70: {  	s3 =	rddreg [dreg:$0x2];
	[bflag:$0x3] =	sbarrier.arrive $0xFFFF;
	s2 =	simm.s32 @!p0 $0x1C01  }
0x71: {  	[timem:s3], [sflag:s2] =	dma.local @!p0 [hbm:s0], s1  }
0x72: {  	s0 =	simm.s32 @!p0 $0x1  }
0x73: {  	_ =	swait.ge @!p0 [sflag:s0], s1  }
0x74: {  	s1 =	ssub.s32 @!p0 $0x0, s1;
	[sflag:s0] =	ssyncset.done @!p0 $0x0  }
0x75: {  	[sflag:s0] =	ssyncadd.s32 @!p0 s1  }
0x76: {  	[bflag:$0x3] =	sbarrier.arrive $0xFFFF  }
0x77: {  	_ =	shalt  }

// kernel: sparse-core-data-format-call.cloned.1.call-start
scs
called_computation_lowered:
.L_overlay_start_0:
0x0: {  	s2 =	sld [smem:$0x3FD9]  }
0x1: {  	s3 =	sld [smem:$0x3FFE];
	_ =	sdelay $0x1  }
0x2: {  	s1 =	srdreg.scid  }
0x3: {  	s0 =	sand.u32 $0x1, s1  }
0x4: {  	s18 =	sshll.u32 s0, $0xA;
	s2 =	sadd.s32 s3, s2  }
0x5: {  	s2 =	sadd.s32 s2, s18  }
0x6: {  	[smem:$0x3FBD] =	sst s2  }
0x7: {  	_ = 	snop  }
0x8: {  	s2 =	sld [smem:$0x3FD0];
	(tm) =	ssettm $0x1  }
0x9: {  	s19 =	sld [smem:$0x3FFB];
	_ =	sdelay $0x3  }
0xa: {  	_ =	strace s19  }
0xb: {  	s3 =	sld [smem:$0x3FFC];
	_ =	sdelay $0x3  }
0xc: {  	_ =	strace s3  }
0xd: {  	s3 =	sld [smem:$0x3FFD];
	_ =	sdelay $0x3  }
0xe: {  	_ =	strace s3  }
0xf: {  	_ =	strace $0x8FFFFFFF  }
0x10: {  	s20 =	sld [smem:$0x3FDB];
	_ =	sdelay $0x1  }
0x11: {  	s4 =	simm.s32 $_scs_section_size  }
0x12: {  	s5 =	simm.s32 $_size__tile_overlayer_lowered;
	s6 =	simm.s32 $_tile_overlayer_lowered  }
0x13: {  	s23 =	simm.s32 $0x1BFF;
	s22 =	sshll.u32 s6, $0x1;
	s3 =	sadd.s32 s4, s20  }
0x14: {  	s7 =	simm.s32 $0x0;
	s21 =	sshll.u32 s5, $0x1;
	s5 =	sadd.s32 s22, s3  }
0x15: {  	[timem:s7], [sflag:s23] =	dma.local [hbm:s5], s21  }
0x16: {  	_ =	swait.ge [sflag:s23], s21  }
0x17: {  	s4 =	ssub.s32 $0x0, s21;
	[sflag:s23] =	ssyncset.done $0x0  }
0x18: {  	[sflag:s23] =	ssyncadd.s32 s4;
	_ =	sdelay $0x1  }
0x19: {  	s24 =	simm.s32 $0x1B8B  }
0x1a: {  	_ =	swait.ge [sflag:s24], $0x1  }
0x1b: {  	[sflag:s24] =	ssyncset.done $0x0  }
0x1c: {  	s26 =	simm.s32 $0x1B8E;
	s25 =	sld [smem:$0x3FFE];
	[sflag:s24] =	ssyncadd.s32 $0xFFFFFFFF  }
0x1d: {  	s27 =	simm.s32 $execute0_lowered;
	[smem:$0x3FD2] =	sst s26  }
0x1e: {  	s5 =	sshll.u32 s27, $0x1;
	_ =	strace $0x8000004F;
	[dreg:$0x1] =	wrdreg $0xFFFFFFFF  }
0x1f: {  	s28 =	simm.s32 $_size_execute0_lowered;
	s3 =	sadd.s32 s3, s5;
	[dreg:$0x0] =	wrdreg $0x0  }
0x20: {  	s5 =	sshll.u32 s28, $0x1;
	[dreg:$0x2] =	wrdreg s3  }
0x21: {  	[dreg:$0x3] =	wrdreg s5  }
0x22: {  	[dreg:$0x4] =	wrdreg $0xC0  }
0x23: {  	_ =	task [dreg:s7], $0x5FFFF  }
0x24: {  	[dreg:$0x1] =	wrdreg $0xFFFFFFFF  }
0x25: {  	[dreg:$0x0] =	wrdreg $0x60  }
0x26: {  	[dreg:$0x2] =	wrdreg s25  }
0x27: {  	[dreg:$0x3] =	wrdreg s2  }
0x28: {  	[dreg:$0x4] =	wrdreg $0x9  }
0x29: {  	_ =	task.clear_ibuf [dreg:s7], $0x5FFFF;
	_ =	strace $0x9000004F  }
0x2a: {  	s29 =	simm.s32 $0x9;
	_ =	strace $0x80000051  }
0x2b: {  	_ =	swait.ge [sflag:s29], $0x1  }
0x2c: {  	[sflag:s29] =	ssyncadd.s32 $0xFFFFFFFF  }
0x2d: {  	_ =	strace $0x90000051  }
0x2e: {  	_ =	sfence  }
0x2f: {  	s30 =	sld [smem:$0x0];
	_ =	sdelay $0x2  }
0x30: {  	s31 =	sshll.u32 s1, $0xD;
	s1 =	sshrl.u32 s1, $0x2  }
0x31: {  	s3 =	sand.u32 $0x4000, s31;
	s1 =	sadd.s32 s1, s30  }
0x32: {  	s0 =	sor.u32 s3, s0;
	s1 =	sshll.u32 s1, $0x11  }
0x33: {  	s0 =	sor.u32 s1, s0  }
0x34: {  	s0 =	sadd.s32 $0x8F2B, s0  }
0x35: {  	[sflag:s0] =	ssyncadd.remote.s32 $0x1  }
0x36: {  	_ =	sfence.sel $0xFFFF  }
0x37: {  	[dreg:$0x0] =	wrdreg $0xFFFFFFFF;
	(pc) =	sbr.abs _section_cstart, $3  }
0x38: {  	[dreg:$0x1] =	wrdreg $0xFFFFFFFF  }
0x39: {  	_ =	task.clear_ibuf [dreg:s7], $0x2FFFF;
	_ =	strace $0x9FFFFFFF  }
0x3a: {  	(tm) =	ssettm $0x7FFFFFFF  }
0x3b: {  	_ =	shalt  }
tec
execute0_lowered:
.L_overlay_start_1:
0x0: {  	(tag) =	ssettag $0x1  }
0x1: {  	s1 =	rddreg [dreg:$0x0]  }
0x2: {  	s2 =	rddreg [dreg:$0x1]  }
0x3: {  	s0 =	rddreg [dreg:$0x2]  }
0x4: {  	s4 =	srdreg.scid;
	_ =	strace $0x80000050;
	s6 =	simm.s32 $0x2  }
0x5: {  	s15 =	simm.s32 $0x0;
	p0 =	por $0x0, $0x0;
	s14 =	simm.s32 $0x0  }
0x6: {  	s16 =	simm.s32 $0x0;
	s7 =	simm.s32 $0x0;
	s9 =	simm.s32 $0x0  }
.Ltmp0:
0x7: {  	s10 =	simm.s32 $0x0;
	s11 =	simm.s32 $0x0;
	(pc) =	sbr.rel .LBB1_1-.Ltmp0, $4  }
0x8: {  	s12 =	simm.s32 $0x0;
	s3 =	sadd.s32 $0x1C00, s1;
	s4 =	sshll.u32 s4, $0x4  }
0x9: {  	s1 =	stileid.u32;
	s5 =	sand.u32 $0x10, s4;
	s4 =	simm.s32 $0x1  }
0xa: {  	s8 =	simm.s32 $0x0;
	s5 =	sor.u32 s1, s5;
	[sflag:s4] =	ssyncpa.u1 $0x0  }
0xb: {  	[sflag:s6] =	ssyncpa.u1 $0x0;
	s6 =	simm.s32 $0x24000;
	s13 =	smov.u32 s5  }
.LBB1_5:
0xc: {  	p1 =	slt.u32 s8, $0x2;
	s18 =	smov.u32 s16  }
0xd: {  	p2 =	sgt.s32 @!p1 s15, $0x40;
	s17 =	sshra.s32 @!p1 s15, $0x1F;
	p3 =	sgt.s32 @!p1 s16, $0x17F  }
0xe: {  	s19 =	sshra.s32 @!p1 s16, $0x1F;
	p2 =	por !p2, p1;
	s17 =	sand.u32 @!p1 s17, s15  }
0xf: {  	p3 =	por !p3, p1;
	s16 =	sand.u32 @!p1 s19, s16;
	s19 =	sshra.s32 @!p1 s14, $0x1F  }
0x10: {  	s18 =	simm.s32 @p3 $0x17F;
	p3 =	sgt.s32 @!p1 s14, $0x100;
	s15 =	simm.s32 @p2 $0x40  }
0x11: {  	s16 =	ssub.s32 @!p1 s18, s16;
	p3 =	por !p3, p1;
	s18 =	smov.u32 s14  }
0x12: {  	s14 =	sand.u32 @!p1 s19, s14;
	s15 =	ssub.s32 @!p1 s15, s17;
	s18 =	simm.s32 @p3 $0x100  }
0x13: {  	s17 =	sadd.s32 @!p1 $0xFFFFFE81, s16;
	s16 =	ssub.s32 @!p1 $0x180, s16;
	s14 =	ssub.s32 @!p1 s18, s14  }
0x14: {  	s18 =	sadd.s32 @!p1 $0xFFFFFFC0, s15;
	p2 =	sgt.s32 @!p1 s17, $0x0;
	s17 =	sadd.s32 @!p1 $0xFFFFFF00, s14  }
0x15: {  	s15 =	ssub.s32 @!p1 $0xC0, s15;
	p2 =	por !p2, p1;
	p3 =	sgt.s32 @!p1 s17, $0x7F  }
0x16: {  	s14 =	ssub.s32 @!p1 $0x180, s14;
	s16 =	simm.s32 @!p2 $0x0;
	p2 =	por !p3, p1  }
0x17: {  	s17 =	sadd.s32 $0x80, s11;
	p3 =	sgt.s32 @!p1 s18, $0x7F;
	s14 =	simm.s32 @!p2 $0x0  }
0x18: {  	s18 =	smov.u32 s12;
	p2 =	por !p3, p1;
	s14 =	smul.u32 @!p1 s16, s14  }
0x19: {  	s15 =	simm.s32 @!p2 $0x0;
	p2 =	sgt.s32 s17, $0xBF;
	s16 =	sadd.s32 $0x80, s12  }
0x1a: {  	s19 =	smov.u32 s13;
	s18 =	smov.u32 @p2 s16  }
0x1b: {  	s14 =	smul.u32 @!p1 s15, s14;
	p3 =	sgt.s32 s18, $0x17F;
	s15 =	sadd.s32 $0x20, s13  }
0x1c: {  	s8 =	sadd.s32 $0x1, s8;
	p0 =	por !p0, !p0;
	s19 =	smov.u32 @p3 s15  }
0x1d: {  	s20 =	simm.s32 @!p1 $0x2;
	s17 =	simm.s32 @p2 $0x0;
	p2 =	sgt.s32 s19, $0x17F  }
0x1e: {  	s16 =	smov.u32 s10;
	s19 =	smov.u32 @p2 s5;
	p2 =	sne.s32 s8, $0x4A  }
.Ltmp1:
0x1f: {  	s10 =	smov.u32 s13;
	s18 =	simm.s32 @p3 $0x0;
	(pc) =	sbr.rel @!p2 .LBB1_6-.Ltmp1, $4  }
0x20: {  	s15 =	smov.u32 s7;
	s7 =	smov.u32 s11;
	s14 =	sand.u32 @!p1 $0x3FFFFFFF, s14  }
0x21: {  	s11 =	smov.u32 s17;
	_ =	swait.ge @!p1 [sflag:s20], s14;
	s21 =	ssub.s32 @!p1 $0x0, s14  }
0x22: {  	s14 =	smov.u32 s9;
	s9 =	smov.u32 s12;
	[sflag:s20] =	ssyncset.done @!p1 $0x0  }
0x23: {  	s12 =	smov.u32 s18;
	s13 =	smov.u32 s19;
	[sflag:s20] =	ssyncadd.s32 @!p1 s21  }
.LBB1_1:
0x24: {  	p1 =	sgt.u32 s8, $0x47  }
0x25: {  	s17 =	sshll.u32 @!p1 s12, $0x8;
	s18 =	sshll.u32 @!p1 s11, $0x3  }
0x26: {  	s19 =	sshll.u32 @!p1 s12, $0x7;
	s17 =	sand.u32 @!p1 $0xFFFFF800, s17;
	s18 =	sand.u32 @!p1 $0xFFFFFC00, s18  }
0x27: {  	s17 =	sadd.s32 @!p1 s17, s18;
	s18 =	sand.u32 @!p1 $0x300, s19  }
0x28: {  	s17 =	sor.u32 @!p1 s18, s17  }
0x29: {  	s17 =	sshrl.u32 @!p1 s17, $0x8  }
0x2a: {  	s18 =	smulhi.u32 @!p1 $0xAAAAAB, s17  }
0x2b: {  	s20 =	sxor.u32 @!p1 $0xFFFFFFFF, s8;
	s21 =	sand.u32 @!p1 $0x78, s11;
	s22 =	smul.u32 @!p1 $0x3000, s13  }
0x2c: {  	s20 =	sshll.u32 @!p1 s20, $0xE;
	s19 =	sand.u32 @!p1 $0x80, s19;
	s18 =	smul.u32 @!p1 $0x180, s18  }
0x2d: {  	s20 =	sand.u32 @!p1 $0x4000, s20;
	s19 =	sor.u32 @!p1 s21, s19;
	s21 =	sand.u32 @!p1 $0x7, s11  }
0x2e: {  	s17 =	ssub.s32 @!p1 s17, s18;
	s18 =	sshrl.u32 @!p1 s19, $0x3;
	s19 =	sadd.s32 @!p1 s3, s22  }
0x2f: {  	s17 =	sshll.u32 @!p1 s17, $0x5;
	s18 =	sadd.s32 @!p1 s18, s19;
	s19 =	sshll.u32 @!p1 s21, $0x12  }
0x30: {  	s17 =	sadd.s32 @!p1 s17, s18;
	s18 =	sor.u32 @!p1 $0x400, s19;
	s19 =	simm.s32 @!p1 $0x800  }
0x31: {  	[tilespmem:s20], [sflag:$0x1] =	stream.strided.gather @!p1 [hbm4b:s17+s18], $0x4000, s19, s18, $0x38;
	[tilespmem:$0x10100] =	vst v63  }
0x32: {  	p1 =	seq.s32 s8, $0x0  }
0x33: {  	p2 =	seq.s32 @!p1 s8, $0x49  }
0x34: {  	p1 =	por p1, p2  }
.Ltmp2:
0x35: {  	_ = 	snop;
	(pc) =	sbr.rel @p1 .LBB1_5-.Ltmp2, $1  }
0x36: {  	_ =	sdelay $0x3  }
0x37: {  	s17 =	simm.s32 $0x1  }
0x38: {  	_ =	swait.ge [sflag:s4], $0x4000;
	s17 =	simm.s32 @!p0 $0x0  }
0x39: {  	[sflag:s4] =	ssyncset.done $0x0;
	s18 =	sshll.u32 s17, $0xE  }
0x3a: {  	[sflag:s4] =	ssyncadd.s32 $0xFFFFC000;
	s18 =	sor.u32 $0x40, s18  }
0x3b: {  	s17 =	smul.u32 $0x10200, s17;
	v0 =	vld [tilespmem:s18+$0x30]  }
0x3c: {  	v1 =	vld [tilespmem:s18+$0xFFFFFFD0]  }
0x3d: {  	s17 =	sshrl.u32 s17, $0x2;
	v5 =	vld [tilespmem:s18+$0xFFFFFFE0]  }
0x3e: {  	v6 =	vld [tilespmem:s18+$0xFFFFFFF0];
	s20 =	sor.u32 $0x8000, s17  }
0x3f: {  	s31 =	sand.u32 $0x1, s8;
	v4 =	vld [tilespmem:s18+$0x0];
	s19 =	sadd.s32 $0x0, s20  }
0x40: {  	v3 =	vld [tilespmem:s18+$0x10];
	s17 =	smul.u32 $0x10200, s31;
	[tilespmem:s19+$0x3870 ss:$0x81] =	vst.msk $0xffff, v0  }
0x41: {  	v2 =	vld [tilespmem:s18+$0x20];
	[tilespmem:s19+$0x810 ss:$0x81] =	vst.msk $0xffff, v1  }
0x42: {  	s17 =	sshrl.u32 s17, $0x2;
	v1 =	vld [tilespmem:s18+$0xFFFFFFC0];
	[tilespmem:s19+$0x1020 ss:$0x81] =	vst.msk $0xffff, v5;
	s18 =	sadd.s32 $0x80, s18  }
0x43: {  	s21 =	simm.s32 $0x4;
	s22 =	simm.s32 $0x8;
	s17 =	sor.u32 $0x8000, s17;
	[tilespmem:s19+$0x1830 ss:$0x81] =	vst.msk $0xffff, v6;
	v0 =	vld [tilespmem:s18+$0x30]  }
.LBB1_3:
0x44: {  	p1 =	sne.s32 s22, $0x1FC;
	v5 =	vld [tilespmem:s18+$0xFFFFFFD0];
	[tilespmem:s19+$0x2040 ss:$0x81] =	vst.msk $0xffff, v4  }
0x45: {  	v6 =	vld [tilespmem:s18+$0xFFFFFFE0];
	[tilespmem:s19+$0x2850 ss:$0x81] =	vst.msk $0xffff, v3  }
0x46: {  	s23 =	sshra.s32 s21, $0x2;
	s21 =	smov.u32 s22;
	v7 =	vld [tilespmem:s18+$0xFFFFFFF0];
	[tilespmem:s19+$0x3060 ss:$0x81] =	vst.msk $0xffff, v2  }
.Ltmp3:
0x47: {  	v4 =	vld [tilespmem:s18+$0x0];
	[tilespmem:s19+$0x0 ss:$0x81] =	vst.msk $0xffff, v1;
	s19 =	sadd.s32 s23, s20;
	(pc) =	sbr.rel @p1 .LBB1_3-.Ltmp3, $4  }
0x48: {  	v3 =	vld [tilespmem:s18+$0x10];
	[tilespmem:s19+$0x3870 ss:$0x81] =	vst.msk $0xffff, v0  }
0x49: {  	[tilespmem:s19+$0x810 ss:$0x81] =	vst.msk $0xffff, v5;
	v2 =	vld [tilespmem:s18+$0x20]  }
0x4a: {  	v1 =	vld [tilespmem:s18+$0xFFFFFFC0];
	[tilespmem:s19+$0x1020 ss:$0x81] =	vst.msk $0xffff, v6;
	s18 =	sadd.s32 $0x80, s18  }
0x4b: {  	s22 =	sadd.s32 $0x4, s22;
	v0 =	vld [tilespmem:s18+$0x30];
	[tilespmem:s19+$0x1830 ss:$0x81] =	vst.msk $0xffff, v7  }
0x4c: {  	s22 =	sshrl.u32 s10, $0x3  }
0x4d: {  	s23 =	sshll.u32 s9, $0x3;
	s24 =	sshll.u32 s10, $0x7;
	s28 =	sand.u32 $0x7F, s9  }
0x4e: {  	s21 =	sshra.s32 s21, $0x2;
	p1 =	sgt.s32 s10, $0x17F;
	s25 =	smov.u32 s10  }
0x4f: {  	s26 =	sshra.s32 s10, $0x1F;
	s31 =	sshra.s32 s7, $0x1F;
	s22 =	smul.u32 $0xC00, s22  }
0x50: {  	s23 =	sand.u32 $0xFFFFFC00, s23;
	s27 =	sand.u32 $0x380, s24;
	s20 =	sadd.s32 s21, s20  }
0x51: {  	[tilespmem:s19+$0x2040 ss:$0x81] =	vst.msk $0xffff, v4;
	s25 =	simm.s32 @!p1 $0x17F;
	p1 =	sgt.s32 s9, $0x100;
	s26 =	sand.u32 s26, s10  }
0x52: {  	[tilespmem:s19+$0x2850 ss:$0x81] =	vst.msk $0xffff, v3;
	s25 =	ssub.s32 s25, s26;
	s26 =	smov.u32 s7;
	s22 =	sadd.s32 s22, s23  }
0x53: {  	[tilespmem:s19+$0x3060 ss:$0x81] =	vst.msk $0xffff, v2;
	s29 =	sadd.s32 $0xFFFFFE81, s25;
	s25 =	ssub.s32 $0x180, s25;
	s22 =	sor.u32 s27, s22  }
0x54: {  	[tilespmem:s19+$0x0 ss:$0x81] =	vst.msk $0xffff, v1;
	s19 =	sand.u32 s31, s7;
	s27 =	smov.u32 s9;
	s23 =	sor.u32 s28, s22  }
0x55: {  	s22 =	smulhi.u32 $0xAAAAAAAB, s22;
	s27 =	simm.s32 @!p1 $0x100;
	s28 =	sshra.s32 s9, $0x1F  }
0x56: {  	v5 =	vld [tilespmem:s18+$0xFFFFFFD0];
	p1 =	sgt.s32 s7, $0x40;
	s24 =	smulhi.u32 $0xAAAAAAAB, s23;
	s28 =	sand.u32 s28, s9  }
0x57: {  	v58 =	vld [tilespmem:s18+$0xFFFFFFE0];
	s26 =	simm.s32 @!p1 $0x40;
	p1 =	sgt.s32 s29, $0x0;
	s21 =	sshrl.u32 s22, $0x8  }
0x58: {  	v59 =	vld [tilespmem:s18+$0xFFFFFFF0];
	s27 =	ssub.s32 s27, s28;
	s22 =	sshrl.u32 s24, $0x8;
	s24 =	smulhi.u32 $0xAAAAAB, s21  }
0x59: {  	v60 =	vld [tilespmem:s18+$0x0];
	s25 =	simm.s32 @p1 $0x0;
	s28 =	smul.u32 $0x4800, s7;
	s30 =	sadd.s32 $0xFFFFFF00, s27  }
0x5a: {  	v61 =	vld [tilespmem:s18+$0x10];
	[tilespmem:s20+$0x3870 ss:$0x81] =	vst.msk $0xffff, v0;
	s27 =	ssub.s32 $0x180, s27;
	p1 =	sgt.s32 s30, $0x7F;
	s24 =	smul.u32 $0x180, s24  }
0x5b: {  	v62 =	vld [tilespmem:s18+$0x20];
	[tilespmem:s20+$0x810 ss:$0x81] =	vst.msk $0xffff, v5;
	s19 =	ssub.s32 s26, s19;
	s22 =	smul.u32 $0x180, s22;
	s27 =	simm.s32 @p1 $0x0  }
0x5c: {  	v63 =	vld [tilespmem:s18+$0xFFFFFFC0];
	[tilespmem:s20+$0x1020 ss:$0x81] =	vst.msk $0xffff, v58;
	s26 =	smul.u32 s25, s27;
	s27 =	sadd.s32 $0xFFFFFFC0, s19;
	s21 =	ssub.s32 s21, s24  }
0x5d: {  	[tilespmem:s20+$0x1830 ss:$0x81] =	vst.msk $0xffff, v59;
	s19 =	ssub.s32 $0xC0, s19;
	p1 =	sgt.s32 s27, $0x7F;
	s18 =	smul.u32 $0x30, s21  }
.Ltmp4:
0x5e: {  	[tilespmem:s20+$0x2040 ss:$0x81] =	vst.msk $0xffff, v60;
	s22 =	ssub.s32 s23, s22;
	s19 =	simm.s32 @p1 $0x0;
	(pc) =	sbr.rel .LBB1_5-.Ltmp4, $4  }
0x5f: {  	[tilespmem:s20+$0x2850 ss:$0x81] =	vst.msk $0xffff, v61;
	s29 =	sadd.s32 s2, s28;
	s23 =	sand.u32 $0x7, s22;
	s19 =	smul.u32 s19, s26  }
0x60: {  	[tilespmem:s20+$0x3060 ss:$0x81] =	vst.msk $0xffff, v62;
	s22 =	sshrl.u32 s22, $0x3;
	s30 =	sshll.u32 s23, $0x12;
	s18 =	sadd.s32 s18, s29  }
0x61: {  	[tilespmem:s20+$0x0 ss:$0x81] =	vst.msk $0xffff, v63;
	s31 =	sor.u32 $0x80, s30;
	s19 =	sand.u32 $0x3FFFFFFF, s19;
	s18 =	sadd.s32 s22, s18  }
0x62: {  	[hbm4b:s18+s31] =	stream.strided.scatter [tilespmem:s17], [sflag:$0x2], s19, s6, s31, $0x20;
	[tilespmem:$0x10100] =	vst v63  }
.LBB1_6:
0x63: {  	_ =	sfence.sel $0x180000  }
0x64: {  	s2 =	simm.s32 $0x1;
	[bflag:$0x0] =	sbarrier.arrive $0xFFFF  }
0x65: {  	s31 =	simm.s32 $0x2;
	[sflag:s2] =	ssyncpa.u1 $0x1  }
0x66: {  	[sflag:s31] =	ssyncpa.u1 $0x1  }
0x67: {  	p0 =	sne.s32 s1, $0x0;
	_ =	strace $0x90000050  }
0x68: {  	s0 =	sadd.s32 @!p0 $0x100000, s0;
	[bflag:$0x2] =	sbarrier.arrive $0xFFFF  }
0x69: {  	[sflag:s0] =	ssyncadd.tile.s32 @!p0 $0x1;
	_ =	shalt  }
.Lfunc_end1:
_tile_overlayer_lowered:
.L_overlay_start_2:
0x6a: {  	(tag) =	ssettag $0x2  }
0x6b: {  	s0 =	rddreg [dreg:$0x0];
	s2 =	stileid.u32  }
0x6c: {  	s1 =	rddreg [dreg:$0x1];
	p0 =	sne.s32 s2, $0x0  }
0x6d: {  	s3 =	rddreg [dreg:$0x2];
	[bflag:$0x3] =	sbarrier.arrive $0xFFFF;
	s2 =	simm.s32 @!p0 $0x1C01  }
0x6e: {  	[timem:s3], [sflag:s2] =	dma.local @!p0 [hbm:s0], s1  }
0x6f: {  	s0 =	simm.s32 @!p0 $0x1  }
0x70: {  	_ =	swait.ge @!p0 [sflag:s0], s1  }
0x71: {  	s1 =	ssub.s32 @!p0 $0x0, s1;
	[sflag:s0] =	ssyncset.done @!p0 $0x0  }
0x72: {  	[sflag:s0] =	ssyncadd.s32 @!p0 s1  }
0x73: {  	[bflag:$0x3] =	sbarrier.arrive $0xFFFF  }
0x74: {  	_ =	shalt  }

</sc_bundles>
